<compile_context>
chip_gen: v7x
topology: tpu7x:2x2x1
jax: 0.10.2.dev20260603
libtpu: 0.0.44.dev20260713+nightly
codegen_flags: <defaults>
</compile_context>

<pallas_src>
import functools

import jax
import jax.numpy as jnp
from jax import lax
from jax.experimental import pallas as pl
from jax.experimental.pallas import tpu as pltpu
from jax.experimental.pallas import tpu_sc as plsc

N_NODES = 10000
N_EDGES = 320000
D_IN = 128
HID = 8
HEADS = 8
HD = HEADS * HID

NT = 10112
ROW = HD + 16
ADW = 16
K = 128
NC, NS = 2, 16
NW = NC * NS
E_TOT = N_EDGES + N_NODES
NB = ((E_TOT + NW * K - 1) // (NW * K) + 1) // 2 * 2
EPW = NB * K
EPAD = NW * EPW
RPT = NT // NS

EROWS = N_EDGES // K
TROWS = (EPAD - N_EDGES) // K
BW = N_EDGES // EPW
BOFF = BW * NB
BSPLIT = EROWS - BOFF
BREM = NB - BSPLIT


def _dense_prologue(x, W1, asrc_flat, adst_flat):
    blk = 2000
    grid = N_NODES // blk

    def body(x_ref, w_ref, as_ref, ad_ref, hs_ref, ad_out_ref):
        h = jnp.dot(x_ref[...], w_ref[...], preferred_element_type=jnp.float32)
        pr = lax.broadcasted_iota(jnp.int32, (HD, HD), 0)
        pc = lax.broadcasted_iota(jnp.int32, (HD, HD), 1)
        perm = (pr == (pc % HEADS) * HID + pc // HEADS).astype(jnp.float32)
        h_perm = jnp.dot(h, perm, preferred_element_type=jnp.float32)
        qr = lax.broadcasted_iota(jnp.int32, (HD, 16), 0)
        qc = lax.broadcasted_iota(jnp.int32, (HD, 16), 1)
        PR = (qr // HID == qc % HEADS).astype(jnp.float32)
        a_s = jnp.dot(h * as_ref[...], PR, preferred_element_type=jnp.float32)
        a_d = jnp.dot(h * ad_ref[...], PR, preferred_element_type=jnp.float32)
        hs_ref[...] = jnp.concatenate([h_perm, a_s], axis=1)
        ad_out_ref[...] = a_d

    return pl.pallas_call(
        body,
        grid=(grid,),
        in_specs=[
            pl.BlockSpec((blk, D_IN), lambda i: (i, 0)),
            pl.BlockSpec((D_IN, HD), lambda i: (0, 0)),
            pl.BlockSpec((1, HD), lambda i: (0, 0)),
            pl.BlockSpec((1, HD), lambda i: (0, 0)),
        ],
        out_specs=[
            pl.BlockSpec((blk, ROW), lambda i: (i, 0)),
            pl.BlockSpec((blk, ADW), lambda i: (i, 0)),
        ],
        out_shape=[
            jax.ShapeDtypeStruct((NT, ROW), jnp.float32),
            jax.ShapeDtypeStruct((NT, ADW), jnp.float32),
        ],
    )(x, W1, asrc_flat, adst_flat)


def _sc_edge_pass(hs, ad, ei_rows, tail_rows):
    mesh = plsc.VectorSubcoreMesh(core_axis_name="c", subcore_axis_name="s")

    @functools.partial(
        pl.kernel,
        mesh=mesh,
        out_type=jax.ShapeDtypeStruct((NC, NT, ROW), jnp.float32),
        scratch_types=[
            pltpu.VMEM((NB, K), jnp.int32),
            pltpu.VMEM((NB, K), jnp.int32),
            pltpu.VMEM((2, K, ROW), jnp.float32),
            pltpu.VMEM((2, K, ADW), jnp.float32),
            pltpu.VMEM((2, K, ROW), jnp.float32),
            pltpu.VMEM_SHARED((NT, ROW), jnp.float32),
            pltpu.SemaphoreType.DMA,
            pltpu.SemaphoreType.DMA,
            pltpu.SemaphoreType.DMA,
            pltpu.SemaphoreType.DMA,
            pltpu.SemaphoreType.DMA,
            pltpu.SemaphoreType.DMA,
        ],
        compiler_params=pltpu.CompilerParams(use_tc_tiling_on_sc=False),
    )
    def body(hs_hbm, ad_hbm, ei_hbm, tail_hbm, out_hbm,
             src_all, dst_all, S_v, D_v, W_v, acc, gs0, gs1, gd0, gd1,
             ss0, ss1):
        c = lax.axis_index("c")
        s = lax.axis_index("s")
        wid = s * NC + c
        r0 = s * RPT

        @plsc.parallel_loop(0, K)
        def zero_body(e):
            zv = jnp.zeros((16,), jnp.float32)
            for q in range(2):
                for v in range(5):
                    W_v[q, e, pl.ds(16 * v, 16)] = zv

        for q in range(4):
            pltpu.sync_copy(W_v.at[q % 2], acc.at[pl.ds(r0 + q * K, K)])
        pltpu.sync_copy(W_v.at[0, pl.ds(0, RPT - 4 * K)],
                        acc.at[pl.ds(r0 + 4 * K, RPT - 4 * K)])

        @pl.when(wid < BW)
        def _():
            pltpu.sync_copy(ei_hbm.at[0, pl.ds(wid * NB, NB)], src_all)
            pltpu.sync_copy(ei_hbm.at[1, pl.ds(wid * NB, NB)], dst_all)

        @pl.when(wid == BW)
        def _():
            pltpu.sync_copy(ei_hbm.at[0, pl.ds(BOFF, BSPLIT)],
                            src_all.at[pl.ds(0, BSPLIT)])
            pltpu.sync_copy(ei_hbm.at[1, pl.ds(BOFF, BSPLIT)],
                            dst_all.at[pl.ds(0, BSPLIT)])
            pltpu.sync_copy(tail_hbm.at[pl.ds(0, BREM)],
                            src_all.at[pl.ds(BSPLIT, BREM)])
            pltpu.sync_copy(tail_hbm.at[pl.ds(0, BREM)],
                            dst_all.at[pl.ds(BSPLIT, BREM)])

        @pl.when(wid == BW + 1)
        def _():
            pltpu.sync_copy(tail_hbm.at[pl.ds(BREM, NB)], src_all)
            pltpu.sync_copy(tail_hbm.at[pl.ds(BREM, NB)], dst_all)

        plsc.subcore_barrier()

        gsem = (gs0, gs1)
        gdem = (gd0, gd1)
        ssem = (ss0, ss1)

        def issue(j, r):
            pltpu.async_copy(hs_hbm.at[src_all.at[j]], S_v.at[r], gsem[r])
            pltpu.async_copy(ad_hbm.at[dst_all.at[j]], D_v.at[r], gdem[r])

        issue(0, 0)

        def pair_body(jj, carry):
            for b in range(2):
                j = 2 * jj + b
                r = b
                jn = jnp.minimum(j + 1, NB - 1)
                issue(jn, 1 - r)
                pltpu.make_async_copy(hs_hbm.at[src_all.at[j]],
                                      S_v.at[r], gsem[r]).wait()
                pltpu.make_async_copy(ad_hbm.at[dst_all.at[j]],
                                      D_v.at[r], gdem[r]).wait()

                @pl.when(jj > 0)
                def _():
                    pltpu.make_async_copy(
                        W_v.at[r], acc.at[dst_all.at[j]], ssem[r]).wait()

                @plsc.parallel_loop(0, K, unroll=8)
                def edge_body(e):
                    asv = S_v[r, e, pl.ds(HD, 16)]
                    adv = D_v[r, e, pl.ds(0, 16)]
                    al = asv + adv
                    al = jnp.maximum(al, al * jnp.float32(0.2))
                    ex = jnp.exp(al)
                    W_v[r, e, pl.ds(HD, 16)] = ex
                    for v in range(4):
                        hv = S_v[r, e, pl.ds(16 * v, 16)]
                        W_v[r, e, pl.ds(16 * v, 16)] = hv * ex

                pltpu.async_copy(W_v.at[r], acc.at[dst_all.at[j]],
                                 ssem[r], add=True)
            return carry

        lax.fori_loop(0, NB // 2, pair_body, 0)
        pltpu.make_async_copy(hs_hbm.at[src_all.at[NB - 1]],
                              S_v.at[0], gsem[0]).wait()
        pltpu.make_async_copy(ad_hbm.at[dst_all.at[NB - 1]],
                              D_v.at[0], gdem[0]).wait()
        pltpu.make_async_copy(W_v.at[0], acc.at[dst_all.at[NB - 2]],
                              ssem[0]).wait()
        pltpu.make_async_copy(W_v.at[1], acc.at[dst_all.at[NB - 1]],
                              ssem[1]).wait()
        plsc.subcore_barrier()
        pltpu.sync_copy(acc.at[pl.ds(r0, RPT)], out_hbm.at[c, pl.ds(r0, RPT)])

    return body(hs, ad, ei_rows, tail_rows)


def _epilogue(partials, b1_row):
    blk = 2000
    grid = N_NODES // blk

    def body(p_ref, b_ref, o_ref):
        acc = p_ref[0] + p_ref[1]
        num_p = acc[:, :HD]
        den16 = acc[:, HD:]
        tr = lax.broadcasted_iota(jnp.int32, (16, HD), 0)
        tc = lax.broadcasted_iota(jnp.int32, (16, HD), 1)
        T = (tr == tc % 16).astype(jnp.float32)
        den_p = jnp.dot(den16, T, preferred_element_type=jnp.float32)
        o_p = num_p / (den_p + jnp.float32(1e-16))
        ur = lax.broadcasted_iota(jnp.int32, (HD, HD), 0)
        uc = lax.broadcasted_iota(jnp.int32, (HD, HD), 1)
        U = (uc == (ur % HEADS) * HID + ur // HEADS).astype(jnp.float32)
        o = jnp.dot(o_p, U, preferred_element_type=jnp.float32) + b_ref[...]
        o_ref[...] = jnp.where(o > 0, o, jnp.exp(o) - jnp.float32(1.0))

    return pl.pallas_call(
        body,
        grid=(grid,),
        in_specs=[
            pl.BlockSpec((NC, blk, ROW), lambda i: (0, i, 0)),
            pl.BlockSpec((1, HD), lambda i: (0, 0)),
        ],
        out_specs=pl.BlockSpec((blk, HD), lambda i: (i, 0)),
        out_shape=jax.ShapeDtypeStruct((N_NODES, HD), jnp.float32),
    )(partials, b1_row)


def kernel(x, edge_index, edge_attr, W1, att_src1, att_dst1, b1,
           W2, att_src2, att_dst2, b2):
    del edge_attr, W2, att_src2, att_dst2, b2
    n = x.shape[0]
    asrc_flat = att_src1.reshape(1, HD)
    adst_flat = att_dst1.reshape(1, HD)

    hs, ad = _dense_prologue(x, W1, asrc_flat, adst_flat)

    tail = jnp.concatenate([
        jnp.arange(n, dtype=jnp.int32),
        n + jnp.arange(EPAD - E_TOT, dtype=jnp.int32) % jnp.int32(NT - n),
    ]).reshape(TROWS, K)
    ei_rows = edge_index.reshape(2, EROWS, K)

    partials = _sc_edge_pass(hs, ad, ei_rows, tail)

    return _epilogue(partials, b1.reshape(1, HD))

# --- scband reference (transcript-rebuilt; emitter-appended) ---
"""Pipeline reference for scband-gat-3968549782307 (READ-ONLY COPY).

The authoritative reference and input builder live on the scoring server;
editing this copy changes nothing except your own understanding.
"""

import jax, jax.numpy as jnp
import numpy as np

N_NODES = 10000
N_EDGES = 320000
D_IN = 128
HID = 8
HEADS = 8
D_OUT = 64


def gat_conv(x, edge_index, W, att_src, att_dst, bias, heads, out_ch, concat):
    # Faithful PyG GATConv (add_self_loops=True, negative_slope=0.2, eval-mode so no dropout)
    n = x.shape[0]
    loops = jnp.arange(n, dtype=edge_index.dtype)
    ei = jnp.concatenate([edge_index, jnp.stack([loops, loops], axis=0)], axis=1)
    src, dst = ei[0], ei[1]
    h = (x @ W).reshape(n, heads, out_ch)
    a_src = (h * att_src).sum(-1)  # [n, H]
    a_dst = (h * att_dst).sum(-1)  # [n, H]
    alpha = a_src[src] + a_dst[dst]  # [E, H]
    alpha = jax.nn.leaky_relu(alpha, negative_slope=0.2)
    amax = jax.ops.segment_max(alpha, dst, num_segments=n)
    amax = jnp.where(jnp.isfinite(amax), amax, 0.0)
    ex = jnp.exp(alpha - amax[dst])
    denom = jax.ops.segment_sum(ex, dst, num_segments=n)
    att = ex / (denom[dst] + 1e-16)
    out = jax.ops.segment_sum(h[src] * att[:, :, None], dst, num_segments=n)
    if concat:
        out = out.reshape(n, heads * out_ch)
    else:
        out = out.mean(axis=1)
    return out + bias


def setup_inputs(seed: int = 0):
    key = jax.random.key(seed)
    ks = jax.random.split(key, 12)
    x = jax.random.normal(ks[0], (N_NODES, D_IN), dtype=jnp.float32)
    edge_index = jax.random.randint(ks[1], (2, N_EDGES), 0, N_NODES, dtype=jnp.int32)
    edge_attr = jax.random.normal(ks[2], (N_EDGES, 4), dtype=jnp.float32)
    W1 = jax.random.normal(ks[3], (D_IN, HEADS * HID), dtype=jnp.float32) / np.sqrt(D_IN)
    att_src1 = jax.random.normal(ks[4], (1, HEADS, HID), dtype=jnp.float32) * 0.1
    att_dst1 = jax.random.normal(ks[5], (1, HEADS, HID), dtype=jnp.float32) * 0.1
    b1 = jnp.zeros((HEADS * HID,), dtype=jnp.float32)
    W2 = jax.random.normal(ks[6], (HEADS * HID, D_OUT), dtype=jnp.float32) / np.sqrt(HEADS * HID)
    att_src2 = jax.random.normal(ks[7], (1, 1, D_OUT), dtype=jnp.float32) * 0.1
    att_dst2 = jax.random.normal(ks[8], (1, 1, D_OUT), dtype=jnp.float32) * 0.1
    b2 = jnp.zeros((D_OUT,), dtype=jnp.float32)
    return {"x": x, "edge_index": edge_index, "edge_attr": edge_attr,
            "W1": W1, "att_src1": att_src1, "att_dst1": att_dst1, "b1": b1,
            "W2": W2, "att_src2": att_src2, "att_dst2": att_dst2, "b2": b2}


def reference(x, edge_index, edge_attr, W1, att_src1, att_dst1, b1, W2, att_src2, att_dst2, b2):
    # eval mode: F.dropout is identity; edge_attr is unpacked from data but never used
    o1 = jax.nn.elu(gat_conv(x, edge_index, W1, att_src1, att_dst1, b1, HEADS, HID, True))
    # second layer is computed in the torch forward but discarded (module returns outputs[-2])
    o2 = gat_conv(o1, edge_index, W2, att_src2, att_dst2, b2, 1, D_OUT, False)
    return o1

if __name__ == "__main__":
    import jax
    _d = setup_inputs()
    print(jax.jit(kernel)(*tuple(_d.values())))

</pallas_src>

<mosaic_0001>
#map = affine_map<(d0, d1) -> (0, 0)>
#map1 = affine_map<(d0, d1) -> (0, 0, 0)>
module attributes {stable_mosaic.version = 14 : i64} {
  func.func @body(%arg0: i32, %arg1: i32, %arg2: memref<10112x80xf32, #tpu.memory_space<hbm>>, %arg3: memref<10112x16xf32, #tpu.memory_space<hbm>>, %arg4: memref<2x2500x128xi32, #tpu.memory_space<hbm>>, %arg5: memref<124x128xi32, #tpu.memory_space<hbm>>, %arg6: memref<2x10112x80xf32, #tpu.memory_space<hbm>>, %arg7: memref<82x128xi32, #tpu.memory_space<vmem>>, %arg8: memref<82x128xi32, #tpu.memory_space<vmem>>, %arg9: memref<2x128x80xf32, #tpu.memory_space<vmem>>, %arg10: memref<2x128x16xf32, #tpu.memory_space<vmem>>, %arg11: memref<2x128x80xf32, #tpu.memory_space<vmem>>, %arg12: memref<10112x80xf32, #tpu.memory_space<vmem_shared>>, %arg13: memref<!tpu.dma_semaphore, #tpu.memory_space<semaphore_mem>>, %arg14: memref<!tpu.dma_semaphore, #tpu.memory_space<semaphore_mem>>, %arg15: memref<!tpu.dma_semaphore, #tpu.memory_space<semaphore_mem>>, %arg16: memref<!tpu.dma_semaphore, #tpu.memory_space<semaphore_mem>>, %arg17: memref<!tpu.dma_semaphore, #tpu.memory_space<semaphore_mem>>, %arg18: memref<!tpu.dma_semaphore, #tpu.memory_space<semaphore_mem>>) attributes {dimension_semantics = [#tpu.dimension_semantics<core_parallel>, #tpu.dimension_semantics<subcore_parallel>], iteration_bounds = array<i64: 2, 16>, scalar_prefetch = 0 : i64, scratch_operands = 12 : i64, tpu.core_type = #tpu.core_type<sc_vector_subcore>, window_params = [{transform_indices = #map}, {transform_indices = #map}, {transform_indices = #map1}, {transform_indices = #map}, {transform_indices = #map1}]} {
    %mul3A = arith.constant 2 : i32
    %mul3A_0 = arith.muli %arg1, %mul3A : i32
    %add3A = arith.addi %mul3A_0, %arg0 : i32
    %mul3A_1 = arith.constant 632 : i32
    %mul3A_2 = arith.muli %arg1, %mul3A_1 : i32
    %parallel_loop3A = arith.constant 0 : i32
    %parallel_loop3A_3 = arith.constant 128 : i32
    %parallel_loop3A_4 = arith.constant 1 : i32
    scf.for %parallel_loop3A_106 = %parallel_loop3A to %parallel_loop3A_3 step %parallel_loop3A_4  : i32 {
      %parallel_loop3A_107 = arith.constant 0.000000e+00 : f32
      %parallel_loop3A_108 = vector.broadcast %parallel_loop3A_107 : f32 to vector<16xf32>
      %parallel_loop3A_109 = arith.constant 0 : i32
      %parallel_loop3A_110 = arith.index_cast %parallel_loop3A_109 : i32 to index
      %parallel_loop3A_111 = arith.index_cast %parallel_loop3A_106 : i32 to index
      %parallel_loop3A_112 = arith.constant 0 : index
      %parallel_loop3A_113 = tpu.vector_load %arg11[%parallel_loop3A_110, %parallel_loop3A_111, %parallel_loop3A_112] {strides = array<i32>} : memref<2x128x80xf32, #tpu.memory_space<vmem>>, vector<1x1x16xf32>,
      %parallel_loop3A_114 = vector.shape_cast %parallel_loop3A_113 : vector<1x1x16xf32> to vector<16xf32>
      %parallel_loop3A_115 = vector.shape_cast %parallel_loop3A_108 : vector<16xf32> to vector<1x1x16xf32>
      tpu.vector_store %arg11[%parallel_loop3A_110, %parallel_loop3A_111, %parallel_loop3A_112], %parallel_loop3A_115 {strides = array<i32>} : memref<2x128x80xf32, #tpu.memory_space<vmem>>, vector<1x1x16xf32>,
      %parallel_loop3A_116 = arith.constant 0 : i32
      %parallel_loop3A_117 = arith.index_cast %parallel_loop3A_116 : i32 to index
      %parallel_loop3A_118 = arith.index_cast %parallel_loop3A_106 : i32 to index
      %parallel_loop3A_119 = arith.constant 16 : index
      %parallel_loop3A_120 = tpu.vector_load %arg11[%parallel_loop3A_117, %parallel_loop3A_118, %parallel_loop3A_119] {strides = array<i32>} : memref<2x128x80xf32, #tpu.memory_space<vmem>>, vector<1x1x16xf32>,
      %parallel_loop3A_121 = vector.shape_cast %parallel_loop3A_120 : vector<1x1x16xf32> to vector<16xf32>
      %parallel_loop3A_122 = vector.shape_cast %parallel_loop3A_108 : vector<16xf32> to vector<1x1x16xf32>
      tpu.vector_store %arg11[%parallel_loop3A_117, %parallel_loop3A_118, %parallel_loop3A_119], %parallel_loop3A_122 {strides = array<i32>} : memref<2x128x80xf32, #tpu.memory_space<vmem>>, vector<1x1x16xf32>,
      %parallel_loop3A_123 = arith.constant 0 : i32
      %parallel_loop3A_124 = arith.index_cast %parallel_loop3A_123 : i32 to index
      %parallel_loop3A_125 = arith.index_cast %parallel_loop3A_106 : i32 to index
      %parallel_loop3A_126 = arith.constant 32 : index
      %parallel_loop3A_127 = tpu.vector_load %arg11[%parallel_loop3A_124, %parallel_loop3A_125, %parallel_loop3A_126] {strides = array<i32>} : memref<2x128x80xf32, #tpu.memory_space<vmem>>, vector<1x1x16xf32>,
      %parallel_loop3A_128 = vector.shape_cast %parallel_loop3A_127 : vector<1x1x16xf32> to vector<16xf32>
      %parallel_loop3A_129 = vector.shape_cast %parallel_loop3A_108 : vector<16xf32> to vector<1x1x16xf32>
      tpu.vector_store %arg11[%parallel_loop3A_124, %parallel_loop3A_125, %parallel_loop3A_126], %parallel_loop3A_129 {strides = array<i32>} : memref<2x128x80xf32, #tpu.memory_space<vmem>>, vector<1x1x16xf32>,
      %parallel_loop3A_130 = arith.constant 0 : i32
      %parallel_loop3A_131 = arith.index_cast %parallel_loop3A_130 : i32 to index
      %parallel_loop3A_132 = arith.index_cast %parallel_loop3A_106 : i32 to index
      %parallel_loop3A_133 = arith.constant 48 : index
      %parallel_loop3A_134 = tpu.vector_load %arg11[%parallel_loop3A_131, %parallel_loop3A_132, %parallel_loop3A_133] {strides = array<i32>} : memref<2x128x80xf32, #tpu.memory_space<vmem>>, vector<1x1x16xf32>,
      %parallel_loop3A_135 = vector.shape_cast %parallel_loop3A_134 : vector<1x1x16xf32> to vector<16xf32>
      %parallel_loop3A_136 = vector.shape_cast %parallel_loop3A_108 : vector<16xf32> to vector<1x1x16xf32>
      tpu.vector_store %arg11[%parallel_loop3A_131, %parallel_loop3A_132, %parallel_loop3A_133], %parallel_loop3A_136 {strides = array<i32>} : memref<2x128x80xf32, #tpu.memory_space<vmem>>, vector<1x1x16xf32>,
      %parallel_loop3A_137 = arith.constant 0 : i32
      %parallel_loop3A_138 = arith.index_cast %parallel_loop3A_137 : i32 to index
      %parallel_loop3A_139 = arith.index_cast %parallel_loop3A_106 : i32 to index
      %parallel_loop3A_140 = arith.constant 64 : index
      %parallel_loop3A_141 = tpu.vector_load %arg11[%parallel_loop3A_138, %parallel_loop3A_139, %parallel_loop3A_140] {strides = array<i32>} : memref<2x128x80xf32, #tpu.memory_space<vmem>>, vector<1x1x16xf32>,
      %parallel_loop3A_142 = vector.shape_cast %parallel_loop3A_141 : vector<1x1x16xf32> to vector<16xf32>
      %parallel_loop3A_143 = vector.shape_cast %parallel_loop3A_108 : vector<16xf32> to vector<1x1x16xf32>
      tpu.vector_store %arg11[%parallel_loop3A_138, %parallel_loop3A_139, %parallel_loop3A_140], %parallel_loop3A_143 {strides = array<i32>} : memref<2x128x80xf32, #tpu.memory_space<vmem>>, vector<1x1x16xf32>,
      %parallel_loop3A_144 = arith.constant 1 : i32
      %parallel_loop3A_145 = arith.index_cast %parallel_loop3A_144 : i32 to index
      %parallel_loop3A_146 = arith.index_cast %parallel_loop3A_106 : i32 to index
      %parallel_loop3A_147 = arith.constant 0 : index
      %parallel_loop3A_148 = tpu.vector_load %arg11[%parallel_loop3A_145, %parallel_loop3A_146, %parallel_loop3A_147] {strides = array<i32>} : memref<2x128x80xf32, #tpu.memory_space<vmem>>, vector<1x1x16xf32>,
      %parallel_loop3A_149 = vector.shape_cast %parallel_loop3A_148 : vector<1x1x16xf32> to vector<16xf32>
      %parallel_loop3A_150 = vector.shape_cast %parallel_loop3A_108 : vector<16xf32> to vector<1x1x16xf32>
      tpu.vector_store %arg11[%parallel_loop3A_145, %parallel_loop3A_146, %parallel_loop3A_147], %parallel_loop3A_150 {strides = array<i32>} : memref<2x128x80xf32, #tpu.memory_space<vmem>>, vector<1x1x16xf32>,
      %parallel_loop3A_151 = arith.constant 1 : i32
      %parallel_loop3A_152 = arith.index_cast %parallel_loop3A_151 : i32 to index
      %parallel_loop3A_153 = arith.index_cast %parallel_loop3A_106 : i32 to index
      %parallel_loop3A_154 = arith.constant 16 : index
      %parallel_loop3A_155 = tpu.vector_load %arg11[%parallel_loop3A_152, %parallel_loop3A_153, %parallel_loop3A_154] {strides = array<i32>} : memref<2x128x80xf32, #tpu.memory_space<vmem>>, vector<1x1x16xf32>,
      %parallel_loop3A_156 = vector.shape_cast %parallel_loop3A_155 : vector<1x1x16xf32> to vector<16xf32>
      %parallel_loop3A_157 = vector.shape_cast %parallel_loop3A_108 : vector<16xf32> to vector<1x1x16xf32>
      tpu.vector_store %arg11[%parallel_loop3A_152, %parallel_loop3A_153, %parallel_loop3A_154], %parallel_loop3A_157 {strides = array<i32>} : memref<2x128x80xf32, #tpu.memory_space<vmem>>, vector<1x1x16xf32>,
      %parallel_loop3A_158 = arith.constant 1 : i32
      %parallel_loop3A_159 = arith.index_cast %parallel_loop3A_158 : i32 to index
      %parallel_loop3A_160 = arith.index_cast %parallel_loop3A_106 : i32 to index
      %parallel_loop3A_161 = arith.constant 32 : index
      %parallel_loop3A_162 = tpu.vector_load %arg11[%parallel_loop3A_159, %parallel_loop3A_160, %parallel_loop3A_161] {strides = array<i32>} : memref<2x128x80xf32, #tpu.memory_space<vmem>>, vector<1x1x16xf32>,
      %parallel_loop3A_163 = vector.shape_cast %parallel_loop3A_162 : vector<1x1x16xf32> to vector<16xf32>
      %parallel_loop3A_164 = vector.shape_cast %parallel_loop3A_108 : vector<16xf32> to vector<1x1x16xf32>
      tpu.vector_store %arg11[%parallel_loop3A_159, %parallel_loop3A_160, %parallel_loop3A_161], %parallel_loop3A_164 {strides = array<i32>} : memref<2x128x80xf32, #tpu.memory_space<vmem>>, vector<1x1x16xf32>,
      %parallel_loop3A_165 = arith.constant 1 : i32
      %parallel_loop3A_166 = arith.index_cast %parallel_loop3A_165 : i32 to index
      %parallel_loop3A_167 = arith.index_cast %parallel_loop3A_106 : i32 to index
      %parallel_loop3A_168 = arith.constant 48 : index
      %parallel_loop3A_169 = tpu.vector_load %arg11[%parallel_loop3A_166, %parallel_loop3A_167, %parallel_loop3A_168] {strides = array<i32>} : memref<2x128x80xf32, #tpu.memory_space<vmem>>, vector<1x1x16xf32>,
      %parallel_loop3A_170 = vector.shape_cast %parallel_loop3A_169 : vector<1x1x16xf32> to vector<16xf32>
      %parallel_loop3A_171 = vector.shape_cast %parallel_loop3A_108 : vector<16xf32> to vector<1x1x16xf32>
      tpu.vector_store %arg11[%parallel_loop3A_166, %parallel_loop3A_167, %parallel_loop3A_168], %parallel_loop3A_171 {strides = array<i32>} : memref<2x128x80xf32, #tpu.memory_space<vmem>>, vector<1x1x16xf32>,
      %parallel_loop3A_172 = arith.constant 1 : i32
      %parallel_loop3A_173 = arith.index_cast %parallel_loop3A_172 : i32 to index
      %parallel_loop3A_174 = arith.index_cast %parallel_loop3A_106 : i32 to index
      %parallel_loop3A_175 = arith.constant 64 : index
      %parallel_loop3A_176 = tpu.vector_load %arg11[%parallel_loop3A_173, %parallel_loop3A_174, %parallel_loop3A_175] {strides = array<i32>} : memref<2x128x80xf32, #tpu.memory_space<vmem>>, vector<1x1x16xf32>,
      %parallel_loop3A_177 = vector.shape_cast %parallel_loop3A_176 : vector<1x1x16xf32> to vector<16xf32>
      %parallel_loop3A_178 = vector.shape_cast %parallel_loop3A_108 : vector<16xf32> to vector<1x1x16xf32>
      tpu.vector_store %arg11[%parallel_loop3A_173, %parallel_loop3A_174, %parallel_loop3A_175], %parallel_loop3A_178 {strides = array<i32>} : memref<2x128x80xf32, #tpu.memory_space<vmem>>, vector<1x1x16xf32>,
    } {sc.loop_unroll_factor = 1 : i64, sc.parallel_access}
    %add3A_5 = arith.constant 0 : i32
    %add3A_6 = arith.addi %mul3A_2, %add3A_5 : i32
    %run_scoped3A = arith.constant 0 : i32
    "tpu.region"() ({
      %run_scoped3A_106 = tpu.sem_alloc : memref<!tpu.dma_semaphore, #tpu.memory_space<semaphore_mem>>
      %dma_start3A_107 = arith.constant 0 : i32
      %dma_start3A_108 = arith.constant 0 : i32
      %dma_start3A_109 = tpu.memref_slice %arg11[%run_scoped3A, %dma_start3A_107, %dma_start3A_108] : memref<2x128x80xf32, #tpu.memory_space<vmem>> -> memref<1x128x80xf32, #tpu.memory_space<vmem>>
      %dma_start3A_110 = tpu.memref_squeeze %dma_start3A_109 : memref<1x128x80xf32, #tpu.memory_space<vmem>> -> memref<128x80xf32, #tpu.memory_space<vmem>>
      %dma_start3A_111 = arith.constant 0 : i32
      %dma_start3A_112 = tpu.memref_slice %arg12[%add3A_6, %dma_start3A_111] : memref<10112x80xf32, #tpu.memory_space<vmem_shared>> -> memref<128x80xf32, #tpu.memory_space<vmem_shared>>
      %dma_start3A_113 = arith.constant 0 : i32
      %dma_start3A_114 = tpu.memref_slice %arg12[%add3A_6, %dma_start3A_113] : memref<10112x80xf32, #tpu.memory_space<vmem_shared>> -> memref<128x80xf32, #tpu.memory_space<vmem_shared>>
      %dma_start3A_115 = arith.constant 0 : i32
      %dma_start3A_116 = arith.constant 0 : i32
      %dma_start3A_117 = tpu.memref_slice %arg11[%run_scoped3A, %dma_start3A_115, %dma_start3A_116] : memref<2x128x80xf32, #tpu.memory_space<vmem>> -> memref<1x128x80xf32, #tpu.memory_space<vmem>>
      %dma_start3A_118 = tpu.memref_squeeze %dma_start3A_117 : memref<1x128x80xf32, #tpu.memory_space<vmem>> -> memref<128x80xf32, #tpu.memory_space<vmem>>
      tpu.enqueue_dma source(%dma_start3A_118 : memref<128x80xf32, #tpu.memory_space<vmem>>) target(%dma_start3A_114 : memref<128x80xf32, #tpu.memory_space<vmem_shared>>) target_semaphore(%run_scoped3A_106 : memref<!tpu.dma_semaphore, #tpu.memory_space<semaphore_mem>>)
      %dma_wait3A_119 = arith.constant 0 : i32
      %dma_wait3A_120 = arith.constant 0 : i32
      %dma_wait3A_121 = tpu.memref_slice %arg11[%run_scoped3A, %dma_wait3A_119, %dma_wait3A_120] : memref<2x128x80xf32, #tpu.memory_space<vmem>> -> memref<1x128x80xf32, #tpu.memory_space<vmem>>
      %dma_wait3A_122 = tpu.memref_squeeze %dma_wait3A_121 : memref<1x128x80xf32, #tpu.memory_space<vmem>> -> memref<128x80xf32, #tpu.memory_space<vmem>>
      %dma_wait3A_123 = arith.constant 0 : i32
      %dma_wait3A_124 = tpu.memref_slice %arg12[%add3A_6, %dma_wait3A_123] : memref<10112x80xf32, #tpu.memory_space<vmem_shared>> -> memref<128x80xf32, #tpu.memory_space<vmem_shared>>
      %dma_wait3A_125 = arith.constant 0 : i32
      %dma_wait3A_126 = tpu.memref_slice %arg12[%add3A_6, %dma_wait3A_125] : memref<10112x80xf32, #tpu.memory_space<vmem_shared>> -> memref<128x80xf32, #tpu.memory_space<vmem_shared>>
      %dma_wait3A_127 = arith.constant 0 : i32
      %dma_wait3A_128 = arith.constant 0 : i32
      %dma_wait3A_129 = tpu.memref_slice %arg11[%run_scoped3A, %dma_wait3A_127, %dma_wait3A_128] : memref<2x128x80xf32, #tpu.memory_space<vmem>> -> memref<1x128x80xf32, #tpu.memory_space<vmem>>
      %dma_wait3A_130 = tpu.memref_squeeze %dma_wait3A_129 : memref<1x128x80xf32, #tpu.memory_space<vmem>> -> memref<128x80xf32, #tpu.memory_space<vmem>>
      tpu.wait_dma2 semaphore(%run_scoped3A_106 : memref<!tpu.dma_semaphore, #tpu.memory_space<semaphore_mem>>) src(%dma_wait3A_130 : memref<128x80xf32, #tpu.memory_space<vmem>>) dst(%dma_wait3A_126 : memref<128x80xf32, #tpu.memory_space<vmem_shared>>)
      tpu.yield
    }) : () -> ()
    %add3A_7 = arith.constant 128 : i32
    %add3A_8 = arith.addi %mul3A_2, %add3A_7 : i32
    %run_scoped3A_9 = arith.constant 1 : i32
    "tpu.region"() ({
      %run_scoped3A_106 = tpu.sem_alloc : memref<!tpu.dma_semaphore, #tpu.memory_space<semaphore_mem>>
      %dma_start3A_107 = arith.constant 0 : i32
      %dma_start3A_108 = arith.constant 0 : i32
      %dma_start3A_109 = tpu.memref_slice %arg11[%run_scoped3A_9, %dma_start3A_107, %dma_start3A_108] : memref<2x128x80xf32, #tpu.memory_space<vmem>> -> memref<1x128x80xf32, #tpu.memory_space<vmem>>
      %dma_start3A_110 = tpu.memref_squeeze %dma_start3A_109 : memref<1x128x80xf32, #tpu.memory_space<vmem>> -> memref<128x80xf32, #tpu.memory_space<vmem>>
      %dma_start3A_111 = arith.constant 0 : i32
      %dma_start3A_112 = tpu.memref_slice %arg12[%add3A_8, %dma_start3A_111] : memref<10112x80xf32, #tpu.memory_space<vmem_shared>> -> memref<128x80xf32, #tpu.memory_space<vmem_shared>>
      %dma_start3A_113 = arith.constant 0 : i32
      %dma_start3A_114 = tpu.memref_slice %arg12[%add3A_8, %dma_start3A_113] : memref<10112x80xf32, #tpu.memory_space<vmem_shared>> -> memref<128x80xf32, #tpu.memory_space<vmem_shared>>
      %dma_start3A_115 = arith.constant 0 : i32
      %dma_start3A_116 = arith.constant 0 : i32
      %dma_start3A_117 = tpu.memref_slice %arg11[%run_scoped3A_9, %dma_start3A_115, %dma_start3A_116] : memref<2x128x80xf32, #tpu.memory_space<vmem>> -> memref<1x128x80xf32, #tpu.memory_space<vmem>>
      %dma_start3A_118 = tpu.memref_squeeze %dma_start3A_117 : memref<1x128x80xf32, #tpu.memory_space<vmem>> -> memref<128x80xf32, #tpu.memory_space<vmem>>
      tpu.enqueue_dma source(%dma_start3A_118 : memref<128x80xf32, #tpu.memory_space<vmem>>) target(%dma_start3A_114 : memref<128x80xf32, #tpu.memory_space<vmem_shared>>) target_semaphore(%run_scoped3A_106 : memref<!tpu.dma_semaphore, #tpu.memory_space<semaphore_mem>>)
      %dma_wait3A_119 = arith.constant 0 : i32
      %dma_wait3A_120 = arith.constant 0 : i32
      %dma_wait3A_121 = tpu.memref_slice %arg11[%run_scoped3A_9, %dma_wait3A_119, %dma_wait3A_120] : memref<2x128x80xf32, #tpu.memory_space<vmem>> -> memref<1x128x80xf32, #tpu.memory_space<vmem>>
      %dma_wait3A_122 = tpu.memref_squeeze %dma_wait3A_121 : memref<1x128x80xf32, #tpu.memory_space<vmem>> -> memref<128x80xf32, #tpu.memory_space<vmem>>
      %dma_wait3A_123 = arith.constant 0 : i32
      %dma_wait3A_124 = tpu.memref_slice %arg12[%add3A_8, %dma_wait3A_123] : memref<10112x80xf32, #tpu.memory_space<vmem_shared>> -> memref<128x80xf32, #tpu.memory_space<vmem_shared>>
      %dma_wait3A_125 = arith.constant 0 : i32
      %dma_wait3A_126 = tpu.memref_slice %arg12[%add3A_8, %dma_wait3A_125] : memref<10112x80xf32, #tpu.memory_space<vmem_shared>> -> memref<128x80xf32, #tpu.memory_space<vmem_shared>>
      %dma_wait3A_127 = arith.constant 0 : i32
      %dma_wait3A_128 = arith.constant 0 : i32
      %dma_wait3A_129 = tpu.memref_slice %arg11[%run_scoped3A_9, %dma_wait3A_127, %dma_wait3A_128] : memref<2x128x80xf32, #tpu.memory_space<vmem>> -> memref<1x128x80xf32, #tpu.memory_space<vmem>>
      %dma_wait3A_130 = tpu.memref_squeeze %dma_wait3A_129 : memref<1x128x80xf32, #tpu.memory_space<vmem>> -> memref<128x80xf32, #tpu.memory_space<vmem>>
      tpu.wait_dma2 semaphore(%run_scoped3A_106 : memref<!tpu.dma_semaphore, #tpu.memory_space<semaphore_mem>>) src(%dma_wait3A_130 : memref<128x80xf32, #tpu.memory_space<vmem>>) dst(%dma_wait3A_126 : memref<128x80xf32, #tpu.memory_space<vmem_shared>>)
      tpu.yield
    }) : () -> ()
    %add3A_10 = arith.constant 256 : i32
    %add3A_11 = arith.addi %mul3A_2, %add3A_10 : i32
    %run_scoped3A_12 = arith.constant 0 : i32
    "tpu.region"() ({
      %run_scoped3A_106 = tpu.sem_alloc : memref<!tpu.dma_semaphore, #tpu.memory_space<semaphore_mem>>
      %dma_start3A_107 = arith.constant 0 : i32
      %dma_start3A_108 = arith.constant 0 : i32
      %dma_start3A_109 = tpu.memref_slice %arg11[%run_scoped3A_12, %dma_start3A_107, %dma_start3A_108] : memref<2x128x80xf32, #tpu.memory_space<vmem>> -> memref<1x128x80xf32, #tpu.memory_space<vmem>>
      %dma_start3A_110 = tpu.memref_squeeze %dma_start3A_109 : memref<1x128x80xf32, #tpu.memory_space<vmem>> -> memref<128x80xf32, #tpu.memory_space<vmem>>
      %dma_start3A_111 = arith.constant 0 : i32
      %dma_start3A_112 = tpu.memref_slice %arg12[%add3A_11, %dma_start3A_111] : memref<10112x80xf32, #tpu.memory_space<vmem_shared>> -> memref<128x80xf32, #tpu.memory_space<vmem_shared>>
      %dma_start3A_113 = arith.constant 0 : i32
      %dma_start3A_114 = tpu.memref_slice %arg12[%add3A_11, %dma_start3A_113] : memref<10112x80xf32, #tpu.memory_space<vmem_shared>> -> memref<128x80xf32, #tpu.memory_space<vmem_shared>>
      %dma_start3A_115 = arith.constant 0 : i32
      %dma_start3A_116 = arith.constant 0 : i32
      %dma_start3A_117 = tpu.memref_slice %arg11[%run_scoped3A_12, %dma_start3A_115, %dma_start3A_116] : memref<2x128x80xf32, #tpu.memory_space<vmem>> -> memref<1x128x80xf32, #tpu.memory_space<vmem>>
      %dma_start3A_118 = tpu.memref_squeeze %dma_start3A_117 : memref<1x128x80xf32, #tpu.memory_space<vmem>> -> memref<128x80xf32, #tpu.memory_space<vmem>>
      tpu.enqueue_dma source(%dma_start3A_118 : memref<128x80xf32, #tpu.memory_space<vmem>>) target(%dma_start3A_114 : memref<128x80xf32, #tpu.memory_space<vmem_shared>>) target_semaphore(%run_scoped3A_106 : memref<!tpu.dma_semaphore, #tpu.memory_space<semaphore_mem>>)
      %dma_wait3A_119 = arith.constant 0 : i32
      %dma_wait3A_120 = arith.constant 0 : i32
      %dma_wait3A_121 = tpu.memref_slice %arg11[%run_scoped3A_12, %dma_wait3A_119, %dma_wait3A_120] : memref<2x128x80xf32, #tpu.memory_space<vmem>> -> memref<1x128x80xf32, #tpu.memory_space<vmem>>
      %dma_wait3A_122 = tpu.memref_squeeze %dma_wait3A_121 : memref<1x128x80xf32, #tpu.memory_space<vmem>> -> memref<128x80xf32, #tpu.memory_space<vmem>>
      %dma_wait3A_123 = arith.constant 0 : i32
      %dma_wait3A_124 = tpu.memref_slice %arg12[%add3A_11, %dma_wait3A_123] : memref<10112x80xf32, #tpu.memory_space<vmem_shared>> -> memref<128x80xf32, #tpu.memory_space<vmem_shared>>
      %dma_wait3A_125 = arith.constant 0 : i32
      %dma_wait3A_126 = tpu.memref_slice %arg12[%add3A_11, %dma_wait3A_125] : memref<10112x80xf32, #tpu.memory_space<vmem_shared>> -> memref<128x80xf32, #tpu.memory_space<vmem_shared>>
      %dma_wait3A_127 = arith.constant 0 : i32
      %dma_wait3A_128 = arith.constant 0 : i32
      %dma_wait3A_129 = tpu.memref_slice %arg11[%run_scoped3A_12, %dma_wait3A_127, %dma_wait3A_128] : memref<2x128x80xf32, #tpu.memory_space<vmem>> -> memref<1x128x80xf32, #tpu.memory_space<vmem>>
      %dma_wait3A_130 = tpu.memref_squeeze %dma_wait3A_129 : memref<1x128x80xf32, #tpu.memory_space<vmem>> -> memref<128x80xf32, #tpu.memory_space<vmem>>
      tpu.wait_dma2 semaphore(%run_scoped3A_106 : memref<!tpu.dma_semaphore, #tpu.memory_space<semaphore_mem>>) src(%dma_wait3A_130 : memref<128x80xf32, #tpu.memory_space<vmem>>) dst(%dma_wait3A_126 : memref<128x80xf32, #tpu.memory_space<vmem_shared>>)
      tpu.yield
    }) : () -> ()
    %add3A_13 = arith.constant 384 : i32
    %add3A_14 = arith.addi %mul3A_2, %add3A_13 : i32
    %run_scoped3A_15 = arith.constant 1 : i32
    "tpu.region"() ({
      %run_scoped3A_106 = tpu.sem_alloc : memref<!tpu.dma_semaphore, #tpu.memory_space<semaphore_mem>>
      %dma_start3A_107 = arith.constant 0 : i32
      %dma_start3A_108 = arith.constant 0 : i32
      %dma_start3A_109 = tpu.memref_slice %arg11[%run_scoped3A_15, %dma_start3A_107, %dma_start3A_108] : memref<2x128x80xf32, #tpu.memory_space<vmem>> -> memref<1x128x80xf32, #tpu.memory_space<vmem>>
      %dma_start3A_110 = tpu.memref_squeeze %dma_start3A_109 : memref<1x128x80xf32, #tpu.memory_space<vmem>> -> memref<128x80xf32, #tpu.memory_space<vmem>>
      %dma_start3A_111 = arith.constant 0 : i32
      %dma_start3A_112 = tpu.memref_slice %arg12[%add3A_14, %dma_start3A_111] : memref<10112x80xf32, #tpu.memory_space<vmem_shared>> -> memref<128x80xf32, #tpu.memory_space<vmem_shared>>
      %dma_start3A_113 = arith.constant 0 : i32
      %dma_start3A_114 = tpu.memref_slice %arg12[%add3A_14, %dma_start3A_113] : memref<10112x80xf32, #tpu.memory_space<vmem_shared>> -> memref<128x80xf32, #tpu.memory_space<vmem_shared>>
      %dma_start3A_115 = arith.constant 0 : i32
      %dma_start3A_116 = arith.constant 0 : i32
      %dma_start3A_117 = tpu.memref_slice %arg11[%run_scoped3A_15, %dma_start3A_115, %dma_start3A_116] : memref<2x128x80xf32, #tpu.memory_space<vmem>> -> memref<1x128x80xf32, #tpu.memory_space<vmem>>
      %dma_start3A_118 = tpu.memref_squeeze %dma_start3A_117 : memref<1x128x80xf32, #tpu.memory_space<vmem>> -> memref<128x80xf32, #tpu.memory_space<vmem>>
      tpu.enqueue_dma source(%dma_start3A_118 : memref<128x80xf32, #tpu.memory_space<vmem>>) target(%dma_start3A_114 : memref<128x80xf32, #tpu.memory_space<vmem_shared>>) target_semaphore(%run_scoped3A_106 : memref<!tpu.dma_semaphore, #tpu.memory_space<semaphore_mem>>)
      %dma_wait3A_119 = arith.constant 0 : i32
      %dma_wait3A_120 = arith.constant 0 : i32
      %dma_wait3A_121 = tpu.memref_slice %arg11[%run_scoped3A_15, %dma_wait3A_119, %dma_wait3A_120] : memref<2x128x80xf32, #tpu.memory_space<vmem>> -> memref<1x128x80xf32, #tpu.memory_space<vmem>>
      %dma_wait3A_122 = tpu.memref_squeeze %dma_wait3A_121 : memref<1x128x80xf32, #tpu.memory_space<vmem>> -> memref<128x80xf32, #tpu.memory_space<vmem>>
      %dma_wait3A_123 = arith.constant 0 : i32
      %dma_wait3A_124 = tpu.memref_slice %arg12[%add3A_14, %dma_wait3A_123] : memref<10112x80xf32, #tpu.memory_space<vmem_shared>> -> memref<128x80xf32, #tpu.memory_space<vmem_shared>>
      %dma_wait3A_125 = arith.constant 0 : i32
      %dma_wait3A_126 = tpu.memref_slice %arg12[%add3A_14, %dma_wait3A_125] : memref<10112x80xf32, #tpu.memory_space<vmem_shared>> -> memref<128x80xf32, #tpu.memory_space<vmem_shared>>
      %dma_wait3A_127 = arith.constant 0 : i32
      %dma_wait3A_128 = arith.constant 0 : i32
      %dma_wait3A_129 = tpu.memref_slice %arg11[%run_scoped3A_15, %dma_wait3A_127, %dma_wait3A_128] : memref<2x128x80xf32, #tpu.memory_space<vmem>> -> memref<1x128x80xf32, #tpu.memory_space<vmem>>
      %dma_wait3A_130 = tpu.memref_squeeze %dma_wait3A_129 : memref<1x128x80xf32, #tpu.memory_space<vmem>> -> memref<128x80xf32, #tpu.memory_space<vmem>>
      tpu.wait_dma2 semaphore(%run_scoped3A_106 : memref<!tpu.dma_semaphore, #tpu.memory_space<semaphore_mem>>) src(%dma_wait3A_130 : memref<128x80xf32, #tpu.memory_space<vmem>>) dst(%dma_wait3A_126 : memref<128x80xf32, #tpu.memory_space<vmem_shared>>)
      tpu.yield
    }) : () -> ()
    %add3A_16 = arith.constant 512 : i32
    %add3A_17 = arith.addi %mul3A_2, %add3A_16 : i32
    %run_scoped3A_18 = arith.constant 0 : i32
    "tpu.region"() ({
      %run_scoped3A_106 = tpu.sem_alloc : memref<!tpu.dma_semaphore, #tpu.memory_space<semaphore_mem>>
      %dma_start3A_107 = arith.constant 0 : i32
      %dma_start3A_108 = arith.constant 0 : i32
      %dma_start3A_109 = tpu.memref_slice %arg11[%run_scoped3A_18, %dma_start3A_107, %dma_start3A_108] : memref<2x128x80xf32, #tpu.memory_space<vmem>> -> memref<1x120x80xf32, #tpu.memory_space<vmem>>
      %dma_start3A_110 = tpu.memref_squeeze %dma_start3A_109 : memref<1x120x80xf32, #tpu.memory_space<vmem>> -> memref<120x80xf32, #tpu.memory_space<vmem>>
      %dma_start3A_111 = arith.constant 0 : i32
      %dma_start3A_112 = tpu.memref_slice %arg12[%add3A_17, %dma_start3A_111] : memref<10112x80xf32, #tpu.memory_space<vmem_shared>> -> memref<120x80xf32, #tpu.memory_space<vmem_shared>>
      %dma_start3A_113 = arith.constant 0 : i32
      %dma_start3A_114 = tpu.memref_slice %arg12[%add3A_17, %dma_start3A_113] : memref<10112x80xf32, #tpu.memory_space<vmem_shared>> -> memref<120x80xf32, #tpu.memory_space<vmem_shared>>
      %dma_start3A_115 = arith.constant 0 : i32
      %dma_start3A_116 = arith.constant 0 : i32
      %dma_start3A_117 = tpu.memref_slice %arg11[%run_scoped3A_18, %dma_start3A_115, %dma_start3A_116] : memref<2x128x80xf32, #tpu.memory_space<vmem>> -> memref<1x120x80xf32, #tpu.memory_space<vmem>>
      %dma_start3A_118 = tpu.memref_squeeze %dma_start3A_117 : memref<1x120x80xf32, #tpu.memory_space<vmem>> -> memref<120x80xf32, #tpu.memory_space<vmem>>
      tpu.enqueue_dma source(%dma_start3A_118 : memref<120x80xf32, #tpu.memory_space<vmem>>) target(%dma_start3A_114 : memref<120x80xf32, #tpu.memory_space<vmem_shared>>) target_semaphore(%run_scoped3A_106 : memref<!tpu.dma_semaphore, #tpu.memory_space<semaphore_mem>>)
      %dma_wait3A_119 = arith.constant 0 : i32
      %dma_wait3A_120 = arith.constant 0 : i32
      %dma_wait3A_121 = tpu.memref_slice %arg11[%run_scoped3A_18, %dma_wait3A_119, %dma_wait3A_120] : memref<2x128x80xf32, #tpu.memory_space<vmem>> -> memref<1x120x80xf32, #tpu.memory_space<vmem>>
      %dma_wait3A_122 = tpu.memref_squeeze %dma_wait3A_121 : memref<1x120x80xf32, #tpu.memory_space<vmem>> -> memref<120x80xf32, #tpu.memory_space<vmem>>
      %dma_wait3A_123 = arith.constant 0 : i32
      %dma_wait3A_124 = tpu.memref_slice %arg12[%add3A_17, %dma_wait3A_123] : memref<10112x80xf32, #tpu.memory_space<vmem_shared>> -> memref<120x80xf32, #tpu.memory_space<vmem_shared>>
      %dma_wait3A_125 = arith.constant 0 : i32
      %dma_wait3A_126 = tpu.memref_slice %arg12[%add3A_17, %dma_wait3A_125] : memref<10112x80xf32, #tpu.memory_space<vmem_shared>> -> memref<120x80xf32, #tpu.memory_space<vmem_shared>>
      %dma_wait3A_127 = arith.constant 0 : i32
      %dma_wait3A_128 = arith.constant 0 : i32
      %dma_wait3A_129 = tpu.memref_slice %arg11[%run_scoped3A_18, %dma_wait3A_127, %dma_wait3A_128] : memref<2x128x80xf32, #tpu.memory_space<vmem>> -> memref<1x120x80xf32, #tpu.memory_space<vmem>>
      %dma_wait3A_130 = tpu.memref_squeeze %dma_wait3A_129 : memref<1x120x80xf32, #tpu.memory_space<vmem>> -> memref<120x80xf32, #tpu.memory_space<vmem>>
      tpu.wait_dma2 semaphore(%run_scoped3A_106 : memref<!tpu.dma_semaphore, #tpu.memory_space<semaphore_mem>>) src(%dma_wait3A_130 : memref<120x80xf32, #tpu.memory_space<vmem>>) dst(%dma_wait3A_126 : memref<120x80xf32, #tpu.memory_space<vmem_shared>>)
      tpu.yield
    }) : () -> ()
    %lt3A = arith.constant 30 : i32
    %lt3A_19 = arith.cmpi slt, %add3A, %lt3A : i32
    %convert_element_type3A = arith.extui %lt3A_19 : i1 to i32
    %cond3A = arith.constant 0 : i32
    %cond3A_20 = arith.cmpi ne, %convert_element_type3A, %cond3A : i32
    scf.if %cond3A_20 {
      %mul3A_106 = arith.constant 82 : i32
      %mul3A_107 = arith.muli %add3A, %mul3A_106 : i32
      %run_scoped3A_108 = arith.constant 0 : i32
      "tpu.region"() ({
        %run_scoped3A_112 = tpu.sem_alloc : memref<!tpu.dma_semaphore, #tpu.memory_space<semaphore_mem>>
        %dma_start3A_113 = arith.constant 0 : i32
        %dma_start3A_114 = tpu.memref_slice %arg4[%run_scoped3A_108, %mul3A_107, %dma_start3A_113] : memref<2x2500x128xi32, #tpu.memory_space<hbm>> -> memref<1x82x128xi32, #tpu.memory_space<hbm>>
        %dma_start3A_115 = tpu.memref_squeeze %dma_start3A_114 : memref<1x82x128xi32, #tpu.memory_space<hbm>> -> memref<82x128xi32, #tpu.memory_space<hbm>>
        %dma_start3A_116 = arith.constant 0 : i32
        %dma_start3A_117 = tpu.memref_slice %arg4[%run_scoped3A_108, %mul3A_107, %dma_start3A_116] : memref<2x2500x128xi32, #tpu.memory_space<hbm>> -> memref<1x82x128xi32, #tpu.memory_space<hbm>>
        %dma_start3A_118 = tpu.memref_squeeze %dma_start3A_117 : memref<1x82x128xi32, #tpu.memory_space<hbm>> -> memref<82x128xi32, #tpu.memory_space<hbm>>
        tpu.enqueue_dma source(%dma_start3A_118 : memref<82x128xi32, #tpu.memory_space<hbm>>) target(%arg7 : memref<82x128xi32, #tpu.memory_space<vmem>>) target_semaphore(%run_scoped3A_112 : memref<!tpu.dma_semaphore, #tpu.memory_space<semaphore_mem>>)
        %dma_wait3A_119 = arith.constant 0 : i32
        %dma_wait3A_120 = tpu.memref_slice %arg4[%run_scoped3A_108, %mul3A_107, %dma_wait3A_119] : memref<2x2500x128xi32, #tpu.memory_space<hbm>> -> memref<1x82x128xi32, #tpu.memory_space<hbm>>
        %dma_wait3A_121 = tpu.memref_squeeze %dma_wait3A_120 : memref<1x82x128xi32, #tpu.memory_space<hbm>> -> memref<82x128xi32, #tpu.memory_space<hbm>>
        %dma_wait3A_122 = arith.constant 0 : i32
        %dma_wait3A_123 = tpu.memref_slice %arg4[%run_scoped3A_108, %mul3A_107, %dma_wait3A_122] : memref<2x2500x128xi32, #tpu.memory_space<hbm>> -> memref<1x82x128xi32, #tpu.memory_space<hbm>>
        %dma_wait3A_124 = tpu.memref_squeeze %dma_wait3A_123 : memref<1x82x128xi32, #tpu.memory_space<hbm>> -> memref<82x128xi32, #tpu.memory_space<hbm>>
        tpu.wait_dma2 semaphore(%run_scoped3A_112 : memref<!tpu.dma_semaphore, #tpu.memory_space<semaphore_mem>>) src(%dma_wait3A_124 : memref<82x128xi32, #tpu.memory_space<hbm>>) dst(%arg7 : memref<82x128xi32, #tpu.memory_space<vmem>>)
        tpu.yield
      }) : () -> ()
      %mul3A_109 = arith.constant 82 : i32
      %mul3A_110 = arith.muli %add3A, %mul3A_109 : i32
      %run_scoped3A_111 = arith.constant 1 : i32
      "tpu.region"() ({
        %run_scoped3A_112 = tpu.sem_alloc : memref<!tpu.dma_semaphore, #tpu.memory_space<semaphore_mem>>
        %dma_start3A_113 = arith.constant 0 : i32
        %dma_start3A_114 = tpu.memref_slice %arg4[%run_scoped3A_111, %mul3A_110, %dma_start3A_113] : memref<2x2500x128xi32, #tpu.memory_space<hbm>> -> memref<1x82x128xi32, #tpu.memory_space<hbm>>
        %dma_start3A_115 = tpu.memref_squeeze %dma_start3A_114 : memref<1x82x128xi32, #tpu.memory_space<hbm>> -> memref<82x128xi32, #tpu.memory_space<hbm>>
        %dma_start3A_116 = arith.constant 0 : i32
        %dma_start3A_117 = tpu.memref_slice %arg4[%run_scoped3A_111, %mul3A_110, %dma_start3A_116] : memref<2x2500x128xi32, #tpu.memory_space<hbm>> -> memref<1x82x128xi32, #tpu.memory_space<hbm>>
        %dma_start3A_118 = tpu.memref_squeeze %dma_start3A_117 : memref<1x82x128xi32, #tpu.memory_space<hbm>> -> memref<82x128xi32, #tpu.memory_space<hbm>>
        tpu.enqueue_dma source(%dma_start3A_118 : memref<82x128xi32, #tpu.memory_space<hbm>>) target(%arg8 : memref<82x128xi32, #tpu.memory_space<vmem>>) target_semaphore(%run_scoped3A_112 : memref<!tpu.dma_semaphore, #tpu.memory_space<semaphore_mem>>)
        %dma_wait3A_119 = arith.constant 0 : i32
        %dma_wait3A_120 = tpu.memref_slice %arg4[%run_scoped3A_111, %mul3A_110, %dma_wait3A_119] : memref<2x2500x128xi32, #tpu.memory_space<hbm>> -> memref<1x82x128xi32, #tpu.memory_space<hbm>>
        %dma_wait3A_121 = tpu.memref_squeeze %dma_wait3A_120 : memref<1x82x128xi32, #tpu.memory_space<hbm>> -> memref<82x128xi32, #tpu.memory_space<hbm>>
        %dma_wait3A_122 = arith.constant 0 : i32
        %dma_wait3A_123 = tpu.memref_slice %arg4[%run_scoped3A_111, %mul3A_110, %dma_wait3A_122] : memref<2x2500x128xi32, #tpu.memory_space<hbm>> -> memref<1x82x128xi32, #tpu.memory_space<hbm>>
        %dma_wait3A_124 = tpu.memref_squeeze %dma_wait3A_123 : memref<1x82x128xi32, #tpu.memory_space<hbm>> -> memref<82x128xi32, #tpu.memory_space<hbm>>
        tpu.wait_dma2 semaphore(%run_scoped3A_112 : memref<!tpu.dma_semaphore, #tpu.memory_space<semaphore_mem>>) src(%dma_wait3A_124 : memref<82x128xi32, #tpu.memory_space<hbm>>) dst(%arg8 : memref<82x128xi32, #tpu.memory_space<vmem>>)
        tpu.yield
      }) : () -> ()
    } else {
    }
    %eq3A = arith.constant 30 : i32
    %eq3A_21 = arith.cmpi eq, %add3A, %eq3A : i32
    %convert_element_type3A_22 = arith.extui %eq3A_21 : i1 to i32
    %cond3A_23 = arith.constant 0 : i32
    %cond3A_24 = arith.cmpi ne, %convert_element_type3A_22, %cond3A_23 : i32
    scf.if %cond3A_24 {
      %run_scoped3A_106 = arith.constant 0 : i32
      "tpu.region"() ({
        %run_scoped3A_108 = tpu.sem_alloc : memref<!tpu.dma_semaphore, #tpu.memory_space<semaphore_mem>>
        %dma_start3A_109 = arith.constant 0 : i32
        %dma_start3A_110 = arith.constant 0 : i32
        %dma_start3A_111 = tpu.memref_slice %arg7[%dma_start3A_109, %dma_start3A_110] : memref<82x128xi32, #tpu.memory_space<vmem>> -> memref<40x128xi32, #tpu.memory_space<vmem>>
        %dma_start3A_112 = arith.constant 2460 : i32
        %dma_start3A_113 = arith.constant 0 : i32
        %dma_start3A_114 = tpu.memref_slice %arg4[%run_scoped3A_106, %dma_start3A_112, %dma_start3A_113] : memref<2x2500x128xi32, #tpu.memory_space<hbm>> -> memref<1x40x128xi32, #tpu.memory_space<hbm>>
        %dma_start3A_115 = tpu.memref_squeeze %dma_start3A_114 : memref<1x40x128xi32, #tpu.memory_space<hbm>> -> memref<40x128xi32, #tpu.memory_space<hbm>>
        %dma_start3A_116 = arith.constant 0 : i32
        %dma_start3A_117 = arith.constant 0 : i32
        %dma_start3A_118 = tpu.memref_slice %arg7[%dma_start3A_116, %dma_start3A_117] : memref<82x128xi32, #tpu.memory_space<vmem>> -> memref<40x128xi32, #tpu.memory_space<vmem>>
        %dma_start3A_119 = arith.constant 2460 : i32
        %dma_start3A_120 = arith.constant 0 : i32
        %dma_start3A_121 = tpu.memref_slice %arg4[%run_scoped3A_106, %dma_start3A_119, %dma_start3A_120] : memref<2x2500x128xi32, #tpu.memory_space<hbm>> -> memref<1x40x128xi32, #tpu.memory_space<hbm>>
        %dma_start3A_122 = tpu.memref_squeeze %dma_start3A_121 : memref<1x40x128xi32, #tpu.memory_space<hbm>> -> memref<40x128xi32, #tpu.memory_space<hbm>>
        tpu.enqueue_dma source(%dma_start3A_122 : memref<40x128xi32, #tpu.memory_space<hbm>>) target(%dma_start3A_118 : memref<40x128xi32, #tpu.memory_space<vmem>>) target_semaphore(%run_scoped3A_108 : memref<!tpu.dma_semaphore, #tpu.memory_space<semaphore_mem>>)
        %dma_wait3A_123 = arith.constant 0 : i32
        %dma_wait3A_124 = arith.constant 0 : i32
        %dma_wait3A_125 = tpu.memref_slice %arg7[%dma_wait3A_123, %dma_wait3A_124] : memref<82x128xi32, #tpu.memory_space<vmem>> -> memref<40x128xi32, #tpu.memory_space<vmem>>
        %dma_wait3A_126 = arith.constant 2460 : i32
        %dma_wait3A_127 = arith.constant 0 : i32
        %dma_wait3A_128 = tpu.memref_slice %arg4[%run_scoped3A_106, %dma_wait3A_126, %dma_wait3A_127] : memref<2x2500x128xi32, #tpu.memory_space<hbm>> -> memref<1x40x128xi32, #tpu.memory_space<hbm>>
        %dma_wait3A_129 = tpu.memref_squeeze %dma_wait3A_128 : memref<1x40x128xi32, #tpu.memory_space<hbm>> -> memref<40x128xi32, #tpu.memory_space<hbm>>
        %dma_wait3A_130 = arith.constant 0 : i32
        %dma_wait3A_131 = arith.constant 0 : i32
        %dma_wait3A_132 = tpu.memref_slice %arg7[%dma_wait3A_130, %dma_wait3A_131] : memref<82x128xi32, #tpu.memory_space<vmem>> -> memref<40x128xi32, #tpu.memory_space<vmem>>
        %dma_wait3A_133 = arith.constant 2460 : i32
        %dma_wait3A_134 = arith.constant 0 : i32
        %dma_wait3A_135 = tpu.memref_slice %arg4[%run_scoped3A_106, %dma_wait3A_133, %dma_wait3A_134] : memref<2x2500x128xi32, #tpu.memory_space<hbm>> -> memref<1x40x128xi32, #tpu.memory_space<hbm>>
        %dma_wait3A_136 = tpu.memref_squeeze %dma_wait3A_135 : memref<1x40x128xi32, #tpu.memory_space<hbm>> -> memref<40x128xi32, #tpu.memory_space<hbm>>
        tpu.wait_dma2 semaphore(%run_scoped3A_108 : memref<!tpu.dma_semaphore, #tpu.memory_space<semaphore_mem>>) src(%dma_wait3A_136 : memref<40x128xi32, #tpu.memory_space<hbm>>) dst(%dma_wait3A_132 : memref<40x128xi32, #tpu.memory_space<vmem>>)
        tpu.yield
      }) : () -> ()
      %run_scoped3A_107 = arith.constant 1 : i32
      "tpu.region"() ({
        %run_scoped3A_108 = tpu.sem_alloc : memref<!tpu.dma_semaphore, #tpu.memory_space<semaphore_mem>>
        %dma_start3A_109 = arith.constant 0 : i32
        %dma_start3A_110 = arith.constant 0 : i32
        %dma_start3A_111 = tpu.memref_slice %arg8[%dma_start3A_109, %dma_start3A_110] : memref<82x128xi32, #tpu.memory_space<vmem>> -> memref<40x128xi32, #tpu.memory_space<vmem>>
        %dma_start3A_112 = arith.constant 2460 : i32
        %dma_start3A_113 = arith.constant 0 : i32
        %dma_start3A_114 = tpu.memref_slice %arg4[%run_scoped3A_107, %dma_start3A_112, %dma_start3A_113] : memref<2x2500x128xi32, #tpu.memory_space<hbm>> -> memref<1x40x128xi32, #tpu.memory_space<hbm>>
        %dma_start3A_115 = tpu.memref_squeeze %dma_start3A_114 : memref<1x40x128xi32, #tpu.memory_space<hbm>> -> memref<40x128xi32, #tpu.memory_space<hbm>>
        %dma_start3A_116 = arith.constant 0 : i32
        %dma_start3A_117 = arith.constant 0 : i32
        %dma_start3A_118 = tpu.memref_slice %arg8[%dma_start3A_116, %dma_start3A_117] : memref<82x128xi32, #tpu.memory_space<vmem>> -> memref<40x128xi32, #tpu.memory_space<vmem>>
        %dma_start3A_119 = arith.constant 2460 : i32
        %dma_start3A_120 = arith.constant 0 : i32
        %dma_start3A_121 = tpu.memref_slice %arg4[%run_scoped3A_107, %dma_start3A_119, %dma_start3A_120] : memref<2x2500x128xi32, #tpu.memory_space<hbm>> -> memref<1x40x128xi32, #tpu.memory_space<hbm>>
        %dma_start3A_122 = tpu.memref_squeeze %dma_start3A_121 : memref<1x40x128xi32, #tpu.memory_space<hbm>> -> memref<40x128xi32, #tpu.memory_space<hbm>>
        tpu.enqueue_dma source(%dma_start3A_122 : memref<40x128xi32, #tpu.memory_space<hbm>>) target(%dma_start3A_118 : memref<40x128xi32, #tpu.memory_space<vmem>>) target_semaphore(%run_scoped3A_108 : memref<!tpu.dma_semaphore, #tpu.memory_space<semaphore_mem>>)
        %dma_wait3A_123 = arith.constant 0 : i32
        %dma_wait3A_124 = arith.constant 0 : i32
        %dma_wait3A_125 = tpu.memref_slice %arg8[%dma_wait3A_123, %dma_wait3A_124] : memref<82x128xi32, #tpu.memory_space<vmem>> -> memref<40x128xi32, #tpu.memory_space<vmem>>
        %dma_wait3A_126 = arith.constant 2460 : i32
        %dma_wait3A_127 = arith.constant 0 : i32
        %dma_wait3A_128 = tpu.memref_slice %arg4[%run_scoped3A_107, %dma_wait3A_126, %dma_wait3A_127] : memref<2x2500x128xi32, #tpu.memory_space<hbm>> -> memref<1x40x128xi32, #tpu.memory_space<hbm>>
        %dma_wait3A_129 = tpu.memref_squeeze %dma_wait3A_128 : memref<1x40x128xi32, #tpu.memory_space<hbm>> -> memref<40x128xi32, #tpu.memory_space<hbm>>
        %dma_wait3A_130 = arith.constant 0 : i32
        %dma_wait3A_131 = arith.constant 0 : i32
        %dma_wait3A_132 = tpu.memref_slice %arg8[%dma_wait3A_130, %dma_wait3A_131] : memref<82x128xi32, #tpu.memory_space<vmem>> -> memref<40x128xi32, #tpu.memory_space<vmem>>
        %dma_wait3A_133 = arith.constant 2460 : i32
        %dma_wait3A_134 = arith.constant 0 : i32
        %dma_wait3A_135 = tpu.memref_slice %arg4[%run_scoped3A_107, %dma_wait3A_133, %dma_wait3A_134] : memref<2x2500x128xi32, #tpu.memory_space<hbm>> -> memref<1x40x128xi32, #tpu.memory_space<hbm>>
        %dma_wait3A_136 = tpu.memref_squeeze %dma_wait3A_135 : memref<1x40x128xi32, #tpu.memory_space<hbm>> -> memref<40x128xi32, #tpu.memory_space<hbm>>
        tpu.wait_dma2 semaphore(%run_scoped3A_108 : memref<!tpu.dma_semaphore, #tpu.memory_space<semaphore_mem>>) src(%dma_wait3A_136 : memref<40x128xi32, #tpu.memory_space<hbm>>) dst(%dma_wait3A_132 : memref<40x128xi32, #tpu.memory_space<vmem>>)
        tpu.yield
      }) : () -> ()
      "tpu.region"() ({
        %run_scoped3A_108 = tpu.sem_alloc : memref<!tpu.dma_semaphore, #tpu.memory_space<semaphore_mem>>
        %dma_start3A_109 = arith.constant 40 : i32
        %dma_start3A_110 = arith.constant 0 : i32
        %dma_start3A_111 = tpu.memref_slice %arg7[%dma_start3A_109, %dma_start3A_110] : memref<82x128xi32, #tpu.memory_space<vmem>> -> memref<42x128xi32, #tpu.memory_space<vmem>>
        %dma_start3A_112 = arith.constant 0 : i32
        %dma_start3A_113 = arith.constant 0 : i32
        %dma_start3A_114 = tpu.memref_slice %arg5[%dma_start3A_112, %dma_start3A_113] : memref<124x128xi32, #tpu.memory_space<hbm>> -> memref<42x128xi32, #tpu.memory_space<hbm>>
        %dma_start3A_115 = arith.constant 40 : i32
        %dma_start3A_116 = arith.constant 0 : i32
        %dma_start3A_117 = tpu.memref_slice %arg7[%dma_start3A_115, %dma_start3A_116] : memref<82x128xi32, #tpu.memory_space<vmem>> -> memref<42x128xi32, #tpu.memory_space<vmem>>
        %dma_start3A_118 = arith.constant 0 : i32
        %dma_start3A_119 = arith.constant 0 : i32
        %dma_start3A_120 = tpu.memref_slice %arg5[%dma_start3A_118, %dma_start3A_119] : memref<124x128xi32, #tpu.memory_space<hbm>> -> memref<42x128xi32, #tpu.memory_space<hbm>>
        tpu.enqueue_dma source(%dma_start3A_120 : memref<42x128xi32, #tpu.memory_space<hbm>>) target(%dma_start3A_117 : memref<42x128xi32, #tpu.memory_space<vmem>>) target_semaphore(%run_scoped3A_108 : memref<!tpu.dma_semaphore, #tpu.memory_space<semaphore_mem>>)
        %dma_wait3A_121 = arith.constant 40 : i32
        %dma_wait3A_122 = arith.constant 0 : i32
        %dma_wait3A_123 = tpu.memref_slice %arg7[%dma_wait3A_121, %dma_wait3A_122] : memref<82x128xi32, #tpu.memory_space<vmem>> -> memref<42x128xi32, #tpu.memory_space<vmem>>
        %dma_wait3A_124 = arith.constant 0 : i32
        %dma_wait3A_125 = arith.constant 0 : i32
        %dma_wait3A_126 = tpu.memref_slice %arg5[%dma_wait3A_124, %dma_wait3A_125] : memref<124x128xi32, #tpu.memory_space<hbm>> -> memref<42x128xi32, #tpu.memory_space<hbm>>
        %dma_wait3A_127 = arith.constant 40 : i32
        %dma_wait3A_128 = arith.constant 0 : i32
        %dma_wait3A_129 = tpu.memref_slice %arg7[%dma_wait3A_127, %dma_wait3A_128] : memref<82x128xi32, #tpu.memory_space<vmem>> -> memref<42x128xi32, #tpu.memory_space<vmem>>
        %dma_wait3A_130 = arith.constant 0 : i32
        %dma_wait3A_131 = arith.constant 0 : i32
        %dma_wait3A_132 = tpu.memref_slice %arg5[%dma_wait3A_130, %dma_wait3A_131] : memref<124x128xi32, #tpu.memory_space<hbm>> -> memref<42x128xi32, #tpu.memory_space<hbm>>
        tpu.wait_dma2 semaphore(%run_scoped3A_108 : memref<!tpu.dma_semaphore, #tpu.memory_space<semaphore_mem>>) src(%dma_wait3A_132 : memref<42x128xi32, #tpu.memory_space<hbm>>) dst(%dma_wait3A_129 : memref<42x128xi32, #tpu.memory_space<vmem>>)
        tpu.yield
      }) : () -> ()
      "tpu.region"() ({
        %run_scoped3A_108 = tpu.sem_alloc : memref<!tpu.dma_semaphore, #tpu.memory_space<semaphore_mem>>
        %dma_start3A_109 = arith.constant 40 : i32
        %dma_start3A_110 = arith.constant 0 : i32
        %dma_start3A_111 = tpu.memref_slice %arg8[%dma_start3A_109, %dma_start3A_110] : memref<82x128xi32, #tpu.memory_space<vmem>> -> memref<42x128xi32, #tpu.memory_space<vmem>>
        %dma_start3A_112 = arith.constant 0 : i32
        %dma_start3A_113 = arith.constant 0 : i32
        %dma_start3A_114 = tpu.memref_slice %arg5[%dma_start3A_112, %dma_start3A_113] : memref<124x128xi32, #tpu.memory_space<hbm>> -> memref<42x128xi32, #tpu.memory_space<hbm>>
        %dma_start3A_115 = arith.constant 40 : i32
        %dma_start3A_116 = arith.constant 0 : i32
        %dma_start3A_117 = tpu.memref_slice %arg8[%dma_start3A_115, %dma_start3A_116] : memref<82x128xi32, #tpu.memory_space<vmem>> -> memref<42x128xi32, #tpu.memory_space<vmem>>
        %dma_start3A_118 = arith.constant 0 : i32
        %dma_start3A_119 = arith.constant 0 : i32
        %dma_start3A_120 = tpu.memref_slice %arg5[%dma_start3A_118, %dma_start3A_119] : memref<124x128xi32, #tpu.memory_space<hbm>> -> memref<42x128xi32, #tpu.memory_space<hbm>>
        tpu.enqueue_dma source(%dma_start3A_120 : memref<42x128xi32, #tpu.memory_space<hbm>>) target(%dma_start3A_117 : memref<42x128xi32, #tpu.memory_space<vmem>>) target_semaphore(%run_scoped3A_108 : memref<!tpu.dma_semaphore, #tpu.memory_space<semaphore_mem>>)
        %dma_wait3A_121 = arith.constant 40 : i32
        %dma_wait3A_122 = arith.constant 0 : i32
        %dma_wait3A_123 = tpu.memref_slice %arg8[%dma_wait3A_121, %dma_wait3A_122] : memref<82x128xi32, #tpu.memory_space<vmem>> -> memref<42x128xi32, #tpu.memory_space<vmem>>
        %dma_wait3A_124 = arith.constant 0 : i32
        %dma_wait3A_125 = arith.constant 0 : i32
        %dma_wait3A_126 = tpu.memref_slice %arg5[%dma_wait3A_124, %dma_wait3A_125] : memref<124x128xi32, #tpu.memory_space<hbm>> -> memref<42x128xi32, #tpu.memory_space<hbm>>
        %dma_wait3A_127 = arith.constant 40 : i32
        %dma_wait3A_128 = arith.constant 0 : i32
        %dma_wait3A_129 = tpu.memref_slice %arg8[%dma_wait3A_127, %dma_wait3A_128] : memref<82x128xi32, #tpu.memory_space<vmem>> -> memref<42x128xi32, #tpu.memory_space<vmem>>
        %dma_wait3A_130 = arith.constant 0 : i32
        %dma_wait3A_131 = arith.constant 0 : i32
        %dma_wait3A_132 = tpu.memref_slice %arg5[%dma_wait3A_130, %dma_wait3A_131] : memref<124x128xi32, #tpu.memory_space<hbm>> -> memref<42x128xi32, #tpu.memory_space<hbm>>
        tpu.wait_dma2 semaphore(%run_scoped3A_108 : memref<!tpu.dma_semaphore, #tpu.memory_space<semaphore_mem>>) src(%dma_wait3A_132 : memref<42x128xi32, #tpu.memory_space<hbm>>) dst(%dma_wait3A_129 : memref<42x128xi32, #tpu.memory_space<vmem>>)
        tpu.yield
      }) : () -> ()
    } else {
    }
    %eq3A_25 = arith.constant 31 : i32
    %eq3A_26 = arith.cmpi eq, %add3A, %eq3A_25 : i32
    %convert_element_type3A_27 = arith.extui %eq3A_26 : i1 to i32
    %cond3A_28 = arith.constant 0 : i32
    %cond3A_29 = arith.cmpi ne, %convert_element_type3A_27, %cond3A_28 : i32
    scf.if %cond3A_29 {
      "tpu.region"() ({
        %run_scoped3A_106 = tpu.sem_alloc : memref<!tpu.dma_semaphore, #tpu.memory_space<semaphore_mem>>
        %dma_start3A_107 = arith.constant 42 : i32
        %dma_start3A_108 = arith.constant 0 : i32
        %dma_start3A_109 = tpu.memref_slice %arg5[%dma_start3A_107, %dma_start3A_108] : memref<124x128xi32, #tpu.memory_space<hbm>> -> memref<82x128xi32, #tpu.memory_space<hbm>>
        %dma_start3A_110 = arith.constant 42 : i32
        %dma_start3A_111 = arith.constant 0 : i32
        %dma_start3A_112 = tpu.memref_slice %arg5[%dma_start3A_110, %dma_start3A_111] : memref<124x128xi32, #tpu.memory_space<hbm>> -> memref<82x128xi32, #tpu.memory_space<hbm>>
        tpu.enqueue_dma source(%dma_start3A_112 : memref<82x128xi32, #tpu.memory_space<hbm>>) target(%arg7 : memref<82x128xi32, #tpu.memory_space<vmem>>) target_semaphore(%run_scoped3A_106 : memref<!tpu.dma_semaphore, #tpu.memory_space<semaphore_mem>>)
        %dma_wait3A_113 = arith.constant 42 : i32
        %dma_wait3A_114 = arith.constant 0 : i32
        %dma_wait3A_115 = tpu.memref_slice %arg5[%dma_wait3A_113, %dma_wait3A_114] : memref<124x128xi32, #tpu.memory_space<hbm>> -> memref<82x128xi32, #tpu.memory_space<hbm>>
        %dma_wait3A_116 = arith.constant 42 : i32
        %dma_wait3A_117 = arith.constant 0 : i32
        %dma_wait3A_118 = tpu.memref_slice %arg5[%dma_wait3A_116, %dma_wait3A_117] : memref<124x128xi32, #tpu.memory_space<hbm>> -> memref<82x128xi32, #tpu.memory_space<hbm>>
        tpu.wait_dma2 semaphore(%run_scoped3A_106 : memref<!tpu.dma_semaphore, #tpu.memory_space<semaphore_mem>>) src(%dma_wait3A_118 : memref<82x128xi32, #tpu.memory_space<hbm>>) dst(%arg7 : memref<82x128xi32, #tpu.memory_space<vmem>>)
        tpu.yield
      }) : () -> ()
      "tpu.region"() ({
        %run_scoped3A_106 = tpu.sem_alloc : memref<!tpu.dma_semaphore, #tpu.memory_space<semaphore_mem>>
        %dma_start3A_107 = arith.constant 42 : i32
        %dma_start3A_108 = arith.constant 0 : i32
        %dma_start3A_109 = tpu.memref_slice %arg5[%dma_start3A_107, %dma_start3A_108] : memref<124x128xi32, #tpu.memory_space<hbm>> -> memref<82x128xi32, #tpu.memory_space<hbm>>
        %dma_start3A_110 = arith.constant 42 : i32
        %dma_start3A_111 = arith.constant 0 : i32
        %dma_start3A_112 = tpu.memref_slice %arg5[%dma_start3A_110, %dma_start3A_111] : memref<124x128xi32, #tpu.memory_space<hbm>> -> memref<82x128xi32, #tpu.memory_space<hbm>>
        tpu.enqueue_dma source(%dma_start3A_112 : memref<82x128xi32, #tpu.memory_space<hbm>>) target(%arg8 : memref<82x128xi32, #tpu.memory_space<vmem>>) target_semaphore(%run_scoped3A_106 : memref<!tpu.dma_semaphore, #tpu.memory_space<semaphore_mem>>)
        %dma_wait3A_113 = arith.constant 42 : i32
        %dma_wait3A_114 = arith.constant 0 : i32
        %dma_wait3A_115 = tpu.memref_slice %arg5[%dma_wait3A_113, %dma_wait3A_114] : memref<124x128xi32, #tpu.memory_space<hbm>> -> memref<82x128xi32, #tpu.memory_space<hbm>>
        %dma_wait3A_116 = arith.constant 42 : i32
        %dma_wait3A_117 = arith.constant 0 : i32
        %dma_wait3A_118 = tpu.memref_slice %arg5[%dma_wait3A_116, %dma_wait3A_117] : memref<124x128xi32, #tpu.memory_space<hbm>> -> memref<82x128xi32, #tpu.memory_space<hbm>>
        tpu.wait_dma2 semaphore(%run_scoped3A_106 : memref<!tpu.dma_semaphore, #tpu.memory_space<semaphore_mem>>) src(%dma_wait3A_118 : memref<82x128xi32, #tpu.memory_space<hbm>>) dst(%arg8 : memref<82x128xi32, #tpu.memory_space<vmem>>)
        tpu.yield
      }) : () -> ()
    } else {
    }
    %barrier3A = arith.constant 0 : index
    tpu.barrier barrier_id(%barrier3A)
    %dma_start3A = arith.constant 0 : i32
    %dma_start3A_30 = arith.constant 0 : i32
    %dma_start3A_31 = arith.constant 0 : i32
    %dma_start3A_32 = arith.constant 0 : i32
    %dma_start3A_33 = tpu.memref_slice %arg9[%dma_start3A_30, %dma_start3A_31, %dma_start3A_32] : memref<2x128x80xf32, #tpu.memory_space<vmem>> -> memref<1x128x80xf32, #tpu.memory_space<vmem>>
    %dma_start3A_34 = tpu.memref_squeeze %dma_start3A_33 : memref<1x128x80xf32, #tpu.memory_space<vmem>> -> memref<128x80xf32, #tpu.memory_space<vmem>>
    %dma_start3A_35 = arith.constant 0 : i32
    %dma_start3A_36 = tpu.memref_slice %arg7[%dma_start3A, %dma_start3A_35] : memref<82x128xi32, #tpu.memory_space<vmem>> -> memref<1x128xi32, #tpu.memory_space<vmem>>
    %dma_start3A_37 = tpu.memref_squeeze %dma_start3A_36 : memref<1x128xi32, #tpu.memory_space<vmem>> -> memref<128xi32, #tpu.memory_space<vmem>>
    %dma_start3A_38 = arith.constant 0 : i32
    %dma_start3A_39 = arith.constant 0 : i32
    %dma_start3A_40 = tpu.memref_slice %arg2[%dma_start3A_38, %dma_start3A_39] : memref<10112x80xf32, #tpu.memory_space<hbm>> -> memref<10112x80xf32, #tpu.memory_space<hbm>>
    tpu.enqueue_indirect_dma source(%dma_start3A_40 : memref<10112x80xf32, #tpu.memory_space<hbm>>) target(%dma_start3A_34 : memref<128x80xf32, #tpu.memory_space<vmem>>) offsets(%dma_start3A_37 : memref<128xi32, #tpu.memory_space<vmem>>) semaphore(%arg13 : memref<!tpu.dma_semaphore, #tpu.memory_space<semaphore_mem>>)
    %dma_start3A_41 = arith.constant 0 : i32
    %dma_start3A_42 = arith.constant 0 : i32
    %dma_start3A_43 = arith.constant 0 : i32
    %dma_start3A_44 = arith.constant 0 : i32
    %dma_start3A_45 = tpu.memref_slice %arg10[%dma_start3A_42, %dma_start3A_43, %dma_start3A_44] : memref<2x128x16xf32, #tpu.memory_space<vmem>> -> memref<1x128x16xf32, #tpu.memory_space<vmem>>
    %dma_start3A_46 = tpu.memref_squeeze %dma_start3A_45 : memref<1x128x16xf32, #tpu.memory_space<vmem>> -> memref<128x16xf32, #tpu.memory_space<vmem>>
    %dma_start3A_47 = arith.constant 0 : i32
    %dma_start3A_48 = tpu.memref_slice %arg8[%dma_start3A_41, %dma_start3A_47] : memref<82x128xi32, #tpu.memory_space<vmem>> -> memref<1x128xi32, #tpu.memory_space<vmem>>
    %dma_start3A_49 = tpu.memref_squeeze %dma_start3A_48 : memref<1x128xi32, #tpu.memory_space<vmem>> -> memref<128xi32, #tpu.memory_space<vmem>>
    %dma_start3A_50 = arith.constant 0 : i32
    %dma_start3A_51 = arith.constant 0 : i32
    %dma_start3A_52 = tpu.memref_slice %arg3[%dma_start3A_50, %dma_start3A_51] : memref<10112x16xf32, #tpu.memory_space<hbm>> -> memref<10112x16xf32, #tpu.memory_space<hbm>>
    tpu.enqueue_indirect_dma source(%dma_start3A_52 : memref<10112x16xf32, #tpu.memory_space<hbm>>) target(%dma_start3A_46 : memref<128x16xf32, #tpu.memory_space<vmem>>) offsets(%dma_start3A_49 : memref<128xi32, #tpu.memory_space<vmem>>) semaphore(%arg15 : memref<!tpu.dma_semaphore, #tpu.memory_space<semaphore_mem>>)
    %scan3A = arith.constant 0 : i32
    %scan3A_53 = arith.constant 0 : i32
    %scan3A_54 = arith.constant 41 : i32
    %scan3A_55 = arith.addi %scan3A_53, %scan3A_54 : i32
    %scan3A_56 = arith.constant 1 : i32
    scf.for %scan3A_106 = %scan3A_53 to %scan3A_55 step %scan3A_56  : i32 {
      %mul3A_107 = arith.constant 2 : i32
      %mul3A_108 = arith.muli %mul3A_107, %scan3A_106 : i32
      %add3A_109 = arith.constant 0 : i32
      %add3A_110 = arith.addi %mul3A_108, %add3A_109 : i32
      %add3A_111 = arith.constant 1 : i32
      %add3A_112 = arith.addi %add3A_110, %add3A_111 : i32
      %min3A = arith.constant 81 : i32
      %min3A_113 = arith.minsi %add3A_112, %min3A : i32
      %dma_start3A_114 = arith.constant 1 : i32
      %dma_start3A_115 = arith.constant 0 : i32
      %dma_start3A_116 = arith.constant 0 : i32
      %dma_start3A_117 = tpu.memref_slice %arg9[%dma_start3A_114, %dma_start3A_115, %dma_start3A_116] : memref<2x128x80xf32, #tpu.memory_space<vmem>> -> memref<1x128x80xf32, #tpu.memory_space<vmem>>
      %dma_start3A_118 = tpu.memref_squeeze %dma_start3A_117 : memref<1x128x80xf32, #tpu.memory_space<vmem>> -> memref<128x80xf32, #tpu.memory_space<vmem>>
      %dma_start3A_119 = arith.constant 0 : i32
      %dma_start3A_120 = tpu.memref_slice %arg7[%min3A_113, %dma_start3A_119] : memref<82x128xi32, #tpu.memory_space<vmem>> -> memref<1x128xi32, #tpu.memory_space<vmem>>
      %dma_start3A_121 = tpu.memref_squeeze %dma_start3A_120 : memref<1x128xi32, #tpu.memory_space<vmem>> -> memref<128xi32, #tpu.memory_space<vmem>>
      %dma_start3A_122 = arith.constant 0 : i32
      %dma_start3A_123 = arith.constant 0 : i32
      %dma_start3A_124 = tpu.memref_slice %arg2[%dma_start3A_122, %dma_start3A_123] : memref<10112x80xf32, #tpu.memory_space<hbm>> -> memref<10112x80xf32, #tpu.memory_space<hbm>>
      tpu.enqueue_indirect_dma source(%dma_start3A_124 : memref<10112x80xf32, #tpu.memory_space<hbm>>) target(%dma_start3A_118 : memref<128x80xf32, #tpu.memory_space<vmem>>) offsets(%dma_start3A_121 : memref<128xi32, #tpu.memory_space<vmem>>) semaphore(%arg14 : memref<!tpu.dma_semaphore, #tpu.memory_space<semaphore_mem>>)
      %dma_start3A_125 = arith.constant 1 : i32
      %dma_start3A_126 = arith.constant 0 : i32
      %dma_start3A_127 = arith.constant 0 : i32
      %dma_start3A_128 = tpu.memref_slice %arg10[%dma_start3A_125, %dma_start3A_126, %dma_start3A_127] : memref<2x128x16xf32, #tpu.memory_space<vmem>> -> memref<1x128x16xf32, #tpu.memory_space<vmem>>
      %dma_start3A_129 = tpu.memref_squeeze %dma_start3A_128 : memref<1x128x16xf32, #tpu.memory_space<vmem>> -> memref<128x16xf32, #tpu.memory_space<vmem>>
      %dma_start3A_130 = arith.constant 0 : i32
      %dma_start3A_131 = tpu.memref_slice %arg8[%min3A_113, %dma_start3A_130] : memref<82x128xi32, #tpu.memory_space<vmem>> -> memref<1x128xi32, #tpu.memory_space<vmem>>
      %dma_start3A_132 = tpu.memref_squeeze %dma_start3A_131 : memref<1x128xi32, #tpu.memory_space<vmem>> -> memref<128xi32, #tpu.memory_space<vmem>>
      %dma_start3A_133 = arith.constant 0 : i32
      %dma_start3A_134 = arith.constant 0 : i32
      %dma_start3A_135 = tpu.memref_slice %arg3[%dma_start3A_133, %dma_start3A_134] : memref<10112x16xf32, #tpu.memory_space<hbm>> -> memref<10112x16xf32, #tpu.memory_space<hbm>>
      tpu.enqueue_indirect_dma source(%dma_start3A_135 : memref<10112x16xf32, #tpu.memory_space<hbm>>) target(%dma_start3A_129 : memref<128x16xf32, #tpu.memory_space<vmem>>) offsets(%dma_start3A_132 : memref<128xi32, #tpu.memory_space<vmem>>) semaphore(%arg16 : memref<!tpu.dma_semaphore, #tpu.memory_space<semaphore_mem>>)
      %dma_wait3A_136 = arith.constant 0 : i32
      %dma_wait3A_137 = arith.constant 0 : i32
      %dma_wait3A_138 = arith.constant 0 : i32
      %dma_wait3A_139 = tpu.memref_slice %arg9[%dma_wait3A_136, %dma_wait3A_137, %dma_wait3A_138] : memref<2x128x80xf32, #tpu.memory_space<vmem>> -> memref<1x128x80xf32, #tpu.memory_space<vmem>>
      %dma_wait3A_140 = tpu.memref_squeeze %dma_wait3A_139 : memref<1x128x80xf32, #tpu.memory_space<vmem>> -> memref<128x80xf32, #tpu.memory_space<vmem>>
      %dma_wait3A_141 = arith.constant 0 : i32
      %dma_wait3A_142 = tpu.memref_slice %arg7[%add3A_110, %dma_wait3A_141] : memref<82x128xi32, #tpu.memory_space<vmem>> -> memref<1x128xi32, #tpu.memory_space<vmem>>
      %dma_wait3A_143 = tpu.memref_squeeze %dma_wait3A_142 : memref<1x128xi32, #tpu.memory_space<vmem>> -> memref<128xi32, #tpu.memory_space<vmem>>
      %dma_wait3A_144 = arith.constant 0 : i32
      %dma_wait3A_145 = arith.constant 0 : i32
      %dma_wait3A_146 = tpu.memref_slice %arg2[%dma_wait3A_144, %dma_wait3A_145] : memref<10112x80xf32, #tpu.memory_space<hbm>> -> memref<10112x80xf32, #tpu.memory_space<hbm>>
      tpu.wait_indirect_dma semaphore(%arg13 : memref<!tpu.dma_semaphore, #tpu.memory_space<semaphore_mem>>) src(%dma_wait3A_146 : memref<10112x80xf32, #tpu.memory_space<hbm>>) dst(%dma_wait3A_140 : memref<128x80xf32, #tpu.memory_space<vmem>>)
      %dma_wait3A_147 = arith.constant 0 : i32
      %dma_wait3A_148 = arith.constant 0 : i32
      %dma_wait3A_149 = arith.constant 0 : i32
      %dma_wait3A_150 = tpu.memref_slice %arg10[%dma_wait3A_147, %dma_wait3A_148, %dma_wait3A_149] : memref<2x128x16xf32, #tpu.memory_space<vmem>> -> memref<1x128x16xf32, #tpu.memory_space<vmem>>
      %dma_wait3A_151 = tpu.memref_squeeze %dma_wait3A_150 : memref<1x128x16xf32, #tpu.memory_space<vmem>> -> memref<128x16xf32, #tpu.memory_space<vmem>>
      %dma_wait3A_152 = arith.constant 0 : i32
      %dma_wait3A_153 = tpu.memref_slice %arg8[%add3A_110, %dma_wait3A_152] : memref<82x128xi32, #tpu.memory_space<vmem>> -> memref<1x128xi32, #tpu.memory_space<vmem>>
      %dma_wait3A_154 = tpu.memref_squeeze %dma_wait3A_153 : memref<1x128xi32, #tpu.memory_space<vmem>> -> memref<128xi32, #tpu.memory_space<vmem>>
      %dma_wait3A_155 = arith.constant 0 : i32
      %dma_wait3A_156 = arith.constant 0 : i32
      %dma_wait3A_157 = tpu.memref_slice %arg3[%dma_wait3A_155, %dma_wait3A_156] : memref<10112x16xf32, #tpu.memory_space<hbm>> -> memref<10112x16xf32, #tpu.memory_space<hbm>>
      tpu.wait_indirect_dma semaphore(%arg15 : memref<!tpu.dma_semaphore, #tpu.memory_space<semaphore_mem>>) src(%dma_wait3A_157 : memref<10112x16xf32, #tpu.memory_space<hbm>>) dst(%dma_wait3A_151 : memref<128x16xf32, #tpu.memory_space<vmem>>)
      %gt3A = arith.constant 0 : i32
      %gt3A_158 = arith.cmpi sgt, %scan3A_106, %gt3A : i32
      %convert_element_type3A_159 = arith.extui %gt3A_158 : i1 to i32
      %cond3A_160 = arith.constant 0 : i32
      %cond3A_161 = arith.cmpi ne, %convert_element_type3A_159, %cond3A_160 : i32
      scf.if %cond3A_161 {
        %dma_wait3A_247 = arith.constant 0 : i32
        %dma_wait3A_248 = arith.constant 0 : i32
        %dma_wait3A_249 = arith.constant 0 : i32
        %dma_wait3A_250 = tpu.memref_slice %arg11[%dma_wait3A_247, %dma_wait3A_248, %dma_wait3A_249] : memref<2x128x80xf32, #tpu.memory_space<vmem>> -> memref<1x128x80xf32, #tpu.memory_space<vmem>>
        %dma_wait3A_251 = tpu.memref_squeeze %dma_wait3A_250 : memref<1x128x80xf32, #tpu.memory_space<vmem>> -> memref<128x80xf32, #tpu.memory_space<vmem>>
        %dma_wait3A_252 = arith.constant 0 : i32
        %dma_wait3A_253 = tpu.memref_slice %arg8[%add3A_110, %dma_wait3A_252] : memref<82x128xi32, #tpu.memory_space<vmem>> -> memref<1x128xi32, #tpu.memory_space<vmem>>
        %dma_wait3A_254 = tpu.memref_squeeze %dma_wait3A_253 : memref<1x128xi32, #tpu.memory_space<vmem>> -> memref<128xi32, #tpu.memory_space<vmem>>
        %dma_wait3A_255 = arith.constant 0 : i32
        %dma_wait3A_256 = arith.constant 0 : i32
        %dma_wait3A_257 = tpu.memref_slice %arg12[%dma_wait3A_255, %dma_wait3A_256] : memref<10112x80xf32, #tpu.memory_space<vmem_shared>> -> memref<10112x80xf32, #tpu.memory_space<vmem_shared>>
        tpu.wait_indirect_dma semaphore(%arg17 : memref<!tpu.dma_semaphore, #tpu.memory_space<semaphore_mem>>) src(%dma_wait3A_251 : memref<128x80xf32, #tpu.memory_space<vmem>>) dst(%dma_wait3A_257 : memref<10112x80xf32, #tpu.memory_space<vmem_shared>>)
      } else {
      }
      %parallel_loop3A_162 = arith.constant 0 : i32
      %parallel_loop3A_163 = arith.constant 128 : i32
      %parallel_loop3A_164 = arith.constant 1 : i32
      scf.for %parallel_loop3A_247 = %parallel_loop3A_162 to %parallel_loop3A_163 step %parallel_loop3A_164  : i32 {
        %parallel_loop3A_248 = arith.constant 0 : i32
        %parallel_loop3A_249 = arith.index_cast %parallel_loop3A_248 : i32 to index
        %parallel_loop3A_250 = arith.index_cast %parallel_loop3A_247 : i32 to index
        %parallel_loop3A_251 = arith.constant 64 : index
        %parallel_loop3A_252 = tpu.vector_load %arg9[%parallel_loop3A_249, %parallel_loop3A_250, %parallel_loop3A_251] {strides = array<i32>} : memref<2x128x80xf32, #tpu.memory_space<vmem>>, vector<1x1x16xf32>,
        %parallel_loop3A_253 = vector.shape_cast %parallel_loop3A_252 : vector<1x1x16xf32> to vector<16xf32>
        %parallel_loop3A_254 = arith.constant 0 : i32
        %parallel_loop3A_255 = arith.index_cast %parallel_loop3A_254 : i32 to index
        %parallel_loop3A_256 = arith.index_cast %parallel_loop3A_247 : i32 to index
        %parallel_loop3A_257 = arith.constant 0 : index
        %parallel_loop3A_258 = tpu.vector_load %arg10[%parallel_loop3A_255, %parallel_loop3A_256, %parallel_loop3A_257] {strides = array<i32>} : memref<2x128x16xf32, #tpu.memory_space<vmem>>, vector<1x1x16xf32>,
        %parallel_loop3A_259 = vector.shape_cast %parallel_loop3A_258 : vector<1x1x16xf32> to vector<16xf32>
        %parallel_loop3A_260 = arith.addf %parallel_loop3A_253, %parallel_loop3A_259 : vector<16xf32>
        %parallel_loop3A_261 = arith.constant 2.000000e-01 : f32
        %parallel_loop3A_262 = vector.broadcast %parallel_loop3A_261 : f32 to vector<16xf32>
        %parallel_loop3A_263 = arith.mulf %parallel_loop3A_260, %parallel_loop3A_262 : vector<16xf32>
        %parallel_loop3A_264 = arith.maximumf %parallel_loop3A_260, %parallel_loop3A_263 : vector<16xf32>
        %parallel_loop3A_265 = math.exp %parallel_loop3A_264 : vector<16xf32>
        %parallel_loop3A_266 = arith.constant 0 : i32
        %parallel_loop3A_267 = arith.index_cast %parallel_loop3A_266 : i32 to index
        %parallel_loop3A_268 = arith.index_cast %parallel_loop3A_247 : i32 to index
        %parallel_loop3A_269 = arith.constant 64 : index
        %parallel_loop3A_270 = tpu.vector_load %arg11[%parallel_loop3A_267, %parallel_loop3A_268, %parallel_loop3A_269] {strides = array<i32>} : memref<2x128x80xf32, #tpu.memory_space<vmem>>, vector<1x1x16xf32>,
        %parallel_loop3A_271 = vector.shape_cast %parallel_loop3A_270 : vector<1x1x16xf32> to vector<16xf32>
        %parallel_loop3A_272 = vector.shape_cast %parallel_loop3A_265 : vector<16xf32> to vector<1x1x16xf32>
        tpu.vector_store %arg11[%parallel_loop3A_267, %parallel_loop3A_268, %parallel_loop3A_269], %parallel_loop3A_272 {strides = array<i32>} : memref<2x128x80xf32, #tpu.memory_space<vmem>>, vector<1x1x16xf32>,
        %parallel_loop3A_273 = arith.constant 0 : i32
        %parallel_loop3A_274 = arith.index_cast %parallel_loop3A_273 : i32 to index
        %parallel_loop3A_275 = arith.index_cast %parallel_loop3A_247 : i32 to index
        %parallel_loop3A_276 = arith.constant 0 : index
        %parallel_loop3A_277 = tpu.vector_load %arg9[%parallel_loop3A_274, %parallel_loop3A_275, %parallel_loop3A_276] {strides = array<i32>} : memref<2x128x80xf32, #tpu.memory_space<vmem>>, vector<1x1x16xf32>,
        %parallel_loop3A_278 = vector.shape_cast %parallel_loop3A_277 : vector<1x1x16xf32> to vector<16xf32>
        %parallel_loop3A_279 = arith.mulf %parallel_loop3A_278, %parallel_loop3A_265 : vector<16xf32>
        %parallel_loop3A_280 = arith.constant 0 : i32
        %parallel_loop3A_281 = arith.index_cast %parallel_loop3A_280 : i32 to index
        %parallel_loop3A_282 = arith.index_cast %parallel_loop3A_247 : i32 to index
        %parallel_loop3A_283 = arith.constant 0 : index
        %parallel_loop3A_284 = tpu.vector_load %arg11[%parallel_loop3A_281, %parallel_loop3A_282, %parallel_loop3A_283] {strides = array<i32>} : memref<2x128x80xf32, #tpu.memory_space<vmem>>, vector<1x1x16xf32>,
        %parallel_loop3A_285 = vector.shape_cast %parallel_loop3A_284 : vector<1x1x16xf32> to vector<16xf32>
        %parallel_loop3A_286 = vector.shape_cast %parallel_loop3A_279 : vector<16xf32> to vector<1x1x16xf32>
        tpu.vector_store %arg11[%parallel_loop3A_281, %parallel_loop3A_282, %parallel_loop3A_283], %parallel_loop3A_286 {strides = array<i32>} : memref<2x128x80xf32, #tpu.memory_space<vmem>>, vector<1x1x16xf32>,
        %parallel_loop3A_287 = arith.constant 0 : i32
        %parallel_loop3A_288 = arith.index_cast %parallel_loop3A_287 : i32 to index
        %parallel_loop3A_289 = arith.index_cast %parallel_loop3A_247 : i32 to index
        %parallel_loop3A_290 = arith.constant 16 : index
        %parallel_loop3A_291 = tpu.vector_load %arg9[%parallel_loop3A_288, %parallel_loop3A_289, %parallel_loop3A_290] {strides = array<i32>} : memref<2x128x80xf32, #tpu.memory_space<vmem>>, vector<1x1x16xf32>,
        %parallel_loop3A_292 = vector.shape_cast %parallel_loop3A_291 : vector<1x1x16xf32> to vector<16xf32>
        %parallel_loop3A_293 = arith.mulf %parallel_loop3A_292, %parallel_loop3A_265 : vector<16xf32>
        %parallel_loop3A_294 = arith.constant 0 : i32
        %parallel_loop3A_295 = arith.index_cast %parallel_loop3A_294 : i32 to index
        %parallel_loop3A_296 = arith.index_cast %parallel_loop3A_247 : i32 to index
        %parallel_loop3A_297 = arith.constant 16 : index
        %parallel_loop3A_298 = tpu.vector_load %arg11[%parallel_loop3A_295, %parallel_loop3A_296, %parallel_loop3A_297] {strides = array<i32>} : memref<2x128x80xf32, #tpu.memory_space<vmem>>, vector<1x1x16xf32>,
        %parallel_loop3A_299 = vector.shape_cast %parallel_loop3A_298 : vector<1x1x16xf32> to vector<16xf32>
        %parallel_loop3A_300 = vector.shape_cast %parallel_loop3A_293 : vector<16xf32> to vector<1x1x16xf32>
        tpu.vector_store %arg11[%parallel_loop3A_295, %parallel_loop3A_296, %parallel_loop3A_297], %parallel_loop3A_300 {strides = array<i32>} : memref<2x128x80xf32, #tpu.memory_space<vmem>>, vector<1x1x16xf32>,
        %parallel_loop3A_301 = arith.constant 0 : i32
        %parallel_loop3A_302 = arith.index_cast %parallel_loop3A_301 : i32 to index
        %parallel_loop3A_303 = arith.index_cast %parallel_loop3A_247 : i32 to index
        %parallel_loop3A_304 = arith.constant 32 : index
        %parallel_loop3A_305 = tpu.vector_load %arg9[%parallel_loop3A_302, %parallel_loop3A_303, %parallel_loop3A_304] {strides = array<i32>} : memref<2x128x80xf32, #tpu.memory_space<vmem>>, vector<1x1x16xf32>,
        %parallel_loop3A_306 = vector.shape_cast %parallel_loop3A_305 : vector<1x1x16xf32> to vector<16xf32>
        %parallel_loop3A_307 = arith.mulf %parallel_loop3A_306, %parallel_loop3A_265 : vector<16xf32>
        %parallel_loop3A_308 = arith.constant 0 : i32
        %parallel_loop3A_309 = arith.index_cast %parallel_loop3A_308 : i32 to index
        %parallel_loop3A_310 = arith.index_cast %parallel_loop3A_247 : i32 to index
        %parallel_loop3A_311 = arith.constant 32 : index
        %parallel_loop3A_312 = tpu.vector_load %arg11[%parallel_loop3A_309, %parallel_loop3A_310, %parallel_loop3A_311] {strides = array<i32>} : memref<2x128x80xf32, #tpu.memory_space<vmem>>, vector<1x1x16xf32>,
        %parallel_loop3A_313 = vector.shape_cast %parallel_loop3A_312 : vector<1x1x16xf32> to vector<16xf32>
        %parallel_loop3A_314 = vector.shape_cast %parallel_loop3A_307 : vector<16xf32> to vector<1x1x16xf32>
        tpu.vector_store %arg11[%parallel_loop3A_309, %parallel_loop3A_310, %parallel_loop3A_311], %parallel_loop3A_314 {strides = array<i32>} : memref<2x128x80xf32, #tpu.memory_space<vmem>>, vector<1x1x16xf32>,
        %parallel_loop3A_315 = arith.constant 0 : i32
        %parallel_loop3A_316 = arith.index_cast %parallel_loop3A_315 : i32 to index
        %parallel_loop3A_317 = arith.index_cast %parallel_loop3A_247 : i32 to index
        %parallel_loop3A_318 = arith.constant 48 : index
        %parallel_loop3A_319 = tpu.vector_load %arg9[%parallel_loop3A_316, %parallel_loop3A_317, %parallel_loop3A_318] {strides = array<i32>} : memref<2x128x80xf32, #tpu.memory_space<vmem>>, vector<1x1x16xf32>,
        %parallel_loop3A_320 = vector.shape_cast %parallel_loop3A_319 : vector<1x1x16xf32> to vector<16xf32>
        %parallel_loop3A_321 = arith.mulf %parallel_loop3A_320, %parallel_loop3A_265 : vector<16xf32>
        %parallel_loop3A_322 = arith.constant 0 : i32
        %parallel_loop3A_323 = arith.index_cast %parallel_loop3A_322 : i32 to index
        %parallel_loop3A_324 = arith.index_cast %parallel_loop3A_247 : i32 to index
        %parallel_loop3A_325 = arith.constant 48 : index
        %parallel_loop3A_326 = tpu.vector_load %arg11[%parallel_loop3A_323, %parallel_loop3A_324, %parallel_loop3A_325] {strides = array<i32>} : memref<2x128x80xf32, #tpu.memory_space<vmem>>, vector<1x1x16xf32>,
        %parallel_loop3A_327 = vector.shape_cast %parallel_loop3A_326 : vector<1x1x16xf32> to vector<16xf32>
        %parallel_loop3A_328 = vector.shape_cast %parallel_loop3A_321 : vector<16xf32> to vector<1x1x16xf32>
        tpu.vector_store %arg11[%parallel_loop3A_323, %parallel_loop3A_324, %parallel_loop3A_325], %parallel_loop3A_328 {strides = array<i32>} : memref<2x128x80xf32, #tpu.memory_space<vmem>>, vector<1x1x16xf32>,
      } {sc.loop_unroll_factor = 8 : i64, sc.parallel_access}
      %dma_start3A_165 = arith.constant 0 : i32
      %dma_start3A_166 = arith.constant 0 : i32
      %dma_start3A_167 = arith.constant 0 : i32
      %dma_start3A_168 = tpu.memref_slice %arg11[%dma_start3A_165, %dma_start3A_166, %dma_start3A_167] : memref<2x128x80xf32, #tpu.memory_space<vmem>> -> memref<1x128x80xf32, #tpu.memory_space<vmem>>
      %dma_start3A_169 = tpu.memref_squeeze %dma_start3A_168 : memref<1x128x80xf32, #tpu.memory_space<vmem>> -> memref<128x80xf32, #tpu.memory_space<vmem>>
      %dma_start3A_170 = arith.constant 0 : i32
      %dma_start3A_171 = tpu.memref_slice %arg8[%add3A_110, %dma_start3A_170] : memref<82x128xi32, #tpu.memory_space<vmem>> -> memref<1x128xi32, #tpu.memory_space<vmem>>
      %dma_start3A_172 = tpu.memref_squeeze %dma_start3A_171 : memref<1x128xi32, #tpu.memory_space<vmem>> -> memref<128xi32, #tpu.memory_space<vmem>>
      %dma_start3A_173 = arith.constant 0 : i32
      %dma_start3A_174 = arith.constant 0 : i32
      %dma_start3A_175 = tpu.memref_slice %arg12[%dma_start3A_173, %dma_start3A_174] : memref<10112x80xf32, #tpu.memory_space<vmem_shared>> -> memref<10112x80xf32, #tpu.memory_space<vmem_shared>>
      tpu.enqueue_indirect_dma source(%dma_start3A_169 : memref<128x80xf32, #tpu.memory_space<vmem>>) target(%dma_start3A_175 : memref<10112x80xf32, #tpu.memory_space<vmem_shared>>) offsets(%dma_start3A_172 : memref<128xi32, #tpu.memory_space<vmem>>) semaphore(%arg17 : memref<!tpu.dma_semaphore, #tpu.memory_space<semaphore_mem>>) {add = true}
      %mul3A_176 = arith.constant 2 : i32
      %mul3A_177 = arith.muli %mul3A_176, %scan3A_106 : i32
      %add3A_178 = arith.constant 1 : i32
      %add3A_179 = arith.addi %mul3A_177, %add3A_178 : i32
      %add3A_180 = arith.constant 1 : i32
      %add3A_181 = arith.addi %add3A_179, %add3A_180 : i32
      %min3A_182 = arith.constant 81 : i32
      %min3A_183 = arith.minsi %add3A_181, %min3A_182 : i32
      %dma_start3A_184 = arith.constant 0 : i32
      %dma_start3A_185 = arith.constant 0 : i32
      %dma_start3A_186 = arith.constant 0 : i32
      %dma_start3A_187 = tpu.memref_slice %arg9[%dma_start3A_184, %dma_start3A_185, %dma_start3A_186] : memref<2x128x80xf32, #tpu.memory_space<vmem>> -> memref<1x128x80xf32, #tpu.memory_space<vmem>>
      %dma_start3A_188 = tpu.memref_squeeze %dma_start3A_187 : memref<1x128x80xf32, #tpu.memory_space<vmem>> -> memref<128x80xf32, #tpu.memory_space<vmem>>
      %dma_start3A_189 = arith.constant 0 : i32
      %dma_start3A_190 = tpu.memref_slice %arg7[%min3A_183, %dma_start3A_189] : memref<82x128xi32, #tpu.memory_space<vmem>> -> memref<1x128xi32, #tpu.memory_space<vmem>>
      %dma_start3A_191 = tpu.memref_squeeze %dma_start3A_190 : memref<1x128xi32, #tpu.memory_space<vmem>> -> memref<128xi32, #tpu.memory_space<vmem>>
      %dma_start3A_192 = arith.constant 0 : i32
      %dma_start3A_193 = arith.constant 0 : i32
      %dma_start3A_194 = tpu.memref_slice %arg2[%dma_start3A_192, %dma_start3A_193] : memref<10112x80xf32, #tpu.memory_space<hbm>> -> memref<10112x80xf32, #tpu.memory_space<hbm>>
      tpu.enqueue_indirect_dma source(%dma_start3A_194 : memref<10112x80xf32, #tpu.memory_space<hbm>>) target(%dma_start3A_188 : memref<128x80xf32, #tpu.memory_space<vmem>>) offsets(%dma_start3A_191 : memref<128xi32, #tpu.memory_space<vmem>>) semaphore(%arg13 : memref<!tpu.dma_semaphore, #tpu.memory_space<semaphore_mem>>)
      %dma_start3A_195 = arith.constant 0 : i32
      %dma_start3A_196 = arith.constant 0 : i32
      %dma_start3A_197 = arith.constant 0 : i32
      %dma_start3A_198 = tpu.memref_slice %arg10[%dma_start3A_195, %dma_start3A_196, %dma_start3A_197] : memref<2x128x16xf32, #tpu.memory_space<vmem>> -> memref<1x128x16xf32, #tpu.memory_space<vmem>>
      %dma_start3A_199 = tpu.memref_squeeze %dma_start3A_198 : memref<1x128x16xf32, #tpu.memory_space<vmem>> -> memref<128x16xf32, #tpu.memory_space<vmem>>
      %dma_start3A_200 = arith.constant 0 : i32
      %dma_start3A_201 = tpu.memref_slice %arg8[%min3A_183, %dma_start3A_200] : memref<82x128xi32, #tpu.memory_space<vmem>> -> memref<1x128xi32, #tpu.memory_space<vmem>>
      %dma_start3A_202 = tpu.memref_squeeze %dma_start3A_201 : memref<1x128xi32, #tpu.memory_space<vmem>> -> memref<128xi32, #tpu.memory_space<vmem>>
      %dma_start3A_203 = arith.constant 0 : i32
      %dma_start3A_204 = arith.constant 0 : i32
      %dma_start3A_205 = tpu.memref_slice %arg3[%dma_start3A_203, %dma_start3A_204] : memref<10112x16xf32, #tpu.memory_space<hbm>> -> memref<10112x16xf32, #tpu.memory_space<hbm>>
      tpu.enqueue_indirect_dma source(%dma_start3A_205 : memref<10112x16xf32, #tpu.memory_space<hbm>>) target(%dma_start3A_199 : memref<128x16xf32, #tpu.memory_space<vmem>>) offsets(%dma_start3A_202 : memref<128xi32, #tpu.memory_space<vmem>>) semaphore(%arg15 : memref<!tpu.dma_semaphore, #tpu.memory_space<semaphore_mem>>)
      %dma_wait3A_206 = arith.constant 1 : i32
      %dma_wait3A_207 = arith.constant 0 : i32
      %dma_wait3A_208 = arith.constant 0 : i32
      %dma_wait3A_209 = tpu.memref_slice %arg9[%dma_wait3A_206, %dma_wait3A_207, %dma_wait3A_208] : memref<2x128x80xf32, #tpu.memory_space<vmem>> -> memref<1x128x80xf32, #tpu.memory_space<vmem>>
      %dma_wait3A_210 = tpu.memref_squeeze %dma_wait3A_209 : memref<1x128x80xf32, #tpu.memory_space<vmem>> -> memref<128x80xf32, #tpu.memory_space<vmem>>
      %dma_wait3A_211 = arith.constant 0 : i32
      %dma_wait3A_212 = tpu.memref_slice %arg7[%add3A_179, %dma_wait3A_211] : memref<82x128xi32, #tpu.memory_space<vmem>> -> memref<1x128xi32, #tpu.memory_space<vmem>>
      %dma_wait3A_213 = tpu.memref_squeeze %dma_wait3A_212 : memref<1x128xi32, #tpu.memory_space<vmem>> -> memref<128xi32, #tpu.memory_space<vmem>>
      %dma_wait3A_214 = arith.constant 0 : i32
      %dma_wait3A_215 = arith.constant 0 : i32
      %dma_wait3A_216 = tpu.memref_slice %arg2[%dma_wait3A_214, %dma_wait3A_215] : memref<10112x80xf32, #tpu.memory_space<hbm>> -> memref<10112x80xf32, #tpu.memory_space<hbm>>
      tpu.wait_indirect_dma semaphore(%arg14 : memref<!tpu.dma_semaphore, #tpu.memory_space<semaphore_mem>>) src(%dma_wait3A_216 : memref<10112x80xf32, #tpu.memory_space<hbm>>) dst(%dma_wait3A_210 : memref<128x80xf32, #tpu.memory_space<vmem>>)
      %dma_wait3A_217 = arith.constant 1 : i32
      %dma_wait3A_218 = arith.constant 0 : i32
      %dma_wait3A_219 = arith.constant 0 : i32
      %dma_wait3A_220 = tpu.memref_slice %arg10[%dma_wait3A_217, %dma_wait3A_218, %dma_wait3A_219] : memref<2x128x16xf32, #tpu.memory_space<vmem>> -> memref<1x128x16xf32, #tpu.memory_space<vmem>>
      %dma_wait3A_221 = tpu.memref_squeeze %dma_wait3A_220 : memref<1x128x16xf32, #tpu.memory_space<vmem>> -> memref<128x16xf32, #tpu.memory_space<vmem>>
      %dma_wait3A_222 = arith.constant 0 : i32
      %dma_wait3A_223 = tpu.memref_slice %arg8[%add3A_179, %dma_wait3A_222] : memref<82x128xi32, #tpu.memory_space<vmem>> -> memref<1x128xi32, #tpu.memory_space<vmem>>
      %dma_wait3A_224 = tpu.memref_squeeze %dma_wait3A_223 : memref<1x128xi32, #tpu.memory_space<vmem>> -> memref<128xi32, #tpu.memory_space<vmem>>
      %dma_wait3A_225 = arith.constant 0 : i32
      %dma_wait3A_226 = arith.constant 0 : i32
      %dma_wait3A_227 = tpu.memref_slice %arg3[%dma_wait3A_225, %dma_wait3A_226] : memref<10112x16xf32, #tpu.memory_space<hbm>> -> memref<10112x16xf32, #tpu.memory_space<hbm>>
      tpu.wait_indirect_dma semaphore(%arg16 : memref<!tpu.dma_semaphore, #tpu.memory_space<semaphore_mem>>) src(%dma_wait3A_227 : memref<10112x16xf32, #tpu.memory_space<hbm>>) dst(%dma_wait3A_221 : memref<128x16xf32, #tpu.memory_space<vmem>>)
      %gt3A_228 = arith.constant 0 : i32
      %gt3A_229 = arith.cmpi sgt, %scan3A_106, %gt3A_228 : i32
      %convert_element_type3A_230 = arith.extui %gt3A_229 : i1 to i32
      %cond3A_231 = arith.constant 0 : i32
      %cond3A_232 = arith.cmpi ne, %convert_element_type3A_230, %cond3A_231 : i32
      scf.if %cond3A_232 {
        %dma_wait3A_247 = arith.constant 1 : i32
        %dma_wait3A_248 = arith.constant 0 : i32
        %dma_wait3A_249 = arith.constant 0 : i32
        %dma_wait3A_250 = tpu.memref_slice %arg11[%dma_wait3A_247, %dma_wait3A_248, %dma_wait3A_249] : memref<2x128x80xf32, #tpu.memory_space<vmem>> -> memref<1x128x80xf32, #tpu.memory_space<vmem>>
        %dma_wait3A_251 = tpu.memref_squeeze %dma_wait3A_250 : memref<1x128x80xf32, #tpu.memory_space<vmem>> -> memref<128x80xf32, #tpu.memory_space<vmem>>
        %dma_wait3A_252 = arith.constant 0 : i32
        %dma_wait3A_253 = tpu.memref_slice %arg8[%add3A_179, %dma_wait3A_252] : memref<82x128xi32, #tpu.memory_space<vmem>> -> memref<1x128xi32, #tpu.memory_space<vmem>>
        %dma_wait3A_254 = tpu.memref_squeeze %dma_wait3A_253 : memref<1x128xi32, #tpu.memory_space<vmem>> -> memref<128xi32, #tpu.memory_space<vmem>>
        %dma_wait3A_255 = arith.constant 0 : i32
        %dma_wait3A_256 = arith.constant 0 : i32
        %dma_wait3A_257 = tpu.memref_slice %arg12[%dma_wait3A_255, %dma_wait3A_256] : memref<10112x80xf32, #tpu.memory_space<vmem_shared>> -> memref<10112x80xf32, #tpu.memory_space<vmem_shared>>
        tpu.wait_indirect_dma semaphore(%arg18 : memref<!tpu.dma_semaphore, #tpu.memory_space<semaphore_mem>>) src(%dma_wait3A_251 : memref<128x80xf32, #tpu.memory_space<vmem>>) dst(%dma_wait3A_257 : memref<10112x80xf32, #tpu.memory_space<vmem_shared>>)
      } else {
      }
      %parallel_loop3A_233 = arith.constant 0 : i32
      %parallel_loop3A_234 = arith.constant 128 : i32
      %parallel_loop3A_235 = arith.constant 1 : i32
      scf.for %parallel_loop3A_247 = %parallel_loop3A_233 to %parallel_loop3A_234 step %parallel_loop3A_235  : i32 {
        %parallel_loop3A_248 = arith.constant 1 : i32
        %parallel_loop3A_249 = arith.index_cast %parallel_loop3A_248 : i32 to index
        %parallel_loop3A_250 = arith.index_cast %parallel_loop3A_247 : i32 to index
        %parallel_loop3A_251 = arith.constant 64 : index
        %parallel_loop3A_252 = tpu.vector_load %arg9[%parallel_loop3A_249, %parallel_loop3A_250, %parallel_loop3A_251] {strides = array<i32>} : memref<2x128x80xf32, #tpu.memory_space<vmem>>, vector<1x1x16xf32>,
        %parallel_loop3A_253 = vector.shape_cast %parallel_loop3A_252 : vector<1x1x16xf32> to vector<16xf32>
        %parallel_loop3A_254 = arith.constant 1 : i32
        %parallel_loop3A_255 = arith.index_cast %parallel_loop3A_254 : i32 to index
        %parallel_loop3A_256 = arith.index_cast %parallel_loop3A_247 : i32 to index
        %parallel_loop3A_257 = arith.constant 0 : index
        %parallel_loop3A_258 = tpu.vector_load %arg10[%parallel_loop3A_255, %parallel_loop3A_256, %parallel_loop3A_257] {strides = array<i32>} : memref<2x128x16xf32, #tpu.memory_space<vmem>>, vector<1x1x16xf32>,
        %parallel_loop3A_259 = vector.shape_cast %parallel_loop3A_258 : vector<1x1x16xf32> to vector<16xf32>
        %parallel_loop3A_260 = arith.addf %parallel_loop3A_253, %parallel_loop3A_259 : vector<16xf32>
        %parallel_loop3A_261 = arith.constant 2.000000e-01 : f32
        %parallel_loop3A_262 = vector.broadcast %parallel_loop3A_261 : f32 to vector<16xf32>
        %parallel_loop3A_263 = arith.mulf %parallel_loop3A_260, %parallel_loop3A_262 : vector<16xf32>
        %parallel_loop3A_264 = arith.maximumf %parallel_loop3A_260, %parallel_loop3A_263 : vector<16xf32>
        %parallel_loop3A_265 = math.exp %parallel_loop3A_264 : vector<16xf32>
        %parallel_loop3A_266 = arith.constant 1 : i32
        %parallel_loop3A_267 = arith.index_cast %parallel_loop3A_266 : i32 to index
        %parallel_loop3A_268 = arith.index_cast %parallel_loop3A_247 : i32 to index
        %parallel_loop3A_269 = arith.constant 64 : index
        %parallel_loop3A_270 = tpu.vector_load %arg11[%parallel_loop3A_267, %parallel_loop3A_268, %parallel_loop3A_269] {strides = array<i32>} : memref<2x128x80xf32, #tpu.memory_space<vmem>>, vector<1x1x16xf32>,
        %parallel_loop3A_271 = vector.shape_cast %parallel_loop3A_270 : vector<1x1x16xf32> to vector<16xf32>
        %parallel_loop3A_272 = vector.shape_cast %parallel_loop3A_265 : vector<16xf32> to vector<1x1x16xf32>
        tpu.vector_store %arg11[%parallel_loop3A_267, %parallel_loop3A_268, %parallel_loop3A_269], %parallel_loop3A_272 {strides = array<i32>} : memref<2x128x80xf32, #tpu.memory_space<vmem>>, vector<1x1x16xf32>,
        %parallel_loop3A_273 = arith.constant 1 : i32
        %parallel_loop3A_274 = arith.index_cast %parallel_loop3A_273 : i32 to index
        %parallel_loop3A_275 = arith.index_cast %parallel_loop3A_247 : i32 to index
        %parallel_loop3A_276 = arith.constant 0 : index
        %parallel_loop3A_277 = tpu.vector_load %arg9[%parallel_loop3A_274, %parallel_loop3A_275, %parallel_loop3A_276] {strides = array<i32>} : memref<2x128x80xf32, #tpu.memory_space<vmem>>, vector<1x1x16xf32>,
        %parallel_loop3A_278 = vector.shape_cast %parallel_loop3A_277 : vector<1x1x16xf32> to vector<16xf32>
        %parallel_loop3A_279 = arith.mulf %parallel_loop3A_278, %parallel_loop3A_265 : vector<16xf32>
        %parallel_loop3A_280 = arith.constant 1 : i32
        %parallel_loop3A_281 = arith.index_cast %parallel_loop3A_280 : i32 to index
        %parallel_loop3A_282 = arith.index_cast %parallel_loop3A_247 : i32 to index
        %parallel_loop3A_283 = arith.constant 0 : index
        %parallel_loop3A_284 = tpu.vector_load %arg11[%parallel_loop3A_281, %parallel_loop3A_282, %parallel_loop3A_283] {strides = array<i32>} : memref<2x128x80xf32, #tpu.memory_space<vmem>>, vector<1x1x16xf32>,
        %parallel_loop3A_285 = vector.shape_cast %parallel_loop3A_284 : vector<1x1x16xf32> to vector<16xf32>
        %parallel_loop3A_286 = vector.shape_cast %parallel_loop3A_279 : vector<16xf32> to vector<1x1x16xf32>
        tpu.vector_store %arg11[%parallel_loop3A_281, %parallel_loop3A_282, %parallel_loop3A_283], %parallel_loop3A_286 {strides = array<i32>} : memref<2x128x80xf32, #tpu.memory_space<vmem>>, vector<1x1x16xf32>,
        %parallel_loop3A_287 = arith.constant 1 : i32
        %parallel_loop3A_288 = arith.index_cast %parallel_loop3A_287 : i32 to index
        %parallel_loop3A_289 = arith.index_cast %parallel_loop3A_247 : i32 to index
        %parallel_loop3A_290 = arith.constant 16 : index
        %parallel_loop3A_291 = tpu.vector_load %arg9[%parallel_loop3A_288, %parallel_loop3A_289, %parallel_loop3A_290] {strides = array<i32>} : memref<2x128x80xf32, #tpu.memory_space<vmem>>, vector<1x1x16xf32>,
        %parallel_loop3A_292 = vector.shape_cast %parallel_loop3A_291 : vector<1x1x16xf32> to vector<16xf32>
        %parallel_loop3A_293 = arith.mulf %parallel_loop3A_292, %parallel_loop3A_265 : vector<16xf32>
        %parallel_loop3A_294 = arith.constant 1 : i32
        %parallel_loop3A_295 = arith.index_cast %parallel_loop3A_294 : i32 to index
        %parallel_loop3A_296 = arith.index_cast %parallel_loop3A_247 : i32 to index
        %parallel_loop3A_297 = arith.constant 16 : index
        %parallel_loop3A_298 = tpu.vector_load %arg11[%parallel_loop3A_295, %parallel_loop3A_296, %parallel_loop3A_297] {strides = array<i32>} : memref<2x128x80xf32, #tpu.memory_space<vmem>>, vector<1x1x16xf32>,
        %parallel_loop3A_299 = vector.shape_cast %parallel_loop3A_298 : vector<1x1x16xf32> to vector<16xf32>
        %parallel_loop3A_300 = vector.shape_cast %parallel_loop3A_293 : vector<16xf32> to vector<1x1x16xf32>
        tpu.vector_store %arg11[%parallel_loop3A_295, %parallel_loop3A_296, %parallel_loop3A_297], %parallel_loop3A_300 {strides = array<i32>} : memref<2x128x80xf32, #tpu.memory_space<vmem>>, vector<1x1x16xf32>,
        %parallel_loop3A_301 = arith.constant 1 : i32
        %parallel_loop3A_302 = arith.index_cast %parallel_loop3A_301 : i32 to index
        %parallel_loop3A_303 = arith.index_cast %parallel_loop3A_247 : i32 to index
        %parallel_loop3A_304 = arith.constant 32 : index
        %parallel_loop3A_305 = tpu.vector_load %arg9[%parallel_loop3A_302, %parallel_loop3A_303, %parallel_loop3A_304] {strides = array<i32>} : memref<2x128x80xf32, #tpu.memory_space<vmem>>, vector<1x1x16xf32>,
        %parallel_loop3A_306 = vector.shape_cast %parallel_loop3A_305 : vector<1x1x16xf32> to vector<16xf32>
        %parallel_loop3A_307 = arith.mulf %parallel_loop3A_306, %parallel_loop3A_265 : vector<16xf32>
        %parallel_loop3A_308 = arith.constant 1 : i32
        %parallel_loop3A_309 = arith.index_cast %parallel_loop3A_308 : i32 to index
        %parallel_loop3A_310 = arith.index_cast %parallel_loop3A_247 : i32 to index
        %parallel_loop3A_311 = arith.constant 32 : index
        %parallel_loop3A_312 = tpu.vector_load %arg11[%parallel_loop3A_309, %parallel_loop3A_310, %parallel_loop3A_311] {strides = array<i32>} : memref<2x128x80xf32, #tpu.memory_space<vmem>>, vector<1x1x16xf32>,
        %parallel_loop3A_313 = vector.shape_cast %parallel_loop3A_312 : vector<1x1x16xf32> to vector<16xf32>
        %parallel_loop3A_314 = vector.shape_cast %parallel_loop3A_307 : vector<16xf32> to vector<1x1x16xf32>
        tpu.vector_store %arg11[%parallel_loop3A_309, %parallel_loop3A_310, %parallel_loop3A_311], %parallel_loop3A_314 {strides = array<i32>} : memref<2x128x80xf32, #tpu.memory_space<vmem>>, vector<1x1x16xf32>,
        %parallel_loop3A_315 = arith.constant 1 : i32
        %parallel_loop3A_316 = arith.index_cast %parallel_loop3A_315 : i32 to index
        %parallel_loop3A_317 = arith.index_cast %parallel_loop3A_247 : i32 to index
        %parallel_loop3A_318 = arith.constant 48 : index
        %parallel_loop3A_319 = tpu.vector_load %arg9[%parallel_loop3A_316, %parallel_loop3A_317, %parallel_loop3A_318] {strides = array<i32>} : memref<2x128x80xf32, #tpu.memory_space<vmem>>, vector<1x1x16xf32>,
        %parallel_loop3A_320 = vector.shape_cast %parallel_loop3A_319 : vector<1x1x16xf32> to vector<16xf32>
        %parallel_loop3A_321 = arith.mulf %parallel_loop3A_320, %parallel_loop3A_265 : vector<16xf32>
        %parallel_loop3A_322 = arith.constant 1 : i32
        %parallel_loop3A_323 = arith.index_cast %parallel_loop3A_322 : i32 to index
        %parallel_loop3A_324 = arith.index_cast %parallel_loop3A_247 : i32 to index
        %parallel_loop3A_325 = arith.constant 48 : index
        %parallel_loop3A_326 = tpu.vector_load %arg11[%parallel_loop3A_323, %parallel_loop3A_324, %parallel_loop3A_325] {strides = array<i32>} : memref<2x128x80xf32, #tpu.memory_space<vmem>>, vector<1x1x16xf32>,
        %parallel_loop3A_327 = vector.shape_cast %parallel_loop3A_326 : vector<1x1x16xf32> to vector<16xf32>
        %parallel_loop3A_328 = vector.shape_cast %parallel_loop3A_321 : vector<16xf32> to vector<1x1x16xf32>
        tpu.vector_store %arg11[%parallel_loop3A_323, %parallel_loop3A_324, %parallel_loop3A_325], %parallel_loop3A_328 {strides = array<i32>} : memref<2x128x80xf32, #tpu.memory_space<vmem>>, vector<1x1x16xf32>,
      } {sc.loop_unroll_factor = 8 : i64, sc.parallel_access}
      %dma_start3A_236 = arith.constant 1 : i32
      %dma_start3A_237 = arith.constant 0 : i32
      %dma_start3A_238 = arith.constant 0 : i32
      %dma_start3A_239 = tpu.memref_slice %arg11[%dma_start3A_236, %dma_start3A_237, %dma_start3A_238] : memref<2x128x80xf32, #tpu.memory_space<vmem>> -> memref<1x128x80xf32, #tpu.memory_space<vmem>>
      %dma_start3A_240 = tpu.memref_squeeze %dma_start3A_239 : memref<1x128x80xf32, #tpu.memory_space<vmem>> -> memref<128x80xf32, #tpu.memory_space<vmem>>
      %dma_start3A_241 = arith.constant 0 : i32
      %dma_start3A_242 = tpu.memref_slice %arg8[%add3A_179, %dma_start3A_241] : memref<82x128xi32, #tpu.memory_space<vmem>> -> memref<1x128xi32, #tpu.memory_space<vmem>>
      %dma_start3A_243 = tpu.memref_squeeze %dma_start3A_242 : memref<1x128xi32, #tpu.memory_space<vmem>> -> memref<128xi32, #tpu.memory_space<vmem>>
      %dma_start3A_244 = arith.constant 0 : i32
      %dma_start3A_245 = arith.constant 0 : i32
      %dma_start3A_246 = tpu.memref_slice %arg12[%dma_start3A_244, %dma_start3A_245] : memref<10112x80xf32, #tpu.memory_space<vmem_shared>> -> memref<10112x80xf32, #tpu.memory_space<vmem_shared>>
      tpu.enqueue_indirect_dma source(%dma_start3A_240 : memref<128x80xf32, #tpu.memory_space<vmem>>) target(%dma_start3A_246 : memref<10112x80xf32, #tpu.memory_space<vmem_shared>>) offsets(%dma_start3A_243 : memref<128xi32, #tpu.memory_space<vmem>>) semaphore(%arg18 : memref<!tpu.dma_semaphore, #tpu.memory_space<semaphore_mem>>) {add = true}
    }
    %scan3A_57 = arith.constant 41 : i32
    %dma_wait3A = arith.constant 81 : i32
    %dma_wait3A_58 = arith.constant 0 : i32
    %dma_wait3A_59 = arith.constant 0 : i32
    %dma_wait3A_60 = arith.constant 0 : i32
    %dma_wait3A_61 = tpu.memref_slice %arg9[%dma_wait3A_58, %dma_wait3A_59, %dma_wait3A_60] : memref<2x128x80xf32, #tpu.memory_space<vmem>> -> memref<1x128x80xf32, #tpu.memory_space<vmem>>
    %dma_wait3A_62 = tpu.memref_squeeze %dma_wait3A_61 : memref<1x128x80xf32, #tpu.memory_space<vmem>> -> memref<128x80xf32, #tpu.memory_space<vmem>>
    %dma_wait3A_63 = arith.constant 0 : i32
    %dma_wait3A_64 = tpu.memref_slice %arg7[%dma_wait3A, %dma_wait3A_63] : memref<82x128xi32, #tpu.memory_space<vmem>> -> memref<1x128xi32, #tpu.memory_space<vmem>>
    %dma_wait3A_65 = tpu.memref_squeeze %dma_wait3A_64 : memref<1x128xi32, #tpu.memory_space<vmem>> -> memref<128xi32, #tpu.memory_space<vmem>>
    %dma_wait3A_66 = arith.constant 0 : i32
    %dma_wait3A_67 = arith.constant 0 : i32
    %dma_wait3A_68 = tpu.memref_slice %arg2[%dma_wait3A_66, %dma_wait3A_67] : memref<10112x80xf32, #tpu.memory_space<hbm>> -> memref<10112x80xf32, #tpu.memory_space<hbm>>
    tpu.wait_indirect_dma semaphore(%arg13 : memref<!tpu.dma_semaphore, #tpu.memory_space<semaphore_mem>>) src(%dma_wait3A_68 : memref<10112x80xf32, #tpu.memory_space<hbm>>) dst(%dma_wait3A_62 : memref<128x80xf32, #tpu.memory_space<vmem>>)
    %dma_wait3A_69 = arith.constant 81 : i32
    %dma_wait3A_70 = arith.constant 0 : i32
    %dma_wait3A_71 = arith.constant 0 : i32
    %dma_wait3A_72 = arith.constant 0 : i32
    %dma_wait3A_73 = tpu.memref_slice %arg10[%dma_wait3A_70, %dma_wait3A_71, %dma_wait3A_72] : memref<2x128x16xf32, #tpu.memory_space<vmem>> -> memref<1x128x16xf32, #tpu.memory_space<vmem>>
    %dma_wait3A_74 = tpu.memref_squeeze %dma_wait3A_73 : memref<1x128x16xf32, #tpu.memory_space<vmem>> -> memref<128x16xf32, #tpu.memory_space<vmem>>
    %dma_wait3A_75 = arith.constant 0 : i32
    %dma_wait3A_76 = tpu.memref_slice %arg8[%dma_wait3A_69, %dma_wait3A_75] : memref<82x128xi32, #tpu.memory_space<vmem>> -> memref<1x128xi32, #tpu.memory_space<vmem>>
    %dma_wait3A_77 = tpu.memref_squeeze %dma_wait3A_76 : memref<1x128xi32, #tpu.memory_space<vmem>> -> memref<128xi32, #tpu.memory_space<vmem>>
    %dma_wait3A_78 = arith.constant 0 : i32
    %dma_wait3A_79 = arith.constant 0 : i32
    %dma_wait3A_80 = tpu.memref_slice %arg3[%dma_wait3A_78, %dma_wait3A_79] : memref<10112x16xf32, #tpu.memory_space<hbm>> -> memref<10112x16xf32, #tpu.memory_space<hbm>>
    tpu.wait_indirect_dma semaphore(%arg15 : memref<!tpu.dma_semaphore, #tpu.memory_space<semaphore_mem>>) src(%dma_wait3A_80 : memref<10112x16xf32, #tpu.memory_space<hbm>>) dst(%dma_wait3A_74 : memref<128x16xf32, #tpu.memory_space<vmem>>)
    %dma_wait3A_81 = arith.constant 0 : i32
    %dma_wait3A_82 = arith.constant 80 : i32
    %dma_wait3A_83 = arith.constant 0 : i32
    %dma_wait3A_84 = arith.constant 0 : i32
    %dma_wait3A_85 = tpu.memref_slice %arg11[%dma_wait3A_81, %dma_wait3A_83, %dma_wait3A_84] : memref<2x128x80xf32, #tpu.memory_space<vmem>> -> memref<1x128x80xf32, #tpu.memory_space<vmem>>
    %dma_wait3A_86 = tpu.memref_squeeze %dma_wait3A_85 : memref<1x128x80xf32, #tpu.memory_space<vmem>> -> memref<128x80xf32, #tpu.memory_space<vmem>>
    %dma_wait3A_87 = arith.constant 0 : i32
    %dma_wait3A_88 = tpu.memref_slice %arg8[%dma_wait3A_82, %dma_wait3A_87] : memref<82x128xi32, #tpu.memory_space<vmem>> -> memref<1x128xi32, #tpu.memory_space<vmem>>
    %dma_wait3A_89 = tpu.memref_squeeze %dma_wait3A_88 : memref<1x128xi32, #tpu.memory_space<vmem>> -> memref<128xi32, #tpu.memory_space<vmem>>
    %dma_wait3A_90 = arith.constant 0 : i32
    %dma_wait3A_91 = arith.constant 0 : i32
    %dma_wait3A_92 = tpu.memref_slice %arg12[%dma_wait3A_90, %dma_wait3A_91] : memref<10112x80xf32, #tpu.memory_space<vmem_shared>> -> memref<10112x80xf32, #tpu.memory_space<vmem_shared>>
    tpu.wait_indirect_dma semaphore(%arg17 : memref<!tpu.dma_semaphore, #tpu.memory_space<semaphore_mem>>) src(%dma_wait3A_86 : memref<128x80xf32, #tpu.memory_space<vmem>>) dst(%dma_wait3A_92 : memref<10112x80xf32, #tpu.memory_space<vmem_shared>>)
    %dma_wait3A_93 = arith.constant 1 : i32
    %dma_wait3A_94 = arith.constant 81 : i32
    %dma_wait3A_95 = arith.constant 0 : i32
    %dma_wait3A_96 = arith.constant 0 : i32
    %dma_wait3A_97 = tpu.memref_slice %arg11[%dma_wait3A_93, %dma_wait3A_95, %dma_wait3A_96] : memref<2x128x80xf32, #tpu.memory_space<vmem>> -> memref<1x128x80xf32, #tpu.memory_space<vmem>>
    %dma_wait3A_98 = tpu.memref_squeeze %dma_wait3A_97 : memref<1x128x80xf32, #tpu.memory_space<vmem>> -> memref<128x80xf32, #tpu.memory_space<vmem>>
    %dma_wait3A_99 = arith.constant 0 : i32
    %dma_wait3A_100 = tpu.memref_slice %arg8[%dma_wait3A_94, %dma_wait3A_99] : memref<82x128xi32, #tpu.memory_space<vmem>> -> memref<1x128xi32, #tpu.memory_space<vmem>>
    %dma_wait3A_101 = tpu.memref_squeeze %dma_wait3A_100 : memref<1x128xi32, #tpu.memory_space<vmem>> -> memref<128xi32, #tpu.memory_space<vmem>>
    %dma_wait3A_102 = arith.constant 0 : i32
    %dma_wait3A_103 = arith.constant 0 : i32
    %dma_wait3A_104 = tpu.memref_slice %arg12[%dma_wait3A_102, %dma_wait3A_103] : memref<10112x80xf32, #tpu.memory_space<vmem_shared>> -> memref<10112x80xf32, #tpu.memory_space<vmem_shared>>
    tpu.wait_indirect_dma semaphore(%arg18 : memref<!tpu.dma_semaphore, #tpu.memory_space<semaphore_mem>>) src(%dma_wait3A_98 : memref<128x80xf32, #tpu.memory_space<vmem>>) dst(%dma_wait3A_104 : memref<10112x80xf32, #tpu.memory_space<vmem_shared>>)
    %barrier3A_105 = arith.constant 0 : index
    tpu.barrier barrier_id(%barrier3A_105)
    "tpu.region"() ({
      %run_scoped3A_106 = tpu.sem_alloc : memref<!tpu.dma_semaphore, #tpu.memory_space<semaphore_mem>>
      %dma_start3A_107 = arith.constant 0 : i32
      %dma_start3A_108 = tpu.memref_slice %arg6[%arg0, %mul3A_2, %dma_start3A_107] : memref<2x10112x80xf32, #tpu.memory_space<hbm>> -> memref<1x632x80xf32, #tpu.memory_space<hbm>>
      %dma_start3A_109 = tpu.memref_squeeze %dma_start3A_108 : memref<1x632x80xf32, #tpu.memory_space<hbm>> -> memref<632x80xf32, #tpu.memory_space<hbm>>
      %dma_start3A_110 = arith.constant 0 : i32
      %dma_start3A_111 = tpu.memref_slice %arg12[%mul3A_2, %dma_start3A_110] : memref<10112x80xf32, #tpu.memory_space<vmem_shared>> -> memref<632x80xf32, #tpu.memory_space<vmem_shared>>
      tpu.enqueue_dma source(%dma_start3A_111 : memref<632x80xf32, #tpu.memory_space<vmem_shared>>) target(%dma_start3A_109 : memref<632x80xf32, #tpu.memory_space<hbm>>) target_semaphore(%run_scoped3A_106 : memref<!tpu.dma_semaphore, #tpu.memory_space<semaphore_mem>>)
      %dma_wait3A_112 = arith.constant 0 : i32
      %dma_wait3A_113 = tpu.memref_slice %arg6[%arg0, %mul3A_2, %dma_wait3A_112] : memref<2x10112x80xf32, #tpu.memory_space<hbm>> -> memref<1x632x80xf32, #tpu.memory_space<hbm>>
      %dma_wait3A_114 = tpu.memref_squeeze %dma_wait3A_113 : memref<1x632x80xf32, #tpu.memory_space<hbm>> -> memref<632x80xf32, #tpu.memory_space<hbm>>
      %dma_wait3A_115 = arith.constant 0 : i32
      %dma_wait3A_116 = tpu.memref_slice %arg12[%mul3A_2, %dma_wait3A_115] : memref<10112x80xf32, #tpu.memory_space<vmem_shared>> -> memref<632x80xf32, #tpu.memory_space<vmem_shared>>
      tpu.wait_dma2 semaphore(%run_scoped3A_106 : memref<!tpu.dma_semaphore, #tpu.memory_space<semaphore_mem>>) src(%dma_wait3A_116 : memref<632x80xf32, #tpu.memory_space<vmem_shared>>) dst(%dma_wait3A_114 : memref<632x80xf32, #tpu.memory_space<hbm>>)
      tpu.yield
    }) : () -> ()
    return
  }
}

module attributes {stable_mosaic.version = 14 : i64} {
  func.func @body(%arg0: i32, %arg1: memref<2000x128xf32, #tpu.memory_space<vmem>>, %arg2: memref<128x64xf32, #tpu.memory_space<vmem>>, %arg3: memref<1x64xf32, #tpu.memory_space<vmem>>, %arg4: memref<1x64xf32, #tpu.memory_space<vmem>>, %arg5: memref<2000x80xf32, #tpu.memory_space<vmem>>, %arg6: memref<2000x16xf32, #tpu.memory_space<vmem>>) attributes {dimension_semantics = [#tpu.dimension_semantics<arbitrary>], iteration_bounds = array<i64: 5>, scalar_prefetch = 0 : i64, scratch_operands = 0 : i64, tpu.core_type = #tpu.core_type<tc>, window_params = [{transform_indices = @transform_0, window_bounds = array<i64: 2000, 128>}, {pipeline_mode = #tpu.pipeline_mode<synchronous>, transform_indices = @transform_1, window_bounds = array<i64: 128, 64>}, {pipeline_mode = #tpu.pipeline_mode<synchronous>, transform_indices = @transform_2, window_bounds = array<i64: 1, 64>}, {pipeline_mode = #tpu.pipeline_mode<synchronous>, transform_indices = @transform_3, window_bounds = array<i64: 1, 64>}, {transform_indices = @transform_4, window_bounds = array<i64: 2000, 80>}, {transform_indices = @transform_5, window_bounds = array<i64: 2000, 16>}]} {
    %get3A = arith.constant 0 : index
    %get3A_0 = arith.constant 0 : index
    %get3A_1 = vector.load %arg1[%get3A, %get3A_0] : memref<2000x128xf32, #tpu.memory_space<vmem>>, vector<2000x128xf32>
    %get3A_2 = arith.constant 0 : index
    %get3A_3 = arith.constant 0 : index
    %get3A_4 = vector.load %arg2[%get3A_2, %get3A_3] : memref<128x64xf32, #tpu.memory_space<vmem>>, vector<128x64xf32>
    %dot_general3A = arith.constant dense<0.000000e+00> : vector<2000x64xf32>
    %dot_general3A_5 = tpu.matmul %get3A_1, %get3A_4, %dot_general3A {dimension_numbers = #tpu.dot_dimension_numbers<[1], [0], [0], [1], [0, 0, 1, 1], [], []>, transpose_lhs_hint = false} : vector<2000x128xf32>, vector<128x64xf32>, vector<2000x64xf32> -> vector<2000x64xf32>
    %iota3A = tpu.iota {dimensions = array<i32: 0>} : vector<64x64xi32>
    %iota3A_6 = tpu.iota {dimensions = array<i32: 1>} : vector<64x64xi32>
    %jit3A = arith.constant 8 : i32
    %eq3A = arith.constant 0 : i32
    %eq3A_7 = arith.cmpi eq, %jit3A, %eq3A : i32
    %jit3A_8 = arith.constant 1 : i32
    %select_n3A = arith.select %eq3A_7, %jit3A_8, %jit3A : i32
    %rem3A = vector.broadcast %select_n3A : i32 to vector<64x64xi32>
    %rem3A_9 = arith.remsi %iota3A_6, %rem3A : vector<64x64xi32>
    %ne3A = arith.constant 0 : i32
    %ne3A_10 = vector.broadcast %ne3A : i32 to vector<64x64xi32>
    %ne3A_11 = arith.cmpi ne, %rem3A_9, %ne3A_10 : vector<64x64xi32>
    %lt3A = arith.constant 0 : i32
    %lt3A_12 = vector.broadcast %lt3A : i32 to vector<64x64xi32>
    %lt3A_13 = arith.cmpi slt, %rem3A_9, %lt3A_12 : vector<64x64xi32>
    %lt3A_14 = arith.constant 0 : i32
    %lt3A_15 = arith.cmpi slt, %select_n3A, %lt3A_14 : i32
    %ne3A_16 = vector.broadcast %lt3A_15 : i1 to vector<64x64xi1>
    %ne3A_17 = vector.broadcast %ne3A_16 : vector<64x64xi1> to vector<64x64xi1>
    %ne3A_18 = arith.xori %lt3A_13, %ne3A_17 : vector<64x64xi1>
    %and3A = arith.andi %ne3A_18, %ne3A_11 : vector<64x64xi1>
    %add3A = vector.broadcast %select_n3A : i32 to vector<64x64xi32>
    %add3A_19 = arith.addi %rem3A_9, %add3A : vector<64x64xi32>
    %select_n3A_20 = arith.select %and3A, %add3A_19, %rem3A_9 : vector<64x64xi1>, vector<64x64xi32>
    %mul3A = arith.constant 8 : i32
    %mul3A_21 = vector.broadcast %mul3A : i32 to vector<64x64xi32>
    %mul3A_22 = arith.muli %select_n3A_20, %mul3A_21 : vector<64x64xi32>
    %jit3A_23 = arith.constant 8 : i32
    %div3A = vector.broadcast %jit3A_23 : i32 to vector<64x64xi32>
    %div3A_24 = arith.divsi %iota3A_6, %div3A : vector<64x64xi32>
    %sign3A = arith.constant 0 : i32
    %sign3A_25 = vector.broadcast %sign3A : i32 to vector<64x64xi32>
    %sign3A_26 = arith.cmpi sgt, %iota3A_6, %sign3A_25 : vector<64x64xi32>
    %sign3A_27 = arith.extui %sign3A_26 : vector<64x64xi1> to vector<64x64xi32>
    %sign3A_28 = arith.constant 0 : i32
    %sign3A_29 = vector.broadcast %sign3A_28 : i32 to vector<64x64xi32>
    %sign3A_30 = arith.cmpi slt, %iota3A_6, %sign3A_29 : vector<64x64xi32>
    %sign3A_31 = arith.extui %sign3A_30 : vector<64x64xi1> to vector<64x64xi32>
    %sign3A_32 = arith.subi %sign3A_27, %sign3A_31 : vector<64x64xi32>
    %sign3A_33 = arith.constant 0 : i32
    %sign3A_34 = arith.cmpi sgt, %jit3A_23, %sign3A_33 : i32
    %sign3A_35 = arith.extui %sign3A_34 : i1 to i32
    %sign3A_36 = arith.constant 0 : i32
    %sign3A_37 = arith.cmpi slt, %jit3A_23, %sign3A_36 : i32
    %sign3A_38 = arith.extui %sign3A_37 : i1 to i32
    %sign3A_39 = arith.subi %sign3A_35, %sign3A_38 : i32
    %ne3A_40 = vector.broadcast %sign3A_39 : i32 to vector<64x64xi32>
    %ne3A_41 = arith.cmpi ne, %sign3A_32, %ne3A_40 : vector<64x64xi32>
    %rem3A_42 = vector.broadcast %jit3A_23 : i32 to vector<64x64xi32>
    %rem3A_43 = arith.remsi %iota3A_6, %rem3A_42 : vector<64x64xi32>
    %ne3A_44 = arith.constant 0 : i32
    %ne3A_45 = vector.broadcast %ne3A_44 : i32 to vector<64x64xi32>
    %ne3A_46 = arith.cmpi ne, %rem3A_43, %ne3A_45 : vector<64x64xi32>
    %and3A_47 = arith.andi %ne3A_41, %ne3A_46 : vector<64x64xi1>
    %sub3A = arith.constant 1 : i32
    %sub3A_48 = vector.broadcast %sub3A : i32 to vector<64x64xi32>
    %sub3A_49 = arith.subi %div3A_24, %sub3A_48 : vector<64x64xi32>
    %select_n3A_50 = arith.select %and3A_47, %sub3A_49, %div3A_24 : vector<64x64xi1>, vector<64x64xi32>
    %add3A_51 = arith.addi %mul3A_22, %select_n3A_50 : vector<64x64xi32>
    %eq3A_52 = arith.cmpi eq, %iota3A, %add3A_51 : vector<64x64xi32>
    %convert_element_type3A = arith.extui %eq3A_52 : vector<64x64xi1> to vector<64x64xi32>
    %convert_element_type3A_53 = arith.sitofp %convert_element_type3A : vector<64x64xi32> to vector<64x64xf32>
    %dot_general3A_54 = arith.constant dense<0.000000e+00> : vector<2000x64xf32>
    %dot_general3A_55 = tpu.matmul %dot_general3A_5, %convert_element_type3A_53, %dot_general3A_54 {dimension_numbers = #tpu.dot_dimension_numbers<[1], [0], [0], [1], [0, 0, 1, 1], [], []>, transpose_lhs_hint = false} : vector<2000x64xf32>, vector<64x64xf32>, vector<2000x64xf32> -> vector<2000x64xf32>
    %iota3A_56 = tpu.iota {dimensions = array<i32: 0>} : vector<64x16xi32>
    %iota3A_57 = tpu.iota {dimensions = array<i32: 1>} : vector<64x16xi32>
    %jit3A_58 = arith.constant 8 : i32
    %div3A_59 = vector.broadcast %jit3A_58 : i32 to vector<64x16xi32>
    %div3A_60 = arith.divsi %iota3A_56, %div3A_59 : vector<64x16xi32>
    %sign3A_61 = arith.constant 0 : i32
    %sign3A_62 = vector.broadcast %sign3A_61 : i32 to vector<64x16xi32>
    %sign3A_63 = arith.cmpi sgt, %iota3A_56, %sign3A_62 : vector<64x16xi32>
    %sign3A_64 = arith.extui %sign3A_63 : vector<64x16xi1> to vector<64x16xi32>
    %sign3A_65 = arith.constant 0 : i32
    %sign3A_66 = vector.broadcast %sign3A_65 : i32 to vector<64x16xi32>
    %sign3A_67 = arith.cmpi slt, %iota3A_56, %sign3A_66 : vector<64x16xi32>
    %sign3A_68 = arith.extui %sign3A_67 : vector<64x16xi1> to vector<64x16xi32>
    %sign3A_69 = arith.subi %sign3A_64, %sign3A_68 : vector<64x16xi32>
    %sign3A_70 = arith.constant 0 : i32
    %sign3A_71 = arith.cmpi sgt, %jit3A_58, %sign3A_70 : i32
    %sign3A_72 = arith.extui %sign3A_71 : i1 to i32
    %sign3A_73 = arith.constant 0 : i32
    %sign3A_74 = arith.cmpi slt, %jit3A_58, %sign3A_73 : i32
    %sign3A_75 = arith.extui %sign3A_74 : i1 to i32
    %sign3A_76 = arith.subi %sign3A_72, %sign3A_75 : i32
    %ne3A_77 = vector.broadcast %sign3A_76 : i32 to vector<64x16xi32>
    %ne3A_78 = arith.cmpi ne, %sign3A_69, %ne3A_77 : vector<64x16xi32>
    %rem3A_79 = vector.broadcast %jit3A_58 : i32 to vector<64x16xi32>
    %rem3A_80 = arith.remsi %iota3A_56, %rem3A_79 : vector<64x16xi32>
    %ne3A_81 = arith.constant 0 : i32
    %ne3A_82 = vector.broadcast %ne3A_81 : i32 to vector<64x16xi32>
    %ne3A_83 = arith.cmpi ne, %rem3A_80, %ne3A_82 : vector<64x16xi32>
    %and3A_84 = arith.andi %ne3A_78, %ne3A_83 : vector<64x16xi1>
    %sub3A_85 = arith.constant 1 : i32
    %sub3A_86 = vector.broadcast %sub3A_85 : i32 to vector<64x16xi32>
    %sub3A_87 = arith.subi %div3A_60, %sub3A_86 : vector<64x16xi32>
    %select_n3A_88 = arith.select %and3A_84, %sub3A_87, %div3A_60 : vector<64x16xi1>, vector<64x16xi32>
    %jit3A_89 = arith.constant 8 : i32
    %eq3A_90 = arith.constant 0 : i32
    %eq3A_91 = arith.cmpi eq, %jit3A_89, %eq3A_90 : i32
    %jit3A_92 = arith.constant 1 : i32
    %select_n3A_93 = arith.select %eq3A_91, %jit3A_92, %jit3A_89 : i32
    %rem3A_94 = vector.broadcast %select_n3A_93 : i32 to vector<64x16xi32>
    %rem3A_95 = arith.remsi %iota3A_57, %rem3A_94 : vector<64x16xi32>
    %ne3A_96 = arith.constant 0 : i32
    %ne3A_97 = vector.broadcast %ne3A_96 : i32 to vector<64x16xi32>
    %ne3A_98 = arith.cmpi ne, %rem3A_95, %ne3A_97 : vector<64x16xi32>
    %lt3A_99 = arith.constant 0 : i32
    %lt3A_100 = vector.broadcast %lt3A_99 : i32 to vector<64x16xi32>
    %lt3A_101 = arith.cmpi slt, %rem3A_95, %lt3A_100 : vector<64x16xi32>
    %lt3A_102 = arith.constant 0 : i32
    %lt3A_103 = arith.cmpi slt, %select_n3A_93, %lt3A_102 : i32
    %ne3A_104 = vector.broadcast %lt3A_103 : i1 to vector<64x16xi1>
    %ne3A_105 = vector.broadcast %ne3A_104 : vector<64x16xi1> to vector<64x16xi1>
    %ne3A_106 = arith.xori %lt3A_101, %ne3A_105 : vector<64x16xi1>
    %and3A_107 = arith.andi %ne3A_106, %ne3A_98 : vector<64x16xi1>
    %add3A_108 = vector.broadcast %select_n3A_93 : i32 to vector<64x16xi32>
    %add3A_109 = arith.addi %rem3A_95, %add3A_108 : vector<64x16xi32>
    %select_n3A_110 = arith.select %and3A_107, %add3A_109, %rem3A_95 : vector<64x16xi1>, vector<64x16xi32>
    %eq3A_111 = arith.cmpi eq, %select_n3A_88, %select_n3A_110 : vector<64x16xi32>
    %convert_element_type3A_112 = arith.extui %eq3A_111 : vector<64x16xi1> to vector<64x16xi32>
    %convert_element_type3A_113 = arith.sitofp %convert_element_type3A_112 : vector<64x16xi32> to vector<64x16xf32>
    %get3A_114 = arith.constant 0 : index
    %get3A_115 = arith.constant 0 : index
    %get3A_116 = vector.load %arg3[%get3A_114, %get3A_115] : memref<1x64xf32, #tpu.memory_space<vmem>>, vector<1x64xf32>
    %mul3A_117 = vector.broadcast %get3A_116 : vector<1x64xf32> to vector<2000x64xf32>
    %mul3A_118 = arith.mulf %dot_general3A_5, %mul3A_117 : vector<2000x64xf32>
    %dot_general3A_119 = arith.constant dense<0.000000e+00> : vector<2000x16xf32>
    %dot_general3A_120 = tpu.matmul %mul3A_118, %convert_element_type3A_113, %dot_general3A_119 {dimension_numbers = #tpu.dot_dimension_numbers<[1], [0], [0], [1], [0, 0, 1, 1], [], []>, transpose_lhs_hint = false} : vector<2000x64xf32>, vector<64x16xf32>, vector<2000x16xf32> -> vector<2000x16xf32>
    %get3A_121 = arith.constant 0 : index
    %get3A_122 = arith.constant 0 : index
    %get3A_123 = vector.load %arg4[%get3A_121, %get3A_122] : memref<1x64xf32, #tpu.memory_space<vmem>>, vector<1x64xf32>
    %mul3A_124 = vector.broadcast %get3A_123 : vector<1x64xf32> to vector<2000x64xf32>
    %mul3A_125 = arith.mulf %dot_general3A_5, %mul3A_124 : vector<2000x64xf32>
    %dot_general3A_126 = arith.constant dense<0.000000e+00> : vector<2000x16xf32>
    %dot_general3A_127 = tpu.matmul %mul3A_125, %convert_element_type3A_113, %dot_general3A_126 {dimension_numbers = #tpu.dot_dimension_numbers<[1], [0], [0], [1], [0, 0, 1, 1], [], []>, transpose_lhs_hint = false} : vector<2000x64xf32>, vector<64x16xf32>, vector<2000x16xf32> -> vector<2000x16xf32>
    %concatenate3A = tpu.concatenate %dot_general3A_55, %dot_general3A_120 in 1 : vector<2000x64xf32>, vector<2000x16xf32> -> vector<2000x80xf32>
    %swap3A = arith.constant 0 : index
    %swap3A_128 = arith.constant 0 : index
    %swap3A_129 = vector.load %arg5[%swap3A, %swap3A_128] : memref<2000x80xf32, #tpu.memory_space<vmem>>, vector<2000x80xf32>
    tpu.vector_store %arg5[%swap3A, %swap3A_128], %concatenate3A {strides = array<i32>} : memref<2000x80xf32, #tpu.memory_space<vmem>>, vector<2000x80xf32>,
    %swap3A_130 = arith.constant 0 : index
    %swap3A_131 = arith.constant 0 : index
    %swap3A_132 = vector.load %arg6[%swap3A_130, %swap3A_131] : memref<2000x16xf32, #tpu.memory_space<vmem>>, vector<2000x16xf32>
    tpu.vector_store %arg6[%swap3A_130, %swap3A_131], %dot_general3A_127 {strides = array<i32>} : memref<2000x16xf32, #tpu.memory_space<vmem>>, vector<2000x16xf32>,
    return
  }
  func.func @transform_0(%arg0: i32) -> (i32, i32) {
    %c0_i32 = arith.constant 0 : i32
    %c0_i32_0 = arith.constant 0 : i32
    return %arg0, %c0_i32 : i32, i32
  }
  func.func @transform_1(%arg0: i32) -> (i32, i32) {
    %c0_i32 = arith.constant 0 : i32
    %c0_i32_0 = arith.constant 0 : i32
    %c0_i32_1 = arith.constant 0 : i32
    return %c0_i32, %c0_i32_0 : i32, i32
  }
  func.func @transform_2(%arg0: i32) -> (i32, i32) {
    %c0_i32 = arith.constant 0 : i32
    %c0_i32_0 = arith.constant 0 : i32
    %c0_i32_1 = arith.constant 0 : i32
    return %c0_i32, %c0_i32_0 : i32, i32
  }
  func.func @transform_3(%arg0: i32) -> (i32, i32) {
    %c0_i32 = arith.constant 0 : i32
    %c0_i32_0 = arith.constant 0 : i32
    %c0_i32_1 = arith.constant 0 : i32
    return %c0_i32, %c0_i32_0 : i32, i32
  }
  func.func @transform_4(%arg0: i32) -> (i32, i32) {
    %c0_i32 = arith.constant 0 : i32
    %c0_i32_0 = arith.constant 0 : i32
    return %arg0, %c0_i32 : i32, i32
  }
  func.func @transform_5(%arg0: i32) -> (i32, i32) {
    %c0_i32 = arith.constant 0 : i32
    %c0_i32_0 = arith.constant 0 : i32
    return %arg0, %c0_i32 : i32, i32
  }
}

module attributes {stable_mosaic.version = 14 : i64} {
  func.func @body(%arg0: i32, %arg1: memref<2x2000x80xf32, #tpu.memory_space<vmem>>, %arg2: memref<1x64xf32, #tpu.memory_space<vmem>>, %arg3: memref<2000x64xf32, #tpu.memory_space<vmem>>) attributes {dimension_semantics = [#tpu.dimension_semantics<arbitrary>], iteration_bounds = array<i64: 5>, scalar_prefetch = 0 : i64, scratch_operands = 0 : i64, tpu.core_type = #tpu.core_type<tc>, window_params = [{transform_indices = @transform_0, window_bounds = array<i64: 2, 2000, 80>}, {pipeline_mode = #tpu.pipeline_mode<synchronous>, transform_indices = @transform_1, window_bounds = array<i64: 1, 64>}, {transform_indices = @transform_2, window_bounds = array<i64: 2000, 64>}]} {
    %get3A = arith.constant 0 : index
    %get3A_0 = arith.constant 0 : index
    %get3A_1 = arith.constant 0 : index
    %get3A_2 = vector.load %arg1[%get3A, %get3A_0, %get3A_1] : memref<2x2000x80xf32, #tpu.memory_space<vmem>>, vector<1x2000x80xf32>
    %get3A_3 = vector.shape_cast %get3A_2 : vector<1x2000x80xf32> to vector<2000x80xf32>
    %get3A_4 = arith.constant 1 : index
    %get3A_5 = arith.constant 0 : index
    %get3A_6 = arith.constant 0 : index
    %get3A_7 = vector.load %arg1[%get3A_4, %get3A_5, %get3A_6] : memref<2x2000x80xf32, #tpu.memory_space<vmem>>, vector<1x2000x80xf32>
    %get3A_8 = vector.shape_cast %get3A_7 : vector<1x2000x80xf32> to vector<2000x80xf32>
    %add3A = arith.addf %get3A_3, %get3A_8 : vector<2000x80xf32>
    %slice3A = vector.extract_strided_slice %add3A {offsets = [0, 0], sizes = [2000, 64], strides = [1, 1]} : vector<2000x80xf32> to vector<2000x64xf32>
    %slice3A_9 = vector.extract_strided_slice %add3A {offsets = [0, 64], sizes = [2000, 16], strides = [1, 1]} : vector<2000x80xf32> to vector<2000x16xf32>
    %iota3A = tpu.iota {dimensions = array<i32: 0>} : vector<16x64xi32>
    %iota3A_10 = tpu.iota {dimensions = array<i32: 1>} : vector<16x64xi32>
    %jit3A = arith.constant 16 : i32
    %eq3A = arith.constant 0 : i32
    %eq3A_11 = arith.cmpi eq, %jit3A, %eq3A : i32
    %jit3A_12 = arith.constant 1 : i32
    %select_n3A = arith.select %eq3A_11, %jit3A_12, %jit3A : i32
    %rem3A = vector.broadcast %select_n3A : i32 to vector<16x64xi32>
    %rem3A_13 = arith.remsi %iota3A_10, %rem3A : vector<16x64xi32>
    %ne3A = arith.constant 0 : i32
    %ne3A_14 = vector.broadcast %ne3A : i32 to vector<16x64xi32>
    %ne3A_15 = arith.cmpi ne, %rem3A_13, %ne3A_14 : vector<16x64xi32>
    %lt3A = arith.constant 0 : i32
    %lt3A_16 = vector.broadcast %lt3A : i32 to vector<16x64xi32>
    %lt3A_17 = arith.cmpi slt, %rem3A_13, %lt3A_16 : vector<16x64xi32>
    %lt3A_18 = arith.constant 0 : i32
    %lt3A_19 = arith.cmpi slt, %select_n3A, %lt3A_18 : i32
    %ne3A_20 = vector.broadcast %lt3A_19 : i1 to vector<16x64xi1>
    %ne3A_21 = vector.broadcast %ne3A_20 : vector<16x64xi1> to vector<16x64xi1>
    %ne3A_22 = arith.xori %lt3A_17, %ne3A_21 : vector<16x64xi1>
    %and3A = arith.andi %ne3A_22, %ne3A_15 : vector<16x64xi1>
    %add3A_23 = vector.broadcast %select_n3A : i32 to vector<16x64xi32>
    %add3A_24 = arith.addi %rem3A_13, %add3A_23 : vector<16x64xi32>
    %select_n3A_25 = arith.select %and3A, %add3A_24, %rem3A_13 : vector<16x64xi1>, vector<16x64xi32>
    %eq3A_26 = arith.cmpi eq, %iota3A, %select_n3A_25 : vector<16x64xi32>
    %convert_element_type3A = arith.extui %eq3A_26 : vector<16x64xi1> to vector<16x64xi32>
    %convert_element_type3A_27 = arith.sitofp %convert_element_type3A : vector<16x64xi32> to vector<16x64xf32>
    %dot_general3A = arith.constant dense<0.000000e+00> : vector<2000x64xf32>
    %dot_general3A_28 = tpu.matmul %slice3A_9, %convert_element_type3A_27, %dot_general3A {dimension_numbers = #tpu.dot_dimension_numbers<[1], [0], [0], [1], [0, 0, 1, 1], [], []>, transpose_lhs_hint = false} : vector<2000x16xf32>, vector<16x64xf32>, vector<2000x64xf32> -> vector<2000x64xf32>
    %add3A_29 = arith.constant 1.000000e-16 : f32
    %add3A_30 = vector.broadcast %add3A_29 : f32 to vector<2000x64xf32>
    %add3A_31 = arith.addf %dot_general3A_28, %add3A_30 : vector<2000x64xf32>
    %div3A = arith.divf %slice3A, %add3A_31 : vector<2000x64xf32>
    %iota3A_32 = tpu.iota {dimensions = array<i32: 0>} : vector<64x64xi32>
    %iota3A_33 = tpu.iota {dimensions = array<i32: 1>} : vector<64x64xi32>
    %jit3A_34 = arith.constant 8 : i32
    %eq3A_35 = arith.constant 0 : i32
    %eq3A_36 = arith.cmpi eq, %jit3A_34, %eq3A_35 : i32
    %jit3A_37 = arith.constant 1 : i32
    %select_n3A_38 = arith.select %eq3A_36, %jit3A_37, %jit3A_34 : i32
    %rem3A_39 = vector.broadcast %select_n3A_38 : i32 to vector<64x64xi32>
    %rem3A_40 = arith.remsi %iota3A_32, %rem3A_39 : vector<64x64xi32>
    %ne3A_41 = arith.constant 0 : i32
    %ne3A_42 = vector.broadcast %ne3A_41 : i32 to vector<64x64xi32>
    %ne3A_43 = arith.cmpi ne, %rem3A_40, %ne3A_42 : vector<64x64xi32>
    %lt3A_44 = arith.constant 0 : i32
    %lt3A_45 = vector.broadcast %lt3A_44 : i32 to vector<64x64xi32>
    %lt3A_46 = arith.cmpi slt, %rem3A_40, %lt3A_45 : vector<64x64xi32>
    %lt3A_47 = arith.constant 0 : i32
    %lt3A_48 = arith.cmpi slt, %select_n3A_38, %lt3A_47 : i32
    %ne3A_49 = vector.broadcast %lt3A_48 : i1 to vector<64x64xi1>
    %ne3A_50 = vector.broadcast %ne3A_49 : vector<64x64xi1> to vector<64x64xi1>
    %ne3A_51 = arith.xori %lt3A_46, %ne3A_50 : vector<64x64xi1>
    %and3A_52 = arith.andi %ne3A_51, %ne3A_43 : vector<64x64xi1>
    %add3A_53 = vector.broadcast %select_n3A_38 : i32 to vector<64x64xi32>
    %add3A_54 = arith.addi %rem3A_40, %add3A_53 : vector<64x64xi32>
    %select_n3A_55 = arith.select %and3A_52, %add3A_54, %rem3A_40 : vector<64x64xi1>, vector<64x64xi32>
    %mul3A = arith.constant 8 : i32
    %mul3A_56 = vector.broadcast %mul3A : i32 to vector<64x64xi32>
    %mul3A_57 = arith.muli %select_n3A_55, %mul3A_56 : vector<64x64xi32>
    %jit3A_58 = arith.constant 8 : i32
    %div3A_59 = vector.broadcast %jit3A_58 : i32 to vector<64x64xi32>
    %div3A_60 = arith.divsi %iota3A_32, %div3A_59 : vector<64x64xi32>
    %sign3A = arith.constant 0 : i32
    %sign3A_61 = vector.broadcast %sign3A : i32 to vector<64x64xi32>
    %sign3A_62 = arith.cmpi sgt, %iota3A_32, %sign3A_61 : vector<64x64xi32>
    %sign3A_63 = arith.extui %sign3A_62 : vector<64x64xi1> to vector<64x64xi32>
    %sign3A_64 = arith.constant 0 : i32
    %sign3A_65 = vector.broadcast %sign3A_64 : i32 to vector<64x64xi32>
    %sign3A_66 = arith.cmpi slt, %iota3A_32, %sign3A_65 : vector<64x64xi32>
    %sign3A_67 = arith.extui %sign3A_66 : vector<64x64xi1> to vector<64x64xi32>
    %sign3A_68 = arith.subi %sign3A_63, %sign3A_67 : vector<64x64xi32>
    %sign3A_69 = arith.constant 0 : i32
    %sign3A_70 = arith.cmpi sgt, %jit3A_58, %sign3A_69 : i32
    %sign3A_71 = arith.extui %sign3A_70 : i1 to i32
    %sign3A_72 = arith.constant 0 : i32
    %sign3A_73 = arith.cmpi slt, %jit3A_58, %sign3A_72 : i32
    %sign3A_74 = arith.extui %sign3A_73 : i1 to i32
    %sign3A_75 = arith.subi %sign3A_71, %sign3A_74 : i32
    %ne3A_76 = vector.broadcast %sign3A_75 : i32 to vector<64x64xi32>
    %ne3A_77 = arith.cmpi ne, %sign3A_68, %ne3A_76 : vector<64x64xi32>
    %rem3A_78 = vector.broadcast %jit3A_58 : i32 to vector<64x64xi32>
    %rem3A_79 = arith.remsi %iota3A_32, %rem3A_78 : vector<64x64xi32>
    %ne3A_80 = arith.constant 0 : i32
    %ne3A_81 = vector.broadcast %ne3A_80 : i32 to vector<64x64xi32>
    %ne3A_82 = arith.cmpi ne, %rem3A_79, %ne3A_81 : vector<64x64xi32>
    %and3A_83 = arith.andi %ne3A_77, %ne3A_82 : vector<64x64xi1>
    %sub3A = arith.constant 1 : i32
    %sub3A_84 = vector.broadcast %sub3A : i32 to vector<64x64xi32>
    %sub3A_85 = arith.subi %div3A_60, %sub3A_84 : vector<64x64xi32>
    %select_n3A_86 = arith.select %and3A_83, %sub3A_85, %div3A_60 : vector<64x64xi1>, vector<64x64xi32>
    %add3A_87 = arith.addi %mul3A_57, %select_n3A_86 : vector<64x64xi32>
    %eq3A_88 = arith.cmpi eq, %iota3A_33, %add3A_87 : vector<64x64xi32>
    %convert_element_type3A_89 = arith.extui %eq3A_88 : vector<64x64xi1> to vector<64x64xi32>
    %convert_element_type3A_90 = arith.sitofp %convert_element_type3A_89 : vector<64x64xi32> to vector<64x64xf32>
    %dot_general3A_91 = arith.constant dense<0.000000e+00> : vector<2000x64xf32>
    %dot_general3A_92 = tpu.matmul %div3A, %convert_element_type3A_90, %dot_general3A_91 {dimension_numbers = #tpu.dot_dimension_numbers<[1], [0], [0], [1], [0, 0, 1, 1], [], []>, transpose_lhs_hint = false} : vector<2000x64xf32>, vector<64x64xf32>, vector<2000x64xf32> -> vector<2000x64xf32>
    %get3A_93 = arith.constant 0 : index
    %get3A_94 = arith.constant 0 : index
    %get3A_95 = vector.load %arg2[%get3A_93, %get3A_94] : memref<1x64xf32, #tpu.memory_space<vmem>>, vector<1x64xf32>
    %add3A_96 = vector.broadcast %get3A_95 : vector<1x64xf32> to vector<2000x64xf32>
    %add3A_97 = arith.addf %dot_general3A_92, %add3A_96 : vector<2000x64xf32>
    %gt3A = arith.constant 0.000000e+00 : f32
    %gt3A_98 = vector.broadcast %gt3A : f32 to vector<2000x64xf32>
    %gt3A_99 = arith.cmpf ogt, %add3A_97, %gt3A_98 : vector<2000x64xf32>
    %exp3A = math.exp %add3A_97 : vector<2000x64xf32>
    %sub3A_100 = arith.constant 1.000000e+00 : f32
    %sub3A_101 = vector.broadcast %sub3A_100 : f32 to vector<2000x64xf32>
    %sub3A_102 = arith.subf %exp3A, %sub3A_101 : vector<2000x64xf32>
    %select_n3A_103 = arith.select %gt3A_99, %add3A_97, %sub3A_102 : vector<2000x64xi1>, vector<2000x64xf32>
    %swap3A = arith.constant 0 : index
    %swap3A_104 = arith.constant 0 : index
    %swap3A_105 = vector.load %arg3[%swap3A, %swap3A_104] : memref<2000x64xf32, #tpu.memory_space<vmem>>, vector<2000x64xf32>
    tpu.vector_store %arg3[%swap3A, %swap3A_104], %select_n3A_103 {strides = array<i32>} : memref<2000x64xf32, #tpu.memory_space<vmem>>, vector<2000x64xf32>,
    return
  }
  func.func @transform_0(%arg0: i32) -> (i32, i32, i32) {
    %c0_i32 = arith.constant 0 : i32
    %c0_i32_0 = arith.constant 0 : i32
    %c0_i32_1 = arith.constant 0 : i32
    return %c0_i32, %arg0, %c0_i32_0 : i32, i32, i32
  }
  func.func @transform_1(%arg0: i32) -> (i32, i32) {
    %c0_i32 = arith.constant 0 : i32
    %c0_i32_0 = arith.constant 0 : i32
    %c0_i32_1 = arith.constant 0 : i32
    return %c0_i32, %c0_i32_0 : i32, i32
  }
  func.func @transform_2(%arg0: i32) -> (i32, i32) {
    %c0_i32 = arith.constant 0 : i32
    %c0_i32_0 = arith.constant 0 : i32
    return %arg0, %c0_i32 : i32, i32
  }
}

</mosaic_0001>

<sc_bundles>
// kernel: kernel.5.cloned.1.call-start
scs
__scs_entry_jumppad:
0x0: {  	(pc) =	sbr.rel $0x88, $3  }
0x1: {  	(tag) =	ssettag $0x0;
	lr =	simm.s32 $0x1  }
0x2: {  	[smem:$0x3F9B] =	sst lr;
	_ =	strace $0xD0000000  }
0x3: {  	_ = 	snop  }
0x4: {  	_ = 	snop  }
0x5: {  	_ = 	snop  }
0x6: {  	_ = 	snop  }
0x7: {  	_ = 	snop  }
__scs_overlays_trampoline_lowered:
0x8: {  	[smem:$0x3FAA] =	sst s0  }
0x9: {  	[smem:$0x3FAB] =	sst s1  }
0xa: {  	[smem:$0x3FAC] =	sst s2  }
0xb: {  	[smem:$0x3FAD] =	sst s3  }
0xc: {  	[smem:$0x3FAE] =	sst s4  }
0xd: {  	[smem:$0x3FAF] =	sst s5  }
0xe: {  	[smem:$0x3FB0] =	sst s6  }
0xf: {  	[smem:$0x3FB1] =	sst s7  }
0x10: {  	[smem:$0x3FB2] =	sst s8  }
0x11: {  	[smem:$0x3FB3] =	sst s9;
	s0 =	simm.s32 @!p0 $0x0  }
0x12: {  	s1 =	sld [smem:$0x3F99];
	s0 =	simm.s32 @p0 $0x1  }
0x13: {  	[smem:$0x3FB4] =	sst s0;
	s0 =	simm.s32 @!p1 $0x0  }
0x14: {  	s2 =	sld [smem:$0x3F98];
	s0 =	simm.s32 @p1 $0x1  }
0x15: {  	[smem:$0x3FB5] =	sst s0;
	s0 =	simm.s32 @!p2 $0x0  }
0x16: {  	s3 =	sld [smem:$0x3FDB];
	s0 =	simm.s32 @p2 $0x1  }
0x17: {  	s4 =	simm.s32 $0x1BF5;
	[smem:$0x3FB7] =	sst s0  }
0x18: {  	s0 =	sld [smem:$0x3F9A];
	_ =	swait.ge [sflag:s4], $0x0  }
0x19: {  	s7 =	sld [smem:$0x3F9B]  }
0x1a: {  	s8 =	sadd.s32 $0xFFFFE003, lr  }
0x1b: {  	s9 =	sadd.s32 $0xFFFFFEF7, lr;
	s5 =	simm.s32 $0xFFFFFFFF;
	p2 =	slt.u32 s8, $0xFFFFF086  }
0x1c: {  	p1 =	slt.u32 s9, $0xF7A;
	s5 =	simm.s32 @!p2 $0x0  }
0x1d: {  	s5 =	simm.s32 @p1 $0x1;
	p0 =	seq.s32 s7, s2  }
0x1e: {  	s7 =	smul.u32 @!p0 $0xF7A, s2;
	p2 =	seq.s32 @!p0 s5, $0x0  }
0x1f: {  	s9 =	smul.u32 $0xF7A, s1;
	s8 =	simm.s32 @!p0 $0x1BF5;
	p2 =	por !p2, p0  }
0x20: {  	[sflag:s8] =	ssyncset.s32 @!p0 $0xFFFFF086;
	s6 =	sadd.s32 @!p0 s3, s7;
	s7 =	simm.s32 @!p0 $0x108  }
0x21: {  	s3 =	sadd.s32 s3, s9;
	s6 =	sadd.s32 @!p0 $0x88, s6;
	s7 =	simm.s32 @p2 $0x1082  }
0x22: {  	[simem:s7], [sflag:s8] =	dma.local @!p0 [hbm:s6], $0xF7A  }
0x23: {  	s9 =	sor.u32 $0xD0000000, s2;
	s6 =	simm.s32 $0x108;
	_ =	swait.ge @!p0 [sflag:s8], $0x0  }
0x24: {  	s3 =	sadd.s32 $0x88, s3;
	s6 =	simm.s32 @!p1 $0x1082;
	[sflag:s4] =	ssyncset.s32 $0xFFFFF086  }
0x25: {  	[simem:s6], [sflag:s4] =	dma.local [hbm:s3], $0xF7A  }
0x26: {  	[smem:$0x3F9B] =	sst s1;
	(tag) =	ssettag s2;
	_ =	strace s9  }
0x27: {  	s1 =	sld [smem:$0x3FAB]  }
0x28: {  	s2 =	sld [smem:$0x3FAC]  }
0x29: {  	s4 =	sld [smem:$0x3FAE]  }
0x2a: {  	p0 =	seq.s32 s5, $0x0;
	s5 =	sld [smem:$0x3FAF]  }
0x2b: {  	s6 =	sld [smem:$0x3FB0]  }
0x2c: {  	s7 =	sld [smem:$0x3FB1]  }
0x2d: {  	s3 =	simm.s32 $0x108;
	s8 =	sld [smem:$0x3FB2]  }
0x2e: {  	s3 =	simm.s32 @!p0 $0x1082;
	s9 =	sld [smem:$0x3FB3]  }
0x2f: {  	lr =	sadd.s32 s0, s3;
	s0 =	sld [smem:$0x3FAA]  }
0x30: {  	s3 =	sld [smem:$0x3FAD]  }
0x31: {  	[smem:$0x3FB6] =	sst s10  }
0x32: {  	s10 =	sld [smem:$0x3FB4];
	_ =	sdelay $0x3  }
0x33: {  	p0 =	seq.s32 s10, $0x1;
	s10 =	sld [smem:$0x3FB6];
	_ =	sdelay $0x3  }
0x34: {  	[smem:$0x3FB6] =	sst s10  }
0x35: {  	s10 =	sld [smem:$0x3FB5];
	_ =	sdelay $0x3  }
0x36: {  	p1 =	seq.s32 s10, $0x1;
	s10 =	sld [smem:$0x3FB6];
	_ =	sdelay $0x3  }
0x37: {  	[smem:$0x3FB6] =	sst s10  }
0x38: {  	s10 =	sld [smem:$0x3FB7]  }
0x39: {  	_ = 	snop;
	(pc) =	sbr.ind lr, $3  }
0x3a: {  	_ = 	snop  }
0x3b: {  	_ = 	snop  }
0x3c: {  	p2 =	seq.s32 s10, $0x1;
	s10 =	sld [smem:$0x3FB6]  }
0x3d: {  	_ =	shalt  }
0x3e: {  	_ =	shalt  }
0x3f: {  	_ =	shalt  }
0x40: {  	_ =	shalt  }
0x41: {  	_ =	shalt  }
0x42: {  	_ =	shalt  }
0x43: {  	_ =	shalt  }
0x44: {  	_ =	shalt  }
0x45: {  	_ =	shalt  }
0x46: {  	_ =	shalt  }
0x47: {  	_ =	shalt  }
0x48: {  	_ =	shalt  }
0x49: {  	_ =	shalt  }
0x4a: {  	_ =	shalt  }
0x4b: {  	_ =	shalt  }
0x4c: {  	_ =	shalt  }
0x4d: {  	_ =	shalt  }
0x4e: {  	_ =	shalt  }
0x4f: {  	_ =	shalt  }
0x50: {  	_ =	shalt  }
0x51: {  	_ =	shalt  }
0x52: {  	_ =	shalt  }
0x53: {  	_ =	shalt  }
0x54: {  	_ =	shalt  }
0x55: {  	_ =	shalt  }
0x56: {  	_ =	shalt  }
0x57: {  	_ =	shalt  }
0x58: {  	_ =	shalt  }
0x59: {  	_ =	shalt  }
0x5a: {  	_ =	shalt  }
0x5b: {  	_ =	shalt  }
0x5c: {  	_ =	shalt  }
0x5d: {  	_ =	shalt  }
0x5e: {  	_ =	shalt  }
0x5f: {  	_ =	shalt  }
0x60: {  	_ =	shalt  }
0x61: {  	_ =	shalt  }
0x62: {  	_ =	shalt  }
0x63: {  	_ =	shalt  }
0x64: {  	_ =	shalt  }
0x65: {  	_ =	shalt  }
0x66: {  	_ =	shalt  }
0x67: {  	_ =	shalt  }
0x68: {  	_ =	shalt  }
0x69: {  	_ =	shalt  }
0x6a: {  	_ =	shalt  }
0x6b: {  	_ =	shalt  }
0x6c: {  	_ =	shalt  }
0x6d: {  	_ =	shalt  }
0x6e: {  	_ =	shalt  }
0x6f: {  	_ =	shalt  }
0x70: {  	_ =	shalt  }
0x71: {  	_ =	shalt  }
0x72: {  	_ =	shalt  }
0x73: {  	_ =	shalt  }
0x74: {  	_ =	shalt  }
0x75: {  	_ =	shalt  }
0x76: {  	_ =	shalt  }
0x77: {  	_ =	shalt  }
0x78: {  	_ =	shalt  }
0x79: {  	_ =	shalt  }
0x7a: {  	_ =	shalt  }
0x7b: {  	_ =	shalt  }
0x7c: {  	_ =	shalt  }
0x7d: {  	_ =	shalt  }
0x7e: {  	_ =	shalt  }
0x7f: {  	_ =	shalt  }
0x80: {  	_ =	shalt  }
0x81: {  	_ =	shalt  }
0x82: {  	_ =	shalt  }
0x83: {  	_ =	shalt  }
0x84: {  	_ =	shalt  }
0x85: {  	_ =	shalt  }
0x86: {  	_ =	shalt  }
0x87: {  	_ =	shalt  }
.Lfunc_end0:
.L_simem_size_0:
called_computation_lowered:
.L_overlay_start_0:
0x88: {  	s2 =	sld [smem:$0x3FD9]  }
0x89: {  	s3 =	sld [smem:$0x3FFE];
	_ =	sdelay $0x1  }
0x8a: {  	s1 =	srdreg.scid  }
0x8b: {  	s0 =	sand.u32 $0x1, s1  }
0x8c: {  	s17 =	sshll.u32 s0, $0xA;
	s2 =	sadd.s32 s3, s2  }
0x8d: {  	s2 =	sadd.s32 s2, s17  }
0x8e: {  	[smem:$0x3FC2] =	sst s2  }
0x8f: {  	_ = 	snop  }
0x90: {  	s2 =	sld [smem:$0x3FD0];
	(tm) =	ssettm $0x1  }
0x91: {  	s18 =	sld [smem:$0x3FFB];
	_ =	sdelay $0x3  }
0x92: {  	_ =	strace s18  }
0x93: {  	s3 =	sld [smem:$0x3FFC];
	_ =	sdelay $0x3  }
0x94: {  	_ =	strace s3  }
0x95: {  	s3 =	sld [smem:$0x3FFD];
	_ =	sdelay $0x3  }
0x96: {  	_ =	strace s3  }
0x97: {  	_ =	strace $0x8FFFFFFF  }
0x98: {  	s19 =	sld [smem:$0x3FDB];
	_ =	sdelay $0x1  }
0x99: {  	s4 =	simm.s32 $_scs_section_size  }
0x9a: {  	s5 =	simm.s32 $_size__tile_overlayer_lowered;
	s6 =	simm.s32 $_tile_overlayer_lowered  }
0x9b: {  	s22 =	simm.s32 $0x1BFF;
	s21 =	sshll.u32 s6, $0x1;
	s3 =	sadd.s32 s4, s19  }
0x9c: {  	s7 =	simm.s32 $0x0;
	s20 =	sshll.u32 s5, $0x1;
	s5 =	sadd.s32 s21, s3  }
0x9d: {  	[timem:s7], [sflag:s22] =	dma.local [hbm:s5], s20  }
0x9e: {  	_ =	swait.ge [sflag:s22], s20  }
0x9f: {  	s4 =	ssub.s32 $0x0, s20;
	[sflag:s22] =	ssyncset.done $0x0  }
0xa0: {  	[sflag:s22] =	ssyncadd.s32 s4;
	_ =	sdelay $0x1  }
0xa1: {  	s23 =	simm.s32 $0x1B8B  }
0xa2: {  	_ =	swait.ge [sflag:s23], $0x1  }
0xa3: {  	[sflag:s23] =	ssyncset.done $0x0  }
0xa4: {  	s25 =	simm.s32 $0x1B8E;
	s24 =	sld [smem:$0x3FFE];
	[sflag:s23] =	ssyncadd.s32 $0xFFFFFFFF  }
0xa5: {  	s26 =	simm.s32 $execute0_lowered;
	[smem:$0x3FD2] =	sst s25  }
0xa6: {  	s5 =	sshll.u32 s26, $0x1;
	_ =	strace $0x80000046;
	[dreg:$0x1] =	wrdreg $0xFFFFFFFF  }
0xa7: {  	s28 =	simm.s32 $_size_execute0_lowered;
	s3 =	sadd.s32 s3, s5;
	[dreg:$0x0] =	wrdreg $0x0  }
0xa8: {  	s5 =	sshll.u32 s28, $0x1;
	[dreg:$0x2] =	wrdreg s3  }
0xa9: {  	[dreg:$0x3] =	wrdreg s5  }
0xaa: {  	[dreg:$0x4] =	wrdreg $0xC0  }
0xab: {  	_ =	task [dreg:s7], $0x5FFFF  }
0xac: {  	[dreg:$0x1] =	wrdreg $0xFFFFFFFF  }
0xad: {  	[dreg:$0x0] =	wrdreg $0x60  }
0xae: {  	[dreg:$0x2] =	wrdreg s24  }
0xaf: {  	[dreg:$0x3] =	wrdreg s2  }
0xb0: {  	[dreg:$0x4] =	wrdreg $0x102000  }
0xb1: {  	[dreg:$0x5] =	wrdreg $0x9  }
0xb2: {  	_ =	task.clear_ibuf [dreg:s7], $0x6FFFF;
	_ =	strace $0x90000046  }
0xb3: {  	s29 =	simm.s32 $0x9;
	_ =	strace $0x80000048  }
0xb4: {  	_ =	swait.ge [sflag:s29], $0x1  }
0xb5: {  	[sflag:s29] =	ssyncadd.s32 $0xFFFFFFFF  }
0xb6: {  	_ =	strace $0x90000048  }
0xb7: {  	_ =	sfence  }
0xb8: {  	s30 =	sld [smem:$0x0];
	_ =	sdelay $0x2  }
0xb9: {  	s31 =	sshll.u32 s1, $0xD;
	s1 =	sshrl.u32 s1, $0x2  }
0xba: {  	s3 =	sand.u32 $0x4000, s31;
	s1 =	sadd.s32 s1, s30  }
0xbb: {  	s0 =	sor.u32 s3, s0;
	s1 =	sshll.u32 s1, $0x11  }
0xbc: {  	s0 =	sor.u32 s1, s0  }
0xbd: {  	s0 =	sadd.s32 $0x8F2B, s0  }
0xbe: {  	[sflag:s0] =	ssyncadd.remote.s32 $0x1  }
0xbf: {  	_ =	sfence.sel $0xFFFF  }
0xc0: {  	[dreg:$0x0] =	wrdreg $0xFFFFFFFF;
	(pc) =	sbr.abs _section_cstart, $3  }
0xc1: {  	[dreg:$0x1] =	wrdreg $0xFFFFFFFF  }
0xc2: {  	_ =	task.clear_ibuf [dreg:s7], $0x2FFFF;
	_ =	strace $0x9FFFFFFF  }
0xc3: {  	(tm) =	ssettm $0x7FFFFFFF  }
tec
execute0_lowered:
.L_overlay_start_1:
0x0: {  	(tag) =	ssettag $0x1  }
0x1: {  	s0 =	rddreg [dreg:$0x0]  }
0x2: {  	s1 =	rddreg [dreg:$0x1]  }
0x3: {  	s2 =	rddreg [dreg:$0x2]  }
0x4: {  	s4 =	srdreg.scid;
	s15 =	stileid.u32;
	s3 =	simm.s32 $0x0  }
0x5: {  	s28 =	simm.s32 $0xAA00;
	s29 =	simm.s32 $0x1;
	s30 =	simm.s32 $0x3  }
0x6: {  	s31 =	simm.s32 $0x2;
	s7 =	sand.u32 $0x1, s4;
	s8 =	smul.u32 $0xC580, s15  }
0x7: {  	[smem:$0x7FF] =	sst s3;
	s4 =	sadd.s32 $0xA00, s0;
	s5 =	sadd.s32 $0x19600, s0  }
0x8: {  	s6 =	sadd.s32 $0x1E600, s0;
	s10 =	sshll.u32 s15, $0x1;
	s14 =	smul.u32 $0x31600, s15  }
0x9: {  	s23 =	sadd.s32 $0x99C0, s1;
	s24 =	sadd.s32 $0x13600, s1;
	p1 =	seq.s32 s15, $0xF  }
0xa: {  	s9 =	smul.u32 $0xC5800, s7;
	_ =	strace $0x80000047;
	[dreg:$0xa] =	wrdreg s23  }
0xb: {  	s11 =	ssub.s32 $0x2, s7;
	s10 =	sor.u32 s7, s10;
	[dreg:$0xb] =	wrdreg s24  }
0xc: {  	s23 =	simm.s32 $0x5200;
	s12 =	sshrl.u32 s11, $0x1;
	s13 =	smul.u32 $0x2900, s10  }
0xd: {  	s16 =	sshrl.u32 s14, $0x2;
	s7 =	sadd.s32 s8, s2;
	s14 =	sadd.s32 $0x1E8A0, s0  }
0xe: {  	p0 =	seq.s32 s10, $0x1F;
	s9 =	sadd.s32 s8, s9;
	s17 =	sadd.s32 s16, s2  }
0xf: {  	s11 =	ssub.s32 s11, s12;
	p2 =	sne.s32 @!p0 s10, $0x1E;
	s19 =	sadd.s32 $0x2800, s17  }
0x10: {  	s9 =	sshrl.u32 s9, $0x3;
	s20 =	sadd.s32 $0x5000, s17;
	[dreg:$0x4] =	wrdreg s19  }
0x11: {  	s18 =	sshrl.u32 s13, $0x3;
	s21 =	sadd.s32 $0x7800, s17;
	[dreg:$0x5] =	wrdreg s20  }
0x12: {  	s8 =	sadd.s32 $0xA000, s17;
	s26 =	smax.u32 s11, $0x1;
	[dreg:$0x7] =	wrdreg s21  }
0x13: {  	p2 =	por p2, p0;
	s9 =	sadd.s32 s9, s0;
	[dreg:$0x8] =	wrdreg s8  }
0x14: {  	s12 =	sadd.s32 s1, s18;
	[dreg:$0xd] =	wrdreg s26;
	s19 =	simm.s32 $0xB200  }
0x15: {  	s20 =	simm.s32 $0x7;
	s21 =	simm.s32 $0xDA00;
	s26 =	simm.s32 $0x7A00  }
0x16: {  	s0 =	simm.s32 $0x4;
	[dreg:$0x6] =	wrdreg s12;
	s22 =	sadd.s32 $0x9C40, s12  }
0x17: {  	s1 =	simm.s32 $0x6;
	s25 =	sadd.s32 $0x1EE00, s9;
	[dreg:$0x9] =	wrdreg s22  }
0x18: {  	v0 =	vimm.f32 $0.0e+00;
	[dreg:$0xc] =	wrdreg s25;
	s22 =	simm.s32 $0x80;
	s25 =	simm.s32 $0xA200  }
.LBB2_1:
0x19: {  	s8 =	simm.s32 $0x20;
	s9 =	simm.s32 $0x1C0  }
.LBB2_2:
0x1a: {  	p3 =	sne.s32 s9, $0x9F40;
	[tilespmem:s8+$0xDA20] =	vst v0  }
0x1b: {  	[tilespmem:s8+$0xB1E0] =	vst v0  }
0x1c: {  	[tilespmem:s8+$0xB1F0] =	vst v0  }
0x1d: {  	[tilespmem:s8+$0xB200] =	vst v0  }
0x1e: {  	[tilespmem:s8+$0xB210] =	vst v0  }
.Ltmp0:
0x1f: {  	[tilespmem:s8+$0xB220] =	vst v0;
	(pc) =	sbr.rel @p3 .LBB2_2-.Ltmp0, $4  }
0x20: {  	[tilespmem:s8+$0xD9E0] =	vst v0  }
0x21: {  	[tilespmem:s8+$0xD9F0] =	vst v0  }
0x22: {  	[tilespmem:s8+$0xDA00] =	vst v0  }
0x23: {  	[tilespmem:s8+$0xDA10] =	vst v0;
	s8 =	sshra.s32 s9, $0x2;
	s9 =	sadd.s32 $0x140, s9  }
0x24: {  	[tilespmem:s8+$0xDA20] =	vst v0  }
0x25: {  	[tilespmem:s8+$0xB1E0] =	vst v0  }
0x26: {  	[tilespmem:s8+$0xB1F0] =	vst v0  }
0x27: {  	[tilespmem:s8+$0xB200] =	vst v0  }
0x28: {  	[tilespmem:s8+$0xB210] =	vst v0  }
0x29: {  	[tilespmem:s8+$0xB220] =	vst v0  }
0x2a: {  	[tilespmem:s8+$0xD9E0] =	vst v0  }
0x2b: {  	[tilespmem:s8+$0xD9F0] =	vst v0  }
0x2c: {  	[tilespmem:s8+$0xDA00] =	vst v0  }
0x2d: {  	[tilespmem:s8+$0xDA10] =	vst v0  }
0x2e: {  	[spmem:s7] =	stream.linear.scatter [tilespmem:s19], [sflag:$0x7], $0x2800, $0x38;
	[tilespmem:$0x1C780] =	vst v63  }
0x2f: {  	_ =	swait.ge [sflag:s20], $0x2800  }
0x30: {  	[sflag:s20] =	ssyncset.done $0x0  }
0x31: {  	s15 =	rddreg [dreg:$0x4];
	[sflag:s20] =	ssyncadd.s32 $0xFFFFD800  }
0x32: {  	[spmem:s15] =	stream.linear.scatter [tilespmem:s21], [sflag:$0x7], $0x2800, $0x38;
	[tilespmem:$0x1C780] =	vst v63  }
0x33: {  	_ =	swait.ge [sflag:s20], $0x2800  }
0x34: {  	[sflag:s20] =	ssyncset.done $0x0  }
0x35: {  	s16 =	rddreg [dreg:$0x5];
	[sflag:s20] =	ssyncadd.s32 $0xFFFFD800  }
0x36: {  	[spmem:s16] =	stream.linear.scatter [tilespmem:s19], [sflag:$0x7], $0x2800, $0x38;
	[tilespmem:$0x1C780] =	vst v63  }
0x37: {  	_ =	swait.ge [sflag:s20], $0x2800  }
0x38: {  	[sflag:s20] =	ssyncset.done $0x0  }
0x39: {  	s17 =	rddreg [dreg:$0x7];
	[sflag:s20] =	ssyncadd.s32 $0xFFFFD800  }
0x3a: {  	[spmem:s17] =	stream.linear.scatter [tilespmem:s21], [sflag:$0x7], $0x2800, $0x38;
	[tilespmem:$0x1C780] =	vst v63  }
0x3b: {  	_ =	swait.ge [sflag:s20], $0x2800  }
0x3c: {  	[sflag:s20] =	ssyncset.done $0x0  }
0x3d: {  	s18 =	rddreg [dreg:$0x8];
	[sflag:s20] =	ssyncadd.s32 $0xFFFFD800  }
0x3e: {  	[spmem:s18] =	stream.linear.scatter [tilespmem:s19], [sflag:$0x7], $0x2580, $0x38;
	[tilespmem:$0x1C780] =	vst v63  }
0x3f: {  	_ =	swait.ge [sflag:s20], $0x2580  }
0x40: {  	[sflag:s20] =	ssyncset.done $0x0  }
0x41: {  	s8 =	simm.s32 @!p1 $0x0;
	s9 =	rddreg [dreg:$0x6];
	[sflag:s20] =	ssyncadd.s32 $0xFFFFDA80  }
0x42: {  	[tilespmem:s8], [sflag:$0x7] =	stream.linear.gather @!p1 [hbm4b:s9+s8], $0x2900, $0x38;
	[tilespmem:$0x1C780] =	vst v63  }
0x43: {  	s9 =	simm.s32 @!p1 $0x7  }
0x44: {  	_ =	swait.ge @!p1 [sflag:s9], $0x2900  }
0x45: {  	[sflag:s9] =	ssyncset.done @!p1 $0x0  }
0x46: {  	s10 =	simm.s32 @!p1 $0x2900;
	s11 =	rddreg [dreg:$0x9];
	[sflag:s9] =	ssyncadd.s32 @!p1 $0xFFFFD700  }
0x47: {  	[tilespmem:s10], [sflag:$0x7] =	stream.linear.gather @!p1 [hbm4b:s11+s8], $0x2900, $0x38;
	[tilespmem:$0x1C780] =	vst v63  }
0x48: {  	_ =	swait.ge @!p1 [sflag:s9], $0x2900  }
0x49: {  	[sflag:s9] =	ssyncset.done @!p1 $0x0  }
0x4a: {  	s8 =	simm.s32 @p0 $0x0;
	[sflag:s9] =	ssyncadd.s32 @!p1 $0xFFFFD700;
	s9 =	simm.s32 @p0 $0x7  }
0x4b: {  	[tilespmem:s8], [sflag:$0x7] =	stream.linear.gather @p0 [hbm4b:s14+s8], $0x2900, $0x38;
	[tilespmem:$0x1C780] =	vst v63  }
0x4c: {  	_ =	swait.ge @p0 [sflag:s9], $0x2900  }
0x4d: {  	[sflag:s9] =	ssyncset.done @p0 $0x0  }
0x4e: {  	s10 =	simm.s32 @p0 $0x2900;
	[sflag:s9] =	ssyncadd.s32 @p0 $0xFFFFD700  }
0x4f: {  	[tilespmem:s10], [sflag:$0x7] =	stream.linear.gather @p0 [hbm4b:s14+s8], $0x2900, $0x38;
	[tilespmem:$0x1C780] =	vst v63  }
0x50: {  	_ =	swait.ge @p0 [sflag:s9], $0x2900  }
0x51: {  	[sflag:s9] =	ssyncset.done @p0 $0x0  }
0x52: {  	s8 =	simm.s32 @!p2 $0x0;
	[sflag:s9] =	ssyncadd.s32 @p0 $0xFFFFD700;
	s9 =	rddreg [dreg:$0xa]  }
0x53: {  	[tilespmem:s8], [sflag:$0x7] =	stream.linear.gather @!p2 [hbm4b:s9+s8], $0x1400, $0x38;
	[tilespmem:$0x1C780] =	vst v63  }
0x54: {  	s9 =	simm.s32 @!p2 $0x7  }
0x55: {  	_ =	swait.ge @!p2 [sflag:s9], $0x1400  }
0x56: {  	[sflag:s9] =	ssyncset.done @!p2 $0x0  }
0x57: {  	s10 =	simm.s32 @!p2 $0x2900;
	s11 =	rddreg [dreg:$0xb];
	[sflag:s9] =	ssyncadd.s32 @!p2 $0xFFFFEC00  }
0x58: {  	[tilespmem:s10], [sflag:$0x7] =	stream.linear.gather @!p2 [hbm4b:s11+s8], $0x1400, $0x38;
	[tilespmem:$0x1C780] =	vst v63  }
0x59: {  	_ =	swait.ge @!p2 [sflag:s9], $0x1400  }
0x5a: {  	[sflag:s9] =	ssyncset.done @!p2 $0x0  }
0x5b: {  	s10 =	simm.s32 @!p2 $0x1400;
	[sflag:s9] =	ssyncadd.s32 @!p2 $0xFFFFEC00  }
0x5c: {  	[tilespmem:s10], [sflag:$0x7] =	stream.linear.gather @!p2 [hbm4b:s6+s8], $0x1500, $0x38;
	[tilespmem:$0x1C780] =	vst v63  }
0x5d: {  	_ =	swait.ge @!p2 [sflag:s9], $0x1500  }
0x5e: {  	[sflag:s9] =	ssyncset.done @!p2 $0x0  }
0x5f: {  	s10 =	simm.s32 @!p2 $0x3D00;
	[sflag:s9] =	ssyncadd.s32 @!p2 $0xFFFFEB00  }
0x60: {  	[tilespmem:s10], [sflag:$0x7] =	stream.linear.gather @!p2 [hbm4b:s6+s8], $0x1500, $0x38;
	[tilespmem:$0x1C780] =	vst v63  }
0x61: {  	_ =	swait.ge @!p2 [sflag:s9], $0x1500  }
0x62: {  	[sflag:s9] =	ssyncset.done @!p2 $0x0  }
0x63: {  	[sflag:s9] =	ssyncadd.s32 @!p2 $0xFFFFEB00  }
0x64: {  	s8 =	simm.s32 $0x0;
	[bflag:$0x0] =	sbarrier.arrive $0xFFFF  }
0x65: {  	[tilespmem:s23], [sflag:$0x1] =	stream.indirect.gather [hbm4b:s4+s22], $0x50, s8, s22, $0xb8;
	[tilespmem:$0x1C780] =	vst v63  }
0x66: {  	s24 =	simm.s32 $0x2900  }
0x67: {  	[tilespmem:s25], [sflag:$0x3] =	stream.indirect.gather [hbm4b:s5+s22], $0x10, s24, s22, $0xb8;
	[tilespmem:$0x1C780] =	vst v63  }
.LBB2_4:
0x68: {  	s9 =	sshllo.u32 s8, $0x1  }
0x69: {  	s9 =	sshll.u32 s9, $0x7  }
0x6a: {  	[tilespmem:s26], [sflag:$0x2] =	stream.indirect.gather [hbm4b:s4+s22], $0x50, s9, s22, $0xb8;
	[tilespmem:$0x1C780] =	vst v63  }
0x6b: {  	s10 =	sadd.s32 $0x2900, s9  }
0x6c: {  	[tilespmem:s28], [sflag:$0x4] =	stream.indirect.gather [hbm4b:s5+s22], $0x10, s10, s22, $0xb8;
	[tilespmem:$0x1C780] =	vst v63  }
0x6d: {  	_ =	swait.ge [sflag:s29], $0x2800  }
0x6e: {  	[sflag:s29] =	ssyncset.done $0x0  }
0x6f: {  	[sflag:s29] =	ssyncadd.s32 $0xFFFFD800  }
0x70: {  	_ =	swait.ge [sflag:s30], $0x800  }
0x71: {  	p3 =	seq.s32 s8, $0x0;
	[sflag:s30] =	ssyncset.done $0x0  }
0x72: {  	s10 =	simm.s32 @!p3 $0x5;
	[sflag:s30] =	ssyncadd.s32 $0xFFFFF800  }
0x73: {  	_ =	swait.ge @!p3 [sflag:s10], $0x2800  }
0x74: {  	[sflag:s10] =	ssyncset.done @!p3 $0x0  }
0x75: {  	s18 =	simm.s32 $0x5340;
	[sflag:s10] =	ssyncadd.s32 @!p3 $0xFFFFD800  }
0x76: {  	s17 =	simm.s32 $0xA240;
	v1 =	vld [tilespmem:s18+$0x130]  }
0x77: {  	v2 =	vld [tilespmem:s17+$0x30]  }
0x78: {  	v3 =	vld [tilespmem:s17+$0xFFFFFFC0]  }
0x79: {  	v4 =	vld [tilespmem:s18+$0xFFFFFF50]  }
0x7a: {  	v5 =	vld [tilespmem:s17+$0xFFFFFFD0]  }
0x7b: {  	v6 =	vld [tilespmem:s18+$0xFFFFFFA0]  }
0x7c: {  	v7 =	vld [tilespmem:s17+$0xFFFFFFE0]  }
0x7d: {  	v8 =	vld [tilespmem:s17+$0xFFFFFFF0]  }
0x7e: {  	v10 =	vld [tilespmem:s18+$0x40]  }
0x7f: {  	v11 =	vld [tilespmem:s17+$0x0]  }
0x80: {  	s12 =	simm.s32 $0x55C0;
	v12 =	vld [tilespmem:s18+$0xE0]  }
0x81: {  	v17 =	vld [tilespmem:s12+$0x130];
	v1 =	vadd.f32 v2, v1  }
0x82: {  	s24 =	simm.s32 $0xA2C0;
	v2 =	vld [tilespmem:s18+$0xFFFFFFF0]  }
0x83: {  	v18 =	vld [tilespmem:s24+$0x30];
	v9 =	vmul.f32 $2.000000030e-01, v1  }
0x84: {  	v19 =	vld [tilespmem:s24+$0xFFFFFFC0];
	v4 =	vadd.f32 v5, v4  }
0x85: {  	v5 =	vld [tilespmem:s18+$0x90];
	v1 =	vmax.f32 v1, v9  }
0x86: {  	v6 =	vadd.f32 v7, v6;
	v7 =	vld [tilespmem:s17+$0x10];
	v9 =	vmul.f32 $2.000000030e-01, v4;
	v1 =	vmul.f32 $1.442695020e+00, v1  }
0x87: {  	v2 =	vadd.f32 v8, v2;
	v8 =	vld [tilespmem:s17+$0x20]  }
0x88: {  	v4 =	vmax.f32 v4, v9;
	v9 =	vld [tilespmem:s18+$0xFFFFFF00];
	(erf) = vpow2.f32 v1;
	v1 =	vmul.f32 $2.000000030e-01, v6  }
0x89: {  	v20 =	vld [tilespmem:s12+$0xFFFFFF50];
	v10 =	vadd.f32 v11, v10  }
0x8a: {  	v21 =	vld [tilespmem:s24+$0xFFFFFFD0];
	v4 =	vmul.f32 $1.442695020e+00, v4;
	v1 =	vmax.f32 v6, v1;
	v6 =	vmul.f32 $2.000000030e-01, v2  }
0x8b: {  	v22 =	vld [tilespmem:s12+$0xFFFFFFA0];
	v5 =	vadd.f32 v7, v5  }
0x8c: {  	v23 =	vld [tilespmem:s24+$0xFFFFFFE0];
	(erf) = vpow2.f32 v4;
	v2 =	vmax.f32 v2, v6;
	v6 =	vmul.f32 $2.000000030e-01, v10  }
0x8d: {  	v24 =	vld [tilespmem:s24+$0xFFFFFFF0];
	v1 =	vmul.f32 $1.442695020e+00, v1;
	v7 =	vadd.f32 v8, v12;
	v3 =	vadd.f32 v3, v9  }
0x8e: {  	v26 =	vld [tilespmem:s12+$0x40];
	v2 =	vmul.f32 $1.442695020e+00, v2;
	v4 =	vmax.f32 v10, v6;
	v6 =	vmul.f32 $2.000000030e-01, v5  }
0x8f: {  	s15 =	simm.s32 $0x5840;
	v27 =	vld [tilespmem:s24+$0x10];
	v9 =	vmul.f32 $2.000000030e-01, v7;
	(erf) = vpow2.f32 v1  }
0x90: {  	s16 =	simm.s32 $0xA340;
	v33 =	vld [tilespmem:s15+$0x130];
	v8 =	vmul.f32 $1.442695020e+00, v4;
	v1 =	vmax.f32 v5, v6;
	v5 =	vmul.f32 $2.000000030e-01, v3  }
0x91: {  	v34 =	vld [tilespmem:s16+$0x30];
	v4 =	vpop (erf);
	(erf) = vpow2.f32 v2;
	v1 =	vmul.f32 $1.442695020e+00, v1;
	v2 =	vmax.f32 v7, v9  }
0x92: {  	s11 =	simm.s32 $0xB340;
	v35 =	vld [tilespmem:s16+$0xFFFFFFC0];
	(erf) = vpow2.f32 v8;
	v3 =	vmax.f32 v3, v5;
	v2 =	vmul.f32 $1.442695020e+00, v2  }
0x93: {  	v36 =	vld [tilespmem:s15+$0xFFFFFF50];
	[tilespmem:s11+$0x130] =	vst v4;
	(erf) = vpow2.f32 v1;
	v1 =	vmul.f32 $1.442695020e+00, v3  }
0x94: {  	v6 =	vld [tilespmem:s18+$0xF0];
	(erf) = vpow2.f32 v2  }
0x95: {  	v37 =	vld [tilespmem:s16+$0xFFFFFFD0];
	(erf) = vpow2.f32 v1  }
0x96: {  	v38 =	vld [tilespmem:s15+$0xFFFFFFA0]  }
0x97: {  	v56 =	vld [tilespmem:s15+$0xFFFFFFF0]  }
0x98: {  	v57 =	vld [tilespmem:s15+$0x40];
	v5 =	vpop (erf)  }
0x99: {  	v17 =	vadd.f32 v18, v17;
	v18 =	vld [tilespmem:s12+$0xFFFFFFF0];
	[tilespmem:s11+$0xFFFFFF50] =	vst v5;
	v7 =	vpop (erf);
	v1 =	vmul.f32 v4, v6  }
0x9a: {  	v2 =	vld [tilespmem:s18+$0xFFFFFF10];
	[tilespmem:s11+$0xFFFFFFA0] =	vst v7;
	v6 =	vpop (erf)  }
0x9b: {  	v3 =	vld [tilespmem:s18+$0xFFFFFF60];
	[tilespmem:s11+$0xF0] =	vst v1;
	v12 =	vpop (erf)  }
0x9c: {  	v1 =	vld [tilespmem:s18+$0x100];
	[tilespmem:s11+$0xFFFFFFF0] =	vst v6;
	v11 =	vpop (erf)  }
0x9d: {  	v9 =	vld [tilespmem:s18+$0xFFFFFFB0];
	[tilespmem:s11+$0x40] =	vst v12;
	v10 =	vpop (erf)  }
0x9e: {  	v13 =	vld [tilespmem:s18+$0x0];
	[tilespmem:s11+$0xE0] =	vst v10;
	v8 =	vpop (erf)  }
0x9f: {  	[tilespmem:s11+$0xFFFFFF00] =	vst v8;
	v15 =	vld [tilespmem:s18+$0xA0]  }
0xa0: {  	v2 =	vmul.f32 v5, v2;
	[tilespmem:s11+$0x90] =	vst v11;
	v16 =	vld [tilespmem:s18+$0xFFFFFEC0]  }
0xa1: {  	v14 =	vld [tilespmem:s18+$0x50];
	v1 =	vmul.f32 v4, v1  }
0xa2: {  	v20 =	vadd.f32 v21, v20;
	v21 =	vld [tilespmem:s24+$0x0];
	v3 =	vmul.f32 v7, v3;
	[tilespmem:s11+$0xFFFFFF10] =	vst v2  }
0xa3: {  	v22 =	vadd.f32 v23, v22;
	v23 =	vld [tilespmem:s12+$0x90];
	[tilespmem:s11+$0x100] =	vst v1;
	v1 =	vmul.f32 v12, v13  }
0xa4: {  	v25 =	vmul.f32 $2.000000030e-01, v17;
	[tilespmem:s11+$0xFFFFFF60] =	vst v3;
	v2 =	vmul.f32 v6, v9;
	v9 =	vld [tilespmem:s18+$0xFFFFFF20]  }
0xa5: {  	v3 =	vld [tilespmem:s18+$0x110];
	[tilespmem:s11+$0x0] =	vst v1;
	v1 =	vmul.f32 v10, v15;
	v15 =	vmul.f32 v8, v16  }
0xa6: {  	v13 =	vmul.f32 v11, v14;
	v14 =	vld [tilespmem:s18+$0xFFFFFF70]  }
0xa7: {  	v17 =	vmax.f32 v17, v25;
	v16 =	vld [tilespmem:s18+$0x10];
	[tilespmem:s11+$0xFFFFFEC0] =	vst v15  }
0xa8: {  	v25 =	vmul.f32 $2.000000030e-01, v20;
	v17 =	vmul.f32 $1.442695020e+00, v17;
	[tilespmem:s11+$0xFFFFFFB0] =	vst v2;
	v15 =	vld [tilespmem:s18+$0xFFFFFED0]  }
0xa9: {  	v28 =	vmul.f32 $2.000000030e-01, v22;
	v18 =	vadd.f32 v24, v18;
	v24 =	vld [tilespmem:s12+$0xE0];
	[tilespmem:s11+$0x50] =	vst v13;
	v9 =	vmul.f32 v5, v9  }
0xaa: {  	(erf) = vpow2.f32 v17;
	v17 =	vmax.f32 v20, v25;
	v20 =	vld [tilespmem:s24+$0x20];
	[tilespmem:s11+$0xA0] =	vst v1;
	v3 =	vmul.f32 v3, v4  }
0xab: {  	v2 =	vld [tilespmem:s18+$0xFFFFFFC0];
	v14 =	vmul.f32 v7, v14;
	[tilespmem:s11+$0xFFFFFF20] =	vst v9  }
0xac: {  	v22 =	vmax.f32 v22, v28;
	v28 =	vmul.f32 $2.000000030e-01, v18;
	v25 =	vld [tilespmem:s12+$0xFFFFFF00];
	v16 =	vmul.f32 v12, v16;
	[tilespmem:s11+$0x110] =	vst v3  }
0xad: {  	v21 =	vadd.f32 v21, v26;
	v13 =	vld [tilespmem:s18+$0x60];
	v9 =	vmul.f32 $1.442695020e+00, v17;
	[tilespmem:s11+$0xFFFFFF70] =	vst v14;
	v15 =	vmul.f32 v8, v15  }
0xae: {  	v1 =	vld [tilespmem:s18+$0xB0];
	v17 =	vmul.f32 $1.442695020e+00, v22;
	v22 =	vadd.f32 v27, v23;
	[tilespmem:s11+$0x10] =	vst v16  }
0xaf: {  	(erf) = vpow2.f32 v9;
	v14 =	vld [tilespmem:s18+$0x120];
	[tilespmem:s11+$0xFFFFFED0] =	vst v15;
	v15 =	vmax.f32 v18, v28;
	v18 =	vmul.f32 $2.000000030e-01, v21  }
0xb0: {  	v20 =	vadd.f32 v20, v24;
	v2 =	vmul.f32 v6, v2;
	v23 =	vld [tilespmem:s18+$0x20];
	v15 =	vmul.f32 $1.442695020e+00, v15  }
0xb1: {  	v58 =	vld [tilespmem:s15+$0xFFFFFF00];
	(erf) = vpow2.f32 v17;
	v9 =	vmax.f32 v21, v18;
	v18 =	vmul.f32 $2.000000030e-01, v22  }
0xb2: {  	v19 =	vadd.f32 v19, v25;
	v13 =	vmul.f32 v11, v13;
	[tilespmem:s11+$0xFFFFFFC0] =	vst v2;
	v2 =	vld [tilespmem:s18+$0xFFFFFF30];
	(erf) = vpow2.f32 v15  }
0xb3: {  	v17 =	vmul.f32 $2.000000030e-01, v20;
	v3 =	vld [tilespmem:s18+$0xFFFFFEE0];
	v21 =	vmul.f32 $1.442695020e+00, v9;
	v9 =	vmax.f32 v22, v18  }
0xb4: {  	v1 =	vmul.f32 v10, v1;
	v16 =	vld [tilespmem:s18+$0xFFFFFF80];
	[tilespmem:s11+$0x60] =	vst v13;
	v15 =	vmul.f32 $2.000000030e-01, v19  }
0xb5: {  	v17 =	vmax.f32 v20, v17;
	v20 =	vld [tilespmem:s18+$0x70];
	v4 =	vmul.f32 v14, v4;
	v14 =	vmul.f32 v23, v12  }
0xb6: {  	s13 =	simm.s32 $0xB5C0;
	v23 =	vld [tilespmem:s16+$0xFFFFFFE0];
	v22 =	vmul.f32 $1.442695020e+00, v9;
	v13 =	vmax.f32 v19, v15;
	v15 =	vmul.f32 $1.442695020e+00, v17;
	v9 =	vpop (erf)  }
0xb7: {  	v2 =	vmul.f32 v2, v5;
	v18 =	vld [tilespmem:s18+$0xFFFFFFD0];
	[tilespmem:s13+$0x130] =	vst v9  }
0xb8: {  	[tilespmem:s11+$0xB0] =	vst v1;
	(erf) = vpow2.f32 v21;
	v3 =	vmul.f32 v3, v8;
	v17 =	vpop (erf);
	v19 =	vld [tilespmem:s12+$0xF0]  }
0xb9: {  	v1 =	vmul.f32 $1.442695020e+00, v13;
	v13 =	vld [tilespmem:s18+$0xC0];
	(erf) = vpow2.f32 v22;
	[tilespmem:s13+$0xFFFFFF50] =	vst v17  }
0xba: {  	[tilespmem:s11+$0xFFFFFF30] =	vst v2;
	(erf) = vpow2.f32 v15;
	v15 =	vpop (erf);
	v24 =	vld [tilespmem:s12+$0xFFFFFF10]  }
0xbb: {  	v22 =	vld [tilespmem:s18+$0xFFFFFF40];
	[tilespmem:s11+$0xFFFFFEE0] =	vst v3;
	v3 =	vmul.f32 v16, v7;
	(erf) = vpow2.f32 v1;
	v16 =	vpop (erf)  }
0xbc: {  	v21 =	vld [tilespmem:s18+$0xFFFFFEF0];
	v18 =	vmul.f32 v18, v6;
	[tilespmem:s13+$0xFFFFFFF0] =	vst v16  }
0xbd: {  	[tilespmem:s13+$0xFFFFFFA0] =	vst v15;
	v1 =	vmul.f32 v9, v19;
	v27 =	vld [tilespmem:s12+$0xFFFFFFB0]  }
0xbe: {  	v25 =	vld [tilespmem:s12+$0xFFFFFF60];
	[tilespmem:s11+$0xFFFFFFD0] =	vst v18  }
0xbf: {  	v30 =	vld [tilespmem:s18+$0xFFFFFFE0];
	v24 =	vmul.f32 v17, v24;
	[tilespmem:s13+$0xF0] =	vst v1  }
0xc0: {  	[tilespmem:s11+$0xFFFFFF80] =	vst v3;
	v26 =	vld [tilespmem:s12+$0x100]  }
0xc1: {  	v19 =	vld [tilespmem:s18+$0xFFFFFF90];
	[tilespmem:s13+$0xFFFFFF10] =	vst v24;
	v1 =	vpop (erf)  }
0xc2: {  	[tilespmem:s13+$0x40] =	vst v1;
	v3 =	vpop (erf);
	v24 =	vmul.f32 v16, v27;
	v27 =	vld [tilespmem:s12+$0xFFFFFF20]  }
0xc3: {  	v28 =	vld [tilespmem:s12+$0x0];
	[tilespmem:s13+$0x90] =	vst v3;
	v2 =	vpop (erf)  }
0xc4: {  	v25 =	vmul.f32 v15, v25;
	v29 =	vld [tilespmem:s12+$0x50];
	[tilespmem:s13+$0xE0] =	vst v2;
	v18 =	vpop (erf)  }
0xc5: {  	[tilespmem:s13+$0xFFFFFF00] =	vst v18;
	v31 =	vld [tilespmem:s12+$0xA0];
	v26 =	vmul.f32 v9, v26  }
0xc6: {  	[tilespmem:s13+$0xFFFFFF60] =	vst v25;
	v32 =	vld [tilespmem:s12+$0xFFFFFEC0]  }
0xc7: {  	v7 =	vmul.f32 v19, v7;
	v19 =	vld [tilespmem:s16+$0xFFFFFFF0];
	[tilespmem:s13+$0x100] =	vst v26  }
0xc8: {  	[tilespmem:s13+$0xFFFFFFB0] =	vst v24;
	v26 =	vmul.f32 v1, v28;
	v25 =	vld [tilespmem:s12+$0x110]  }
0xc9: {  	v24 =	vld [tilespmem:s12+$0xFFFFFFC0];
	v28 =	vmul.f32 v3, v29  }
0xca: {  	v29 =	vld [tilespmem:s12+$0xFFFFFF70];
	[tilespmem:s13+$0x0] =	vst v26;
	v26 =	vmul.f32 v2, v31  }
0xcb: {  	v8 =	vmul.f32 v21, v8;
	v21 =	vadd.f32 v34, v33;
	v31 =	vmul.f32 v18, v32;
	v55 =	vld [tilespmem:s12+$0x10];
	[tilespmem:s13+$0x50] =	vst v28  }
0xcc: {  	v5 =	vmul.f32 v22, v5;
	v22 =	vmul.f32 v17, v27;
	v28 =	vld [tilespmem:s12+$0x60];
	[tilespmem:s13+$0xA0] =	vst v26  }
0xcd: {  	v27 =	vmul.f32 $2.000000030e-01, v21;
	[tilespmem:s13+$0xFFFFFEC0] =	vst v31;
	v26 =	vld [tilespmem:s12+$0xB0];
	v25 =	vmul.f32 v25, v9  }
0xce: {  	[tilespmem:s11+$0x120] =	vst v4;
	v20 =	vmul.f32 v20, v11;
	v31 =	vld [tilespmem:s12+$0xFFFFFED0]  }
0xcf: {  	v4 =	vmul.f32 v30, v6;
	v21 =	vmax.f32 v21, v27;
	v6 =	vmul.f32 v15, v29;
	v29 =	vld [tilespmem:s16+$0x0];
	[tilespmem:s13+$0x110] =	vst v25  }
0xd0: {  	[tilespmem:s13+$0xFFFFFF20] =	vst v22;
	v22 =	vmul.f32 v16, v24;
	v21 =	vmul.f32 $1.442695020e+00, v21;
	v25 =	vld [tilespmem:s12+$0x120]  }
0xd1: {  	v13 =	vmul.f32 v13, v10;
	v30 =	vld [tilespmem:s16+$0x10];
	v27 =	vadd.f32 v37, v36;
	[tilespmem:s13+$0xFFFFFF70] =	vst v6;
	v6 =	vmul.f32 v1, v55  }
0xd2: {  	v23 =	vadd.f32 v23, v38;
	v24 =	vld [tilespmem:s15+$0x90];
	[tilespmem:s13+$0xFFFFFFC0] =	vst v22;
	(erf) = vpow2.f32 v21;
	v22 =	vmul.f32 v3, v28  }
0xd3: {  	v19 =	vadd.f32 v19, v56;
	v21 =	vld [tilespmem:s16+$0x20];
	[tilespmem:s13+$0x10] =	vst v6;
	v6 =	vmul.f32 $2.000000030e-01, v27;
	v26 =	vmul.f32 v2, v26  }
0xd4: {  	v28 =	vmul.f32 v18, v31;
	v31 =	vld [tilespmem:s15+$0xE0];
	[tilespmem:s13+$0x60] =	vst v22;
	v22 =	vmul.f32 $2.000000030e-01, v23;
	v29 =	vadd.f32 v29, v57  }
0xd5: {  	[tilespmem:s11+$0x20] =	vst v14;
	v6 =	vmax.f32 v27, v6;
	v9 =	vmul.f32 v25, v9;
	v25 =	vmul.f32 $2.000000030e-01, v19  }
0xd6: {  	[tilespmem:s13+$0xB0] =	vst v26;
	v27 =	vld [tilespmem:s12+$0x20];
	v22 =	vmax.f32 v23, v22;
	v6 =	vmul.f32 $1.442695020e+00, v6;
	v26 =	vmul.f32 $2.000000030e-01, v29  }
0xd7: {  	[tilespmem:s13+$0xFFFFFED0] =	vst v28;
	v28 =	vld [tilespmem:s12+$0x70];
	v14 =	vmul.f32 $1.442695020e+00, v22;
	v22 =	vadd.f32 v30, v24;
	v19 =	vmax.f32 v19, v25  }
0xd8: {  	v23 =	vld [tilespmem:s12+$0xFFFFFEE0];
	[tilespmem:s13+$0x120] =	vst v9;
	(erf) = vpow2.f32 v6;
	v9 =	vmul.f32 $1.442695020e+00, v19;
	v19 =	vmax.f32 v29, v26  }
0xd9: {  	[tilespmem:s11+$0x70] =	vst v20;
	v24 =	vld [tilespmem:s12+$0xFFFFFF30];
	v20 =	vmul.f32 $2.000000030e-01, v22;
	v21 =	vadd.f32 v21, v31;
	v26 =	vadd.f32 v35, v58  }
0xda: {  	[tilespmem:s11+$0xC0] =	vst v13;
	v6 =	vld [tilespmem:s12+$0xFFFFFF80];
	(erf) = vpow2.f32 v14;
	v13 =	vmul.f32 $1.442695020e+00, v19  }
0xdb: {  	[tilespmem:s11+$0xFFFFFEF0] =	vst v8;
	v25 =	vld [tilespmem:s12+$0xFFFFFFD0];
	v8 =	vmax.f32 v22, v20;
	v19 =	vmul.f32 $2.000000030e-01, v21;
	v20 =	vmul.f32 $2.000000030e-01, v26  }
0xdc: {  	s17 =	simm.s32 $0xB840;
	[tilespmem:s11+$0xFFFFFF40] =	vst v5;
	v29 =	vld [tilespmem:s12+$0xC0];
	(erf) = vpow2.f32 v9;
	v14 =	vpop (erf);
	v5 =	vmul.f32 $1.442695020e+00, v8  }
0xdd: {  	v22 =	vld [tilespmem:s18+$0xD0];
	[tilespmem:s17+$0x130] =	vst v14;
	(erf) = vpow2.f32 v13;
	v9 =	vmul.f32 v23, v18;
	v8 =	vmax.f32 v21, v19  }
0xde: {  	[tilespmem:s11+$0xFFFFFF90] =	vst v7;
	v7 =	vmax.f32 v26, v20;
	v13 =	vld [tilespmem:s15+$0xF0];
	v8 =	vmul.f32 $1.442695020e+00, v8;
	(erf) = vpow2.f32 v5  }
0xdf: {  	[tilespmem:s11+$0xFFFFFFE0] =	vst v4;
	v19 =	vld [tilespmem:s18+$0x30];
	v5 =	vmul.f32 $1.442695020e+00, v7;
	v7 =	vmul.f32 v24, v17  }
0xe0: {  	v20 =	vld [tilespmem:s18+$0x80];
	[tilespmem:s13+$0xFFFFFEE0] =	vst v9;
	(erf) = vpow2.f32 v8  }
0xe1: {  	v21 =	vld [tilespmem:s12+$0xFFFFFEF0];
	v8 =	vmul.f32 v6, v15;
	[tilespmem:s13+$0xFFFFFF30] =	vst v7;
	(erf) = vpow2.f32 v5;
	v4 =	vpop (erf)  }
0xe2: {  	v23 =	vld [tilespmem:s12+$0xFFFFFF40];
	[tilespmem:s17+$0xFFFFFF50] =	vst v4  }
0xe3: {  	v7 =	vmul.f32 v14, v13;
	v6 =	vpop (erf);
	[tilespmem:s13+$0xFFFFFF80] =	vst v8;
	v24 =	vld [tilespmem:s15+$0xFFFFFF10]  }
0xe4: {  	v13 =	vmul.f32 v25, v16;
	[tilespmem:s17+$0xFFFFFFA0] =	vst v6;
	v26 =	vld [tilespmem:s12+$0xFFFFFF90]  }
0xe5: {  	v30 =	vld [tilespmem:s15+$0xFFFFFF60];
	[tilespmem:s17+$0xF0] =	vst v7  }
0xe6: {  	v5 =	vpop (erf);
	[tilespmem:s13+$0xFFFFFFD0] =	vst v13;
	v31 =	vld [tilespmem:s15+$0x100]  }
0xe7: {  	[tilespmem:s17+$0xFFFFFFF0] =	vst v5;
	v61 =	vld [tilespmem:s12+$0xFFFFFFE0];
	v7 =	vpop (erf)  }
0xe8: {  	v25 =	vld [tilespmem:s15+$0xFFFFFFB0];
	[tilespmem:s17+$0x40] =	vst v7;
	v8 =	vpop (erf)  }
0xe9: {  	v59 =	vld [tilespmem:s15+$0x0];
	[tilespmem:s17+$0x90] =	vst v8;
	v9 =	vpop (erf)  }
0xea: {  	v24 =	vmul.f32 v4, v24;
	v60 =	vld [tilespmem:s15+$0x50];
	[tilespmem:s17+$0xE0] =	vst v9;
	v13 =	vpop (erf)  }
0xeb: {  	v12 =	vmul.f32 v19, v12;
	v19 =	vmul.f32 v14, v31;
	[tilespmem:s17+$0xFFFFFF00] =	vst v13;
	v62 =	vld [tilespmem:s15+$0xA0]  }
0xec: {  	v11 =	vmul.f32 v20, v11;
	v20 =	vmul.f32 v6, v30;
	[tilespmem:s17+$0xFFFFFF10] =	vst v24;
	v24 =	vld [tilespmem:s15+$0xFFFFFEC0]  }
0xed: {  	v18 =	vmul.f32 v21, v18;
	v21 =	vmul.f32 v5, v25;
	v30 =	vld [tilespmem:s15+$0xFFFFFF20];
	[tilespmem:s17+$0x100] =	vst v19  }
0xee: {  	v10 =	vmul.f32 v22, v10;
	[tilespmem:s17+$0xFFFFFF60] =	vst v20;
	v22 =	vmul.f32 v7, v59;
	v31 =	vld [tilespmem:s15+$0x110]  }
0xef: {  	v19 =	vmul.f32 v23, v17;
	v63 =	vld [tilespmem:s15+$0xFFFFFF70];
	[tilespmem:s17+$0xFFFFFFB0] =	vst v21;
	v23 =	vmul.f32 v8, v60  }
0xf0: {  	v20 =	vmul.f32 v27, v1;
	[tilespmem:s17+$0x0] =	vst v22;
	v22 =	vld [tilespmem:s15+$0xFFFFFFC0];
	v27 =	vmul.f32 v9, v62  }
0xf1: {  	v15 =	vmul.f32 v26, v15;
	[tilespmem:s17+$0x50] =	vst v23;
	v25 =	vld [tilespmem:s15+$0x10];
	v24 =	vmul.f32 v13, v24  }
0xf2: {  	v17 =	vmul.f32 v28, v3;
	v28 =	vmul.f32 v4, v30;
	v23 =	vld [tilespmem:s15+$0x60];
	[tilespmem:s17+$0xA0] =	vst v27  }
0xf3: {  	v16 =	vmul.f32 v61, v16;
	v27 =	vmul.f32 v31, v14;
	[tilespmem:s17+$0xFFFFFEC0] =	vst v24;
	v24 =	vld [tilespmem:s15+$0xB0]  }
0xf4: {  	s10 =	simm.s32 $0x10;
	s24 =	simm.s32 $0x5AC0;
	s18 =	sshll.u32 s8, $0x1;
	v21 =	vmul.f32 v29, v2;
	[tilespmem:s17+$0xFFFFFF20] =	vst v28;
	v28 =	vmul.f32 v6, v63;
	v26 =	vld [tilespmem:s15+$0xFFFFFED0]  }
.LBB2_5:
0xf5: {  	v29 =	vld [tilespmem:s24+$0x130];
	v22 =	vmul.f32 v5, v22;
	[tilespmem:s17+$0x110] =	vst v27  }
0xf6: {  	s16 =	sadd.s32 $0x80, s16;
	[tilespmem:s17+$0xFFFFFF70] =	vst v28;
	v25 =	vmul.f32 v7, v25;
	v27 =	vld [tilespmem:s15+$0x120]  }
0xf7: {  	s10 =	sadd.s32 $0x8, s10;
	v28 =	vld [tilespmem:s16+$0x30];
	[tilespmem:s17+$0xFFFFFFC0] =	vst v22;
	v22 =	vmul.f32 v8, v23  }
0xf8: {  	p4 =	slt.u32 s10, $0x78;
	v23 =	vld [tilespmem:s16+$0xFFFFFFC0];
	[tilespmem:s17+$0x10] =	vst v25;
	v24 =	vmul.f32 v9, v24  }
0xf9: {  	v25 =	vld [tilespmem:s24+$0xFFFFFF50];
	v26 =	vmul.f32 v13, v26;
	[tilespmem:s17+$0x60] =	vst v22  }
0xfa: {  	v22 =	vld [tilespmem:s16+$0xFFFFFFD0];
	[tilespmem:s17+$0xB0] =	vst v24  }
0xfb: {  	v24 =	vld [tilespmem:s24+$0xFFFFFFA0];
	[tilespmem:s17+$0xFFFFFED0] =	vst v26;
	v14 =	vmul.f32 v27, v14  }
0xfc: {  	v26 =	vld [tilespmem:s16+$0xFFFFFFE0];
	v27 =	vadd.f32 v28, v29;
	[tilespmem:s13+$0x20] =	vst v20  }
0xfd: {  	v20 =	vld [tilespmem:s24+$0xFFFFFFF0];
	[tilespmem:s17+$0x120] =	vst v14  }
0xfe: {  	v14 =	vld [tilespmem:s16+$0xFFFFFFF0];
	v28 =	vmul.f32 $2.000000030e-01, v27;
	[tilespmem:s13+$0x70] =	vst v17  }
0xff: {  	v17 =	vadd.f32 v22, v25;
	v22 =	vld [tilespmem:s24+$0x40];
	[tilespmem:s13+$0xC0] =	vst v21  }
0x100: {  	v21 =	vld [tilespmem:s16+$0x0];
	v25 =	vmax.f32 v27, v28;
	[tilespmem:s13+$0xFFFFFEF0] =	vst v18  }
0x101: {  	v18 =	vmul.f32 $2.000000030e-01, v17;
	v24 =	vadd.f32 v26, v24;
	v26 =	vld [tilespmem:s24+$0x90];
	v25 =	vmul.f32 $1.442695020e+00, v25;
	[tilespmem:s13+$0xFFFFFF40] =	vst v19  }
0x102: {  	v19 =	vld [tilespmem:s16+$0x10];
	[tilespmem:s13+$0xFFFFFF90] =	vst v15  }
0x103: {  	v15 =	vmul.f32 $2.000000030e-01, v24;
	v14 =	vadd.f32 v14, v20;
	v20 =	vld [tilespmem:s24+$0xE0];
	(erf) = vpow2.f32 v25;
	[tilespmem:s13+$0xFFFFFFE0] =	vst v16  }
0x104: {  	v16 =	vmax.f32 v17, v18;
	v17 =	vld [tilespmem:s16+$0x20];
	[tilespmem:s11+$0x30] =	vst v12  }
0x105: {  	v12 =	vld [tilespmem:s24+$0xFFFFFF00];
	v15 =	vmax.f32 v24, v15;
	v18 =	vmul.f32 $2.000000030e-01, v14;
	v21 =	vadd.f32 v21, v22;
	[tilespmem:s11+$0x80] =	vst v11  }
0x106: {  	v11 =	vmul.f32 $1.442695020e+00, v16;
	v15 =	vmul.f32 $1.442695020e+00, v15;
	v16 =	vld [tilespmem:s15+$0xFFFFFEE0];
	[tilespmem:s11+$0xD0] =	vst v10;
	s11 =	smov.u32 s13;
	s13 =	smov.u32 s17  }
0x107: {  	v10 =	vmax.f32 v14, v18;
	v14 =	vmul.f32 $2.000000030e-01, v21;
	v18 =	vadd.f32 v19, v26;
	v19 =	vld [tilespmem:s15+$0xFFFFFF30]  }
0x108: {  	v10 =	vmul.f32 $1.442695020e+00, v10;
	(erf) = vpow2.f32 v11;
	v11 =	vld [tilespmem:s15+$0xFFFFFF80]  }
0x109: {  	v14 =	vmax.f32 v21, v14;
	v21 =	vmul.f32 $2.000000030e-01, v18;
	v17 =	vadd.f32 v17, v20;
	v20 =	vld [tilespmem:s15+$0xFFFFFFD0]  }
0x10a: {  	v12 =	vadd.f32 v23, v12;
	v22 =	vmul.f32 $1.442695020e+00, v14;
	(erf) = vpow2.f32 v15;
	v15 =	vld [tilespmem:s15+$0x20]  }
0x10b: {  	s17 =	sadd.s32 $0x280, s17;
	v24 =	vmax.f32 v18, v21;
	v18 =	vmul.f32 $2.000000030e-01, v17;
	(erf) = vpow2.f32 v10;
	v10 =	vld [tilespmem:s15+$0x70]  }
0x10c: {  	v21 =	vmul.f32 $2.000000030e-01, v12;
	v23 =	vmul.f32 $1.442695020e+00, v24;
	v14 =	vpop (erf);
	v24 =	vld [tilespmem:s15+$0xC0]  }
0x10d: {  	v16 =	vmul.f32 v16, v13;
	v17 =	vmax.f32 v17, v18;
	[tilespmem:s17+$0x130] =	vst v14;
	(erf) = vpow2.f32 v22;
	v18 =	vld [tilespmem:s12+$0x30]  }
0x10e: {  	v12 =	vmax.f32 v12, v21;
	v17 =	vmul.f32 $1.442695020e+00, v17;
	v21 =	vld [tilespmem:s24+$0xF0];
	(erf) = vpow2.f32 v23  }
0x10f: {  	v12 =	vmul.f32 $1.442695020e+00, v12;
	[tilespmem:s13+$0xFFFFFEE0] =	vst v16;
	v16 =	vmul.f32 v19, v4;
	v19 =	vld [tilespmem:s12+$0x80]  }
0x110: {  	v11 =	vmul.f32 v11, v6;
	(erf) = vpow2.f32 v17;
	v22 =	vld [tilespmem:s15+$0xFFFFFEF0]  }
0x111: {  	(erf) = vpow2.f32 v12;
	v23 =	vpop (erf);
	[tilespmem:s13+$0xFFFFFF30] =	vst v16;
	v16 =	vmul.f32 v20, v5;
	v25 =	vld [tilespmem:s12+$0xD0];
	s12 =	smov.u32 s15;
	s15 =	smov.u32 s24  }
0x112: {  	v17 =	vmul.f32 v10, v8;
	v20 =	vmul.f32 v15, v7;
	[tilespmem:s17+$0xFFFFFF50] =	vst v23;
	v26 =	vld [tilespmem:s12+$0xFFFFFF40]  }
0x113: {  	v15 =	vld [tilespmem:s24+$0xFFFFFF10];
	v10 =	vmul.f32 v14, v21;
	v27 =	vpop (erf);
	[tilespmem:s13+$0xFFFFFF80] =	vst v11;
	v21 =	vmul.f32 v24, v9  }
0x114: {  	v12 =	vmul.f32 v18, v1;
	v1 =	vmov v7;
	[tilespmem:s17+$0xFFFFFFA0] =	vst v27;
	v24 =	vpop (erf);
	v28 =	vld [tilespmem:s12+$0xFFFFFF90];
	v11 =	vmul.f32 v19, v3  }
0x115: {  	v3 =	vmov v8;
	v29 =	vld [tilespmem:s24+$0xFFFFFF60];
	[tilespmem:s17+$0xF0] =	vst v10;
	v18 =	vmul.f32 v22, v13  }
0x116: {  	[tilespmem:s17+$0xFFFFFFF0] =	vst v24;
	v22 =	vld [tilespmem:s24+$0x100];
	v7 =	vpop (erf);
	v10 =	vmul.f32 v25, v2;
	v2 =	vmov v9  }
0x117: {  	v25 =	vld [tilespmem:s24+$0xFFFFFFB0];
	[tilespmem:s17+$0x40] =	vst v7;
	v8 =	vpop (erf);
	v19 =	vmul.f32 v26, v4;
	v4 =	vmov v23  }
0x118: {  	v23 =	vmul.f32 v4, v15;
	v26 =	vld [tilespmem:s24+$0x0];
	[tilespmem:s17+$0x90] =	vst v8  }
0x119: {  	v30 =	vld [tilespmem:s24+$0x50];
	v9 =	vpop (erf);
	v15 =	vmul.f32 v28, v6;
	[tilespmem:s13+$0xFFFFFFD0] =	vst v16;
	v6 =	vmov v27  }
0x11a: {  	v16 =	vmul.f32 v6, v29;
	[tilespmem:s17+$0xE0] =	vst v9;
	v13 =	vpop (erf);
	v27 =	vld [tilespmem:s12+$0xFFFFFFE0]  }
0x11b: {  	[tilespmem:s17+$0xFFFFFF00] =	vst v13;
	v28 =	vld [tilespmem:s24+$0xA0];
	v22 =	vmul.f32 v14, v22  }
0x11c: {  	v29 =	vld [tilespmem:s24+$0xFFFFFEC0];
	[tilespmem:s17+$0xFFFFFF10] =	vst v23;
	v23 =	vmul.f32 v24, v25  }
0x11d: {  	v31 =	vld [tilespmem:s24+$0xFFFFFF20];
	v25 =	vmul.f32 v7, v26;
	[tilespmem:s17+$0x100] =	vst v22  }
0x11e: {  	[tilespmem:s17+$0xFFFFFF60] =	vst v16;
	v26 =	vmul.f32 v8, v30;
	v30 =	vld [tilespmem:s24+$0x110]  }
0x11f: {  	v32 =	vld [tilespmem:s24+$0xFFFFFF70];
	[tilespmem:s17+$0xFFFFFFB0] =	vst v23;
	v16 =	vmul.f32 v27, v5;
	v5 =	vmov v24  }
.Ltmp1:
0x120: {  	v22 =	vld [tilespmem:s24+$0xFFFFFFC0];
	[tilespmem:s17+$0x0] =	vst v25;
	v24 =	vmul.f32 v9, v28;
	(pc) =	sbr.rel @p4 .LBB2_5-.Ltmp1, $4  }
0x121: {  	v27 =	vmul.f32 v13, v29;
	v25 =	vld [tilespmem:s24+$0x10];
	[tilespmem:s17+$0x50] =	vst v26  }
0x122: {  	v28 =	vmul.f32 v4, v31;
	v23 =	vld [tilespmem:s24+$0x60];
	[tilespmem:s17+$0xA0] =	vst v24  }
0x123: {  	[tilespmem:s17+$0xFFFFFEC0] =	vst v27;
	v24 =	vld [tilespmem:s24+$0xB0];
	v27 =	vmul.f32 v30, v14  }
0x124: {  	s24 =	sadd.s32 $0x280, s24;
	v26 =	vld [tilespmem:s15+$0xFFFFFED0];
	[tilespmem:s17+$0xFFFFFF20] =	vst v28;
	v28 =	vmul.f32 v6, v32  }
0x125: {  	[tilespmem:s17+$0x110] =	vst v27  }
0x126: {  	[tilespmem:s13+$0x20] =	vst v20  }
0x127: {  	[tilespmem:s13+$0x70] =	vst v17  }
0x128: {  	[tilespmem:s13+$0xC0] =	vst v21;
	v27 =	vld [tilespmem:s15+$0x120]  }
0x129: {  	v22 =	vmul.f32 v5, v22;
	[tilespmem:s13+$0xFFFFFEF0] =	vst v18  }
0x12a: {  	[tilespmem:s13+$0xFFFFFF90] =	vst v15  }
0x12b: {  	[tilespmem:s17+$0xFFFFFFC0] =	vst v22;
	v22 =	vmul.f32 v8, v23  }
0x12c: {  	[tilespmem:s13+$0xFFFFFFE0] =	vst v16;
	v23 =	vmul.f32 v9, v24;
	v24 =	vmul.f32 v13, v26  }
0x12d: {  	[tilespmem:s11+$0x30] =	vst v12;
	v14 =	vmul.f32 v27, v14  }
0x12e: {  	v17 =	vld [tilespmem:s15+$0xFFFFFF30];
	[tilespmem:s17+$0xFFFFFED0] =	vst v24  }
0x12f: {  	[tilespmem:s17+$0x120] =	vst v14;
	v14 =	vld [tilespmem:s15+$0xFFFFFEE0]  }
0x130: {  	[tilespmem:s17+$0xFFFFFF70] =	vst v28;
	v25 =	vmul.f32 v7, v25  }
0x131: {  	[tilespmem:s11+$0x80] =	vst v11;
	v18 =	vld [tilespmem:s15+$0xFFFFFF80]  }
0x132: {  	[tilespmem:s17+$0x10] =	vst v25  }
0x133: {  	v15 =	vld [tilespmem:s15+$0xFFFFFFD0];
	[tilespmem:s17+$0x60] =	vst v22;
	v16 =	vmul.f32 v17, v4  }
0x134: {  	v12 =	vld [tilespmem:s15+$0x20];
	[tilespmem:s17+$0xB0] =	vst v23;
	v14 =	vmul.f32 v14, v13  }
0x135: {  	v11 =	vld [tilespmem:s15+$0x70];
	[tilespmem:s17+$0xFFFFFF30] =	vst v16  }
0x136: {  	v17 =	vld [tilespmem:s15+$0xC0];
	[tilespmem:s17+$0xFFFFFEE0] =	vst v14;
	v14 =	vmul.f32 v18, v6  }
0x137: {  	[tilespmem:s13+$0xFFFFFF40] =	vst v19;
	v16 =	vld [tilespmem:s15+$0xFFFFFF40]  }
0x138: {  	v15 =	vmul.f32 v15, v5;
	v18 =	vld [tilespmem:s15+$0xFFFFFEF0];
	[tilespmem:s17+$0xFFFFFF80] =	vst v14  }
0x139: {  	[tilespmem:s11+$0xD0] =	vst v10;
	v12 =	vmul.f32 v12, v7;
	v14 =	vld [tilespmem:s15+$0xFFFFFF90]  }
0x13a: {  	[tilespmem:s17+$0xFFFFFFD0] =	vst v15;
	v10 =	vmul.f32 v11, v8;
	v15 =	vld [tilespmem:s12+$0x30]  }
0x13b: {  	v11 =	vld [tilespmem:s15+$0xFFFFFFE0];
	v17 =	vmul.f32 v17, v9;
	[tilespmem:s17+$0x20] =	vst v12  }
0x13c: {  	[tilespmem:s17+$0x70] =	vst v10;
	v10 =	vld [tilespmem:s12+$0xD0];
	v4 =	vmul.f32 v16, v4  }
0x13d: {  	v12 =	vld [tilespmem:s12+$0x80];
	[tilespmem:s17+$0xC0] =	vst v17;
	v13 =	vmul.f32 v18, v13  }
0x13e: {  	[tilespmem:s17+$0xFFFFFF40] =	vst v4;
	v4 =	vld [tilespmem:s15+$0x80];
	v6 =	vmul.f32 v14, v6  }
0x13f: {  	v1 =	vmul.f32 v15, v1;
	[tilespmem:s17+$0xFFFFFEF0] =	vst v13;
	v13 =	vld [tilespmem:s15+$0x30]  }
0x140: {  	v5 =	vmul.f32 v11, v5;
	[tilespmem:s17+$0xFFFFFF90] =	vst v6;
	v6 =	vld [tilespmem:s15+$0xD0]  }
0x141: {  	v2 =	vmul.f32 v10, v2;
	[tilespmem:s13+$0x30] =	vst v1  }
0x142: {  	v3 =	vmul.f32 v12, v3;
	[tilespmem:s17+$0xFFFFFFE0] =	vst v5  }
0x143: {  	[tilespmem:s13+$0xD0] =	vst v2;
	v2 =	vmul.f32 v4, v8  }
0x144: {  	[tilespmem:s13+$0x80] =	vst v3;
	v1 =	vmul.f32 v13, v7  }
0x145: {  	s10 =	sshll.u32 s8, $0x8;
	[tilespmem:s17+$0x80] =	vst v2;
	v3 =	vmul.f32 v6, v9  }
0x146: {  	s10 =	sand.u32 $0x3FFFFF00, s10;
	[tilespmem:s17+$0x30] =	vst v1  }
0x147: {  	s10 =	sadd.s32 $0x2900, s10;
	s15 =	smin.u32 s18, $0x4F;
	[tilespmem:s17+$0xD0] =	vst v3  }
0x148: {  	[spmem:s2] =	stream.indirect.scatter.add.f32 [tilespmem:s19], [sflag:$0x5], $0x50, s10, s22, $0xb8;
	[tilespmem:$0x1C780] =	vst v63  }
0x149: {  	s10 =	sshll.u32 s15, $0x7  }
0x14a: {  	s16 =	sadd.s32 $0x100, s10  }
0x14b: {  	[tilespmem:s23], [sflag:$0x1] =	stream.indirect.gather [hbm4b:s4+s22], $0x50, s16, s22, $0xb8;
	[tilespmem:$0x1C780] =	vst v63  }
0x14c: {  	s10 =	sadd.s32 $0x2A00, s10  }
0x14d: {  	[tilespmem:s25], [sflag:$0x3] =	stream.indirect.gather [hbm4b:s5+s22], $0x10, s10, s22, $0xb8;
	[tilespmem:$0x1C780] =	vst v63  }
0x14e: {  	_ =	swait.ge [sflag:s31], $0x2800  }
0x14f: {  	[sflag:s31] =	ssyncset.done $0x0  }
0x150: {  	[sflag:s31] =	ssyncadd.s32 $0xFFFFD800  }
0x151: {  	_ =	swait.ge [sflag:s0], $0x800  }
0x152: {  	[sflag:s0] =	ssyncset.done $0x0  }
0x153: {  	s10 =	simm.s32 @!p3 $0x6;
	[sflag:s0] =	ssyncadd.s32 $0xFFFFF800  }
0x154: {  	_ =	swait.ge @!p3 [sflag:s10], $0x2800  }
0x155: {  	[sflag:s10] =	ssyncset.done @!p3 $0x0  }
0x156: {  	s18 =	simm.s32 $0x7C70;
	[sflag:s10] =	ssyncadd.s32 @!p3 $0xFFFFD800  }
0x157: {  	s17 =	simm.s32 $0xAA70;
	v1 =	vld [tilespmem:s18+$0x0]  }
0x158: {  	v2 =	vld [tilespmem:s17+$0x0]  }
0x159: {  	v3 =	vld [tilespmem:s17+$0xFFFFFF90]  }
0x15a: {  	v4 =	vld [tilespmem:s18+$0xFFFFFE20]  }
0x15b: {  	v5 =	vld [tilespmem:s17+$0xFFFFFFA0]  }
0x15c: {  	v6 =	vld [tilespmem:s18+$0xFFFFFE70]  }
0x15d: {  	v7 =	vld [tilespmem:s17+$0xFFFFFFB0]  }
0x15e: {  	v8 =	vld [tilespmem:s17+$0xFFFFFFC0]  }
0x15f: {  	v10 =	vld [tilespmem:s18+$0xFFFFFF10]  }
0x160: {  	v11 =	vld [tilespmem:s17+$0xFFFFFFD0]  }
0x161: {  	s12 =	simm.s32 $0x7EF0;
	v12 =	vld [tilespmem:s18+$0xFFFFFFB0]  }
0x162: {  	v17 =	vld [tilespmem:s12+$0x0];
	v1 =	vadd.f32 v2, v1  }
0x163: {  	s24 =	simm.s32 $0xAAF0;
	v2 =	vld [tilespmem:s18+$0xFFFFFEC0]  }
0x164: {  	v18 =	vld [tilespmem:s24+$0x0];
	v9 =	vmul.f32 $2.000000030e-01, v1  }
0x165: {  	v19 =	vld [tilespmem:s24+$0xFFFFFF90];
	v4 =	vadd.f32 v5, v4  }
0x166: {  	v5 =	vld [tilespmem:s18+$0xFFFFFF60];
	v1 =	vmax.f32 v1, v9  }
0x167: {  	v6 =	vadd.f32 v7, v6;
	v7 =	vld [tilespmem:s17+$0xFFFFFFE0];
	v9 =	vmul.f32 $2.000000030e-01, v4;
	v1 =	vmul.f32 $1.442695020e+00, v1  }
0x168: {  	v2 =	vadd.f32 v8, v2;
	v8 =	vld [tilespmem:s17+$0xFFFFFFF0]  }
0x169: {  	v4 =	vmax.f32 v4, v9;
	v9 =	vld [tilespmem:s18+$0xFFFFFDD0];
	(erf) = vpow2.f32 v1;
	v1 =	vmul.f32 $2.000000030e-01, v6  }
0x16a: {  	v20 =	vld [tilespmem:s12+$0xFFFFFE20];
	v10 =	vadd.f32 v11, v10  }
0x16b: {  	v21 =	vld [tilespmem:s24+$0xFFFFFFA0];
	v4 =	vmul.f32 $1.442695020e+00, v4;
	v1 =	vmax.f32 v6, v1;
	v6 =	vmul.f32 $2.000000030e-01, v2  }
0x16c: {  	v22 =	vld [tilespmem:s12+$0xFFFFFE70];
	v5 =	vadd.f32 v7, v5  }
0x16d: {  	v23 =	vld [tilespmem:s24+$0xFFFFFFB0];
	(erf) = vpow2.f32 v4;
	v2 =	vmax.f32 v2, v6;
	v6 =	vmul.f32 $2.000000030e-01, v10  }
0x16e: {  	v24 =	vld [tilespmem:s24+$0xFFFFFFC0];
	v1 =	vmul.f32 $1.442695020e+00, v1;
	v7 =	vadd.f32 v8, v12;
	v3 =	vadd.f32 v3, v9  }
0x16f: {  	v26 =	vld [tilespmem:s12+$0xFFFFFF10];
	v2 =	vmul.f32 $1.442695020e+00, v2;
	v4 =	vmax.f32 v10, v6;
	v6 =	vmul.f32 $2.000000030e-01, v5  }
0x170: {  	s15 =	simm.s32 $0x8170;
	v27 =	vld [tilespmem:s24+$0xFFFFFFE0];
	v9 =	vmul.f32 $2.000000030e-01, v7;
	(erf) = vpow2.f32 v1  }
0x171: {  	s16 =	simm.s32 $0xAB70;
	v33 =	vld [tilespmem:s15+$0x0];
	v8 =	vmul.f32 $1.442695020e+00, v4;
	v1 =	vmax.f32 v5, v6;
	v5 =	vmul.f32 $2.000000030e-01, v3  }
0x172: {  	v34 =	vld [tilespmem:s16+$0x0];
	v4 =	vpop (erf);
	(erf) = vpow2.f32 v2;
	v1 =	vmul.f32 $1.442695020e+00, v1;
	v2 =	vmax.f32 v7, v9  }
0x173: {  	s11 =	simm.s32 $0xDC70;
	v35 =	vld [tilespmem:s16+$0xFFFFFF90];
	(erf) = vpow2.f32 v8;
	v3 =	vmax.f32 v3, v5;
	v2 =	vmul.f32 $1.442695020e+00, v2  }
0x174: {  	v36 =	vld [tilespmem:s15+$0xFFFFFE20];
	[tilespmem:s11+$0x0] =	vst v4;
	(erf) = vpow2.f32 v1;
	v1 =	vmul.f32 $1.442695020e+00, v3  }
0x175: {  	v6 =	vld [tilespmem:s18+$0xFFFFFFC0];
	(erf) = vpow2.f32 v2  }
0x176: {  	v37 =	vld [tilespmem:s16+$0xFFFFFFA0];
	(erf) = vpow2.f32 v1  }
0x177: {  	v38 =	vld [tilespmem:s15+$0xFFFFFE70]  }
0x178: {  	v56 =	vld [tilespmem:s15+$0xFFFFFEC0]  }
0x179: {  	v57 =	vld [tilespmem:s15+$0xFFFFFF10];
	v5 =	vpop (erf)  }
0x17a: {  	v17 =	vadd.f32 v18, v17;
	v18 =	vld [tilespmem:s12+$0xFFFFFEC0];
	[tilespmem:s11+$0xFFFFFE20] =	vst v5;
	v7 =	vpop (erf);
	v1 =	vmul.f32 v4, v6  }
0x17b: {  	v2 =	vld [tilespmem:s18+$0xFFFFFDE0];
	[tilespmem:s11+$0xFFFFFE70] =	vst v7;
	v6 =	vpop (erf)  }
0x17c: {  	v3 =	vld [tilespmem:s18+$0xFFFFFE30];
	[tilespmem:s11+$0xFFFFFFC0] =	vst v1;
	v12 =	vpop (erf)  }
0x17d: {  	v1 =	vld [tilespmem:s18+$0xFFFFFFD0];
	[tilespmem:s11+$0xFFFFFEC0] =	vst v6;
	v11 =	vpop (erf)  }
0x17e: {  	v9 =	vld [tilespmem:s18+$0xFFFFFE80];
	[tilespmem:s11+$0xFFFFFF10] =	vst v12;
	v10 =	vpop (erf)  }
0x17f: {  	v13 =	vld [tilespmem:s18+$0xFFFFFED0];
	[tilespmem:s11+$0xFFFFFFB0] =	vst v10;
	v8 =	vpop (erf)  }
0x180: {  	[tilespmem:s11+$0xFFFFFDD0] =	vst v8;
	v15 =	vld [tilespmem:s18+$0xFFFFFF70]  }
0x181: {  	v2 =	vmul.f32 v5, v2;
	[tilespmem:s11+$0xFFFFFF60] =	vst v11;
	v16 =	vld [tilespmem:s18+$0xFFFFFD90]  }
0x182: {  	v14 =	vld [tilespmem:s18+$0xFFFFFF20];
	v1 =	vmul.f32 v4, v1  }
0x183: {  	v20 =	vadd.f32 v21, v20;
	v21 =	vld [tilespmem:s24+$0xFFFFFFD0];
	v3 =	vmul.f32 v7, v3;
	[tilespmem:s11+$0xFFFFFDE0] =	vst v2  }
0x184: {  	v22 =	vadd.f32 v23, v22;
	v23 =	vld [tilespmem:s12+$0xFFFFFF60];
	[tilespmem:s11+$0xFFFFFFD0] =	vst v1;
	v1 =	vmul.f32 v12, v13  }
0x185: {  	v25 =	vmul.f32 $2.000000030e-01, v17;
	[tilespmem:s11+$0xFFFFFE30] =	vst v3;
	v2 =	vmul.f32 v6, v9;
	v9 =	vld [tilespmem:s18+$0xFFFFFDF0]  }
0x186: {  	v3 =	vld [tilespmem:s18+$0xFFFFFFE0];
	[tilespmem:s11+$0xFFFFFED0] =	vst v1;
	v1 =	vmul.f32 v10, v15;
	v15 =	vmul.f32 v8, v16  }
0x187: {  	v13 =	vmul.f32 v11, v14;
	v14 =	vld [tilespmem:s18+$0xFFFFFE40]  }
0x188: {  	v17 =	vmax.f32 v17, v25;
	v16 =	vld [tilespmem:s18+$0xFFFFFEE0];
	[tilespmem:s11+$0xFFFFFD90] =	vst v15  }
0x189: {  	v25 =	vmul.f32 $2.000000030e-01, v20;
	v17 =	vmul.f32 $1.442695020e+00, v17;
	[tilespmem:s11+$0xFFFFFE80] =	vst v2;
	v15 =	vld [tilespmem:s18+$0xFFFFFDA0]  }
0x18a: {  	v28 =	vmul.f32 $2.000000030e-01, v22;
	v18 =	vadd.f32 v24, v18;
	v24 =	vld [tilespmem:s12+$0xFFFFFFB0];
	[tilespmem:s11+$0xFFFFFF20] =	vst v13;
	v9 =	vmul.f32 v5, v9  }
0x18b: {  	(erf) = vpow2.f32 v17;
	v17 =	vmax.f32 v20, v25;
	v20 =	vld [tilespmem:s24+$0xFFFFFFF0];
	[tilespmem:s11+$0xFFFFFF70] =	vst v1;
	v3 =	vmul.f32 v3, v4  }
0x18c: {  	v2 =	vld [tilespmem:s18+$0xFFFFFE90];
	v14 =	vmul.f32 v7, v14;
	[tilespmem:s11+$0xFFFFFDF0] =	vst v9  }
0x18d: {  	v22 =	vmax.f32 v22, v28;
	v28 =	vmul.f32 $2.000000030e-01, v18;
	v25 =	vld [tilespmem:s12+$0xFFFFFDD0];
	v16 =	vmul.f32 v12, v16;
	[tilespmem:s11+$0xFFFFFFE0] =	vst v3  }
0x18e: {  	v21 =	vadd.f32 v21, v26;
	v13 =	vld [tilespmem:s18+$0xFFFFFF30];
	v9 =	vmul.f32 $1.442695020e+00, v17;
	[tilespmem:s11+$0xFFFFFE40] =	vst v14;
	v15 =	vmul.f32 v8, v15  }
0x18f: {  	v1 =	vld [tilespmem:s18+$0xFFFFFF80];
	v17 =	vmul.f32 $1.442695020e+00, v22;
	v22 =	vadd.f32 v27, v23;
	[tilespmem:s11+$0xFFFFFEE0] =	vst v16  }
0x190: {  	(erf) = vpow2.f32 v9;
	v14 =	vld [tilespmem:s18+$0xFFFFFFF0];
	[tilespmem:s11+$0xFFFFFDA0] =	vst v15;
	v15 =	vmax.f32 v18, v28;
	v18 =	vmul.f32 $2.000000030e-01, v21  }
0x191: {  	v20 =	vadd.f32 v20, v24;
	v2 =	vmul.f32 v6, v2;
	v23 =	vld [tilespmem:s18+$0xFFFFFEF0];
	v15 =	vmul.f32 $1.442695020e+00, v15  }
0x192: {  	v58 =	vld [tilespmem:s15+$0xFFFFFDD0];
	(erf) = vpow2.f32 v17;
	v9 =	vmax.f32 v21, v18;
	v18 =	vmul.f32 $2.000000030e-01, v22  }
0x193: {  	v19 =	vadd.f32 v19, v25;
	v13 =	vmul.f32 v11, v13;
	[tilespmem:s11+$0xFFFFFE90] =	vst v2;
	v2 =	vld [tilespmem:s18+$0xFFFFFE00];
	(erf) = vpow2.f32 v15  }
0x194: {  	v17 =	vmul.f32 $2.000000030e-01, v20;
	v3 =	vld [tilespmem:s18+$0xFFFFFDB0];
	v21 =	vmul.f32 $1.442695020e+00, v9;
	v9 =	vmax.f32 v22, v18  }
0x195: {  	v1 =	vmul.f32 v10, v1;
	v16 =	vld [tilespmem:s18+$0xFFFFFE50];
	[tilespmem:s11+$0xFFFFFF30] =	vst v13;
	v15 =	vmul.f32 $2.000000030e-01, v19  }
0x196: {  	v17 =	vmax.f32 v20, v17;
	v20 =	vld [tilespmem:s18+$0xFFFFFF40];
	v4 =	vmul.f32 v14, v4;
	v14 =	vmul.f32 v23, v12  }
0x197: {  	s13 =	simm.s32 $0xDEF0;
	v23 =	vld [tilespmem:s16+$0xFFFFFFB0];
	v22 =	vmul.f32 $1.442695020e+00, v9;
	v13 =	vmax.f32 v19, v15;
	v15 =	vmul.f32 $1.442695020e+00, v17;
	v9 =	vpop (erf)  }
0x198: {  	v2 =	vmul.f32 v2, v5;
	v18 =	vld [tilespmem:s18+$0xFFFFFEA0];
	[tilespmem:s13+$0x0] =	vst v9  }
0x199: {  	[tilespmem:s11+$0xFFFFFF80] =	vst v1;
	(erf) = vpow2.f32 v21;
	v3 =	vmul.f32 v3, v8;
	v17 =	vpop (erf);
	v19 =	vld [tilespmem:s12+$0xFFFFFFC0]  }
0x19a: {  	v1 =	vmul.f32 $1.442695020e+00, v13;
	v13 =	vld [tilespmem:s18+$0xFFFFFF90];
	(erf) = vpow2.f32 v22;
	[tilespmem:s13+$0xFFFFFE20] =	vst v17  }
0x19b: {  	[tilespmem:s11+$0xFFFFFE00] =	vst v2;
	(erf) = vpow2.f32 v15;
	v15 =	vpop (erf);
	v24 =	vld [tilespmem:s12+$0xFFFFFDE0]  }
0x19c: {  	v22 =	vld [tilespmem:s18+$0xFFFFFE10];
	[tilespmem:s11+$0xFFFFFDB0] =	vst v3;
	v3 =	vmul.f32 v16, v7;
	(erf) = vpow2.f32 v1;
	v16 =	vpop (erf)  }
0x19d: {  	v21 =	vld [tilespmem:s18+$0xFFFFFDC0];
	v18 =	vmul.f32 v18, v6;
	[tilespmem:s13+$0xFFFFFEC0] =	vst v16  }
0x19e: {  	[tilespmem:s13+$0xFFFFFE70] =	vst v15;
	v1 =	vmul.f32 v9, v19;
	v27 =	vld [tilespmem:s12+$0xFFFFFE80]  }
0x19f: {  	v25 =	vld [tilespmem:s12+$0xFFFFFE30];
	[tilespmem:s11+$0xFFFFFEA0] =	vst v18  }
0x1a0: {  	v30 =	vld [tilespmem:s18+$0xFFFFFEB0];
	v24 =	vmul.f32 v17, v24;
	[tilespmem:s13+$0xFFFFFFC0] =	vst v1  }
0x1a1: {  	[tilespmem:s11+$0xFFFFFE50] =	vst v3;
	v26 =	vld [tilespmem:s12+$0xFFFFFFD0]  }
0x1a2: {  	v19 =	vld [tilespmem:s18+$0xFFFFFE60];
	[tilespmem:s13+$0xFFFFFDE0] =	vst v24;
	v1 =	vpop (erf)  }
0x1a3: {  	[tilespmem:s13+$0xFFFFFF10] =	vst v1;
	v3 =	vpop (erf);
	v24 =	vmul.f32 v16, v27;
	v27 =	vld [tilespmem:s12+$0xFFFFFDF0]  }
0x1a4: {  	v28 =	vld [tilespmem:s12+$0xFFFFFED0];
	[tilespmem:s13+$0xFFFFFF60] =	vst v3;
	v2 =	vpop (erf)  }
0x1a5: {  	v25 =	vmul.f32 v15, v25;
	v29 =	vld [tilespmem:s12+$0xFFFFFF20];
	[tilespmem:s13+$0xFFFFFFB0] =	vst v2;
	v18 =	vpop (erf)  }
0x1a6: {  	[tilespmem:s13+$0xFFFFFDD0] =	vst v18;
	v31 =	vld [tilespmem:s12+$0xFFFFFF70];
	v26 =	vmul.f32 v9, v26  }
0x1a7: {  	[tilespmem:s13+$0xFFFFFE30] =	vst v25;
	v32 =	vld [tilespmem:s12+$0xFFFFFD90]  }
0x1a8: {  	v7 =	vmul.f32 v19, v7;
	v19 =	vld [tilespmem:s16+$0xFFFFFFC0];
	[tilespmem:s13+$0xFFFFFFD0] =	vst v26  }
0x1a9: {  	[tilespmem:s13+$0xFFFFFE80] =	vst v24;
	v26 =	vmul.f32 v1, v28;
	v25 =	vld [tilespmem:s12+$0xFFFFFFE0]  }
0x1aa: {  	v24 =	vld [tilespmem:s12+$0xFFFFFE90];
	v28 =	vmul.f32 v3, v29  }
0x1ab: {  	v29 =	vld [tilespmem:s12+$0xFFFFFE40];
	[tilespmem:s13+$0xFFFFFED0] =	vst v26;
	v26 =	vmul.f32 v2, v31  }
0x1ac: {  	v8 =	vmul.f32 v21, v8;
	v21 =	vadd.f32 v34, v33;
	v31 =	vmul.f32 v18, v32;
	v55 =	vld [tilespmem:s12+$0xFFFFFEE0];
	[tilespmem:s13+$0xFFFFFF20] =	vst v28  }
0x1ad: {  	v5 =	vmul.f32 v22, v5;
	v22 =	vmul.f32 v17, v27;
	v28 =	vld [tilespmem:s12+$0xFFFFFF30];
	[tilespmem:s13+$0xFFFFFF70] =	vst v26  }
0x1ae: {  	v27 =	vmul.f32 $2.000000030e-01, v21;
	[tilespmem:s13+$0xFFFFFD90] =	vst v31;
	v26 =	vld [tilespmem:s12+$0xFFFFFF80];
	v25 =	vmul.f32 v25, v9  }
0x1af: {  	[tilespmem:s11+$0xFFFFFFF0] =	vst v4;
	v20 =	vmul.f32 v20, v11;
	v31 =	vld [tilespmem:s12+$0xFFFFFDA0]  }
0x1b0: {  	v4 =	vmul.f32 v30, v6;
	v21 =	vmax.f32 v21, v27;
	v6 =	vmul.f32 v15, v29;
	v29 =	vld [tilespmem:s16+$0xFFFFFFD0];
	[tilespmem:s13+$0xFFFFFFE0] =	vst v25  }
0x1b1: {  	[tilespmem:s13+$0xFFFFFDF0] =	vst v22;
	v22 =	vmul.f32 v16, v24;
	v21 =	vmul.f32 $1.442695020e+00, v21;
	v25 =	vld [tilespmem:s12+$0xFFFFFFF0]  }
0x1b2: {  	v13 =	vmul.f32 v13, v10;
	v30 =	vld [tilespmem:s16+$0xFFFFFFE0];
	v27 =	vadd.f32 v37, v36;
	[tilespmem:s13+$0xFFFFFE40] =	vst v6;
	v6 =	vmul.f32 v1, v55  }
0x1b3: {  	v23 =	vadd.f32 v23, v38;
	v24 =	vld [tilespmem:s15+$0xFFFFFF60];
	[tilespmem:s13+$0xFFFFFE90] =	vst v22;
	(erf) = vpow2.f32 v21;
	v22 =	vmul.f32 v3, v28  }
0x1b4: {  	v19 =	vadd.f32 v19, v56;
	v21 =	vld [tilespmem:s16+$0xFFFFFFF0];
	[tilespmem:s13+$0xFFFFFEE0] =	vst v6;
	v6 =	vmul.f32 $2.000000030e-01, v27;
	v26 =	vmul.f32 v2, v26  }
0x1b5: {  	v28 =	vmul.f32 v18, v31;
	v31 =	vld [tilespmem:s15+$0xFFFFFFB0];
	[tilespmem:s13+$0xFFFFFF30] =	vst v22;
	v22 =	vmul.f32 $2.000000030e-01, v23;
	v29 =	vadd.f32 v29, v57  }
0x1b6: {  	[tilespmem:s11+$0xFFFFFEF0] =	vst v14;
	v6 =	vmax.f32 v27, v6;
	v9 =	vmul.f32 v25, v9;
	v25 =	vmul.f32 $2.000000030e-01, v19  }
0x1b7: {  	[tilespmem:s13+$0xFFFFFF80] =	vst v26;
	v27 =	vld [tilespmem:s12+$0xFFFFFEF0];
	v22 =	vmax.f32 v23, v22;
	v6 =	vmul.f32 $1.442695020e+00, v6;
	v26 =	vmul.f32 $2.000000030e-01, v29  }
0x1b8: {  	[tilespmem:s13+$0xFFFFFDA0] =	vst v28;
	v28 =	vld [tilespmem:s12+$0xFFFFFF40];
	v14 =	vmul.f32 $1.442695020e+00, v22;
	v22 =	vadd.f32 v30, v24;
	v19 =	vmax.f32 v19, v25  }
0x1b9: {  	v23 =	vld [tilespmem:s12+$0xFFFFFDB0];
	[tilespmem:s13+$0xFFFFFFF0] =	vst v9;
	(erf) = vpow2.f32 v6;
	v9 =	vmul.f32 $1.442695020e+00, v19;
	v19 =	vmax.f32 v29, v26  }
0x1ba: {  	[tilespmem:s11+$0xFFFFFF40] =	vst v20;
	v24 =	vld [tilespmem:s12+$0xFFFFFE00];
	v20 =	vmul.f32 $2.000000030e-01, v22;
	v21 =	vadd.f32 v21, v31;
	v26 =	vadd.f32 v35, v58  }
0x1bb: {  	[tilespmem:s11+$0xFFFFFF90] =	vst v13;
	v6 =	vld [tilespmem:s12+$0xFFFFFE50];
	(erf) = vpow2.f32 v14;
	v13 =	vmul.f32 $1.442695020e+00, v19  }
0x1bc: {  	[tilespmem:s11+$0xFFFFFDC0] =	vst v8;
	v25 =	vld [tilespmem:s12+$0xFFFFFEA0];
	v8 =	vmax.f32 v22, v20;
	v19 =	vmul.f32 $2.000000030e-01, v21;
	v20 =	vmul.f32 $2.000000030e-01, v26  }
0x1bd: {  	s17 =	simm.s32 $0xE170;
	[tilespmem:s11+$0xFFFFFE10] =	vst v5;
	v29 =	vld [tilespmem:s12+$0xFFFFFF90];
	(erf) = vpow2.f32 v9;
	v14 =	vpop (erf);
	v5 =	vmul.f32 $1.442695020e+00, v8  }
0x1be: {  	v22 =	vld [tilespmem:s18+$0xFFFFFFA0];
	[tilespmem:s17+$0x0] =	vst v14;
	(erf) = vpow2.f32 v13;
	v9 =	vmul.f32 v23, v18;
	v8 =	vmax.f32 v21, v19  }
0x1bf: {  	[tilespmem:s11+$0xFFFFFE60] =	vst v7;
	v7 =	vmax.f32 v26, v20;
	v13 =	vld [tilespmem:s15+$0xFFFFFFC0];
	v8 =	vmul.f32 $1.442695020e+00, v8;
	(erf) = vpow2.f32 v5  }
0x1c0: {  	[tilespmem:s11+$0xFFFFFEB0] =	vst v4;
	v19 =	vld [tilespmem:s18+$0xFFFFFF00];
	v5 =	vmul.f32 $1.442695020e+00, v7;
	v7 =	vmul.f32 v24, v17  }
0x1c1: {  	v20 =	vld [tilespmem:s18+$0xFFFFFF50];
	[tilespmem:s13+$0xFFFFFDB0] =	vst v9;
	(erf) = vpow2.f32 v8  }
0x1c2: {  	v21 =	vld [tilespmem:s12+$0xFFFFFDC0];
	v8 =	vmul.f32 v6, v15;
	[tilespmem:s13+$0xFFFFFE00] =	vst v7;
	(erf) = vpow2.f32 v5;
	v4 =	vpop (erf)  }
0x1c3: {  	v23 =	vld [tilespmem:s12+$0xFFFFFE10];
	[tilespmem:s17+$0xFFFFFE20] =	vst v4  }
0x1c4: {  	v7 =	vmul.f32 v14, v13;
	v6 =	vpop (erf);
	[tilespmem:s13+$0xFFFFFE50] =	vst v8;
	v24 =	vld [tilespmem:s15+$0xFFFFFDE0]  }
0x1c5: {  	v13 =	vmul.f32 v25, v16;
	[tilespmem:s17+$0xFFFFFE70] =	vst v6;
	v26 =	vld [tilespmem:s12+$0xFFFFFE60]  }
0x1c6: {  	v30 =	vld [tilespmem:s15+$0xFFFFFE30];
	[tilespmem:s17+$0xFFFFFFC0] =	vst v7  }
0x1c7: {  	v5 =	vpop (erf);
	[tilespmem:s13+$0xFFFFFEA0] =	vst v13;
	v31 =	vld [tilespmem:s15+$0xFFFFFFD0]  }
0x1c8: {  	[tilespmem:s17+$0xFFFFFEC0] =	vst v5;
	v61 =	vld [tilespmem:s12+$0xFFFFFEB0];
	v7 =	vpop (erf)  }
0x1c9: {  	v25 =	vld [tilespmem:s15+$0xFFFFFE80];
	[tilespmem:s17+$0xFFFFFF10] =	vst v7;
	v8 =	vpop (erf)  }
0x1ca: {  	v59 =	vld [tilespmem:s15+$0xFFFFFED0];
	[tilespmem:s17+$0xFFFFFF60] =	vst v8;
	v9 =	vpop (erf)  }
0x1cb: {  	v24 =	vmul.f32 v4, v24;
	v60 =	vld [tilespmem:s15+$0xFFFFFF20];
	[tilespmem:s17+$0xFFFFFFB0] =	vst v9;
	v13 =	vpop (erf)  }
0x1cc: {  	v12 =	vmul.f32 v19, v12;
	v19 =	vmul.f32 v14, v31;
	[tilespmem:s17+$0xFFFFFDD0] =	vst v13;
	v62 =	vld [tilespmem:s15+$0xFFFFFF70]  }
0x1cd: {  	v11 =	vmul.f32 v20, v11;
	v20 =	vmul.f32 v6, v30;
	[tilespmem:s17+$0xFFFFFDE0] =	vst v24;
	v24 =	vld [tilespmem:s15+$0xFFFFFD90]  }
0x1ce: {  	v18 =	vmul.f32 v21, v18;
	v21 =	vmul.f32 v5, v25;
	v30 =	vld [tilespmem:s15+$0xFFFFFDF0];
	[tilespmem:s17+$0xFFFFFFD0] =	vst v19  }
0x1cf: {  	v10 =	vmul.f32 v22, v10;
	[tilespmem:s17+$0xFFFFFE30] =	vst v20;
	v22 =	vmul.f32 v7, v59;
	v31 =	vld [tilespmem:s15+$0xFFFFFFE0]  }
0x1d0: {  	v19 =	vmul.f32 v23, v17;
	v63 =	vld [tilespmem:s15+$0xFFFFFE40];
	[tilespmem:s17+$0xFFFFFE80] =	vst v21;
	v23 =	vmul.f32 v8, v60  }
0x1d1: {  	v20 =	vmul.f32 v27, v1;
	[tilespmem:s17+$0xFFFFFED0] =	vst v22;
	v22 =	vld [tilespmem:s15+$0xFFFFFE90];
	v27 =	vmul.f32 v9, v62  }
0x1d2: {  	v15 =	vmul.f32 v26, v15;
	[tilespmem:s17+$0xFFFFFF20] =	vst v23;
	v25 =	vld [tilespmem:s15+$0xFFFFFEE0];
	v24 =	vmul.f32 v13, v24  }
0x1d3: {  	v17 =	vmul.f32 v28, v3;
	v28 =	vmul.f32 v4, v30;
	v23 =	vld [tilespmem:s15+$0xFFFFFF30];
	[tilespmem:s17+$0xFFFFFF70] =	vst v27  }
0x1d4: {  	v16 =	vmul.f32 v61, v16;
	v27 =	vmul.f32 v31, v14;
	[tilespmem:s17+$0xFFFFFD90] =	vst v24;
	v24 =	vld [tilespmem:s15+$0xFFFFFF80]  }
0x1d5: {  	s10 =	simm.s32 $0x10;
	s18 =	simm.s32 $0x83F0;
	v21 =	vmul.f32 v29, v2;
	[tilespmem:s17+$0xFFFFFDF0] =	vst v28;
	v28 =	vmul.f32 v6, v63;
	v26 =	vld [tilespmem:s15+$0xFFFFFDA0]  }
.LBB2_7:
0x1d6: {  	v29 =	vld [tilespmem:s18+$0x0];
	v22 =	vmul.f32 v5, v22;
	[tilespmem:s17+$0xFFFFFFE0] =	vst v27  }
0x1d7: {  	s16 =	sadd.s32 $0x80, s16;
	[tilespmem:s17+$0xFFFFFE40] =	vst v28;
	v25 =	vmul.f32 v7, v25;
	v27 =	vld [tilespmem:s15+$0xFFFFFFF0]  }
0x1d8: {  	s10 =	sadd.s32 $0x8, s10;
	v28 =	vld [tilespmem:s16+$0x0];
	[tilespmem:s17+$0xFFFFFE90] =	vst v22;
	v22 =	vmul.f32 v8, v23  }
0x1d9: {  	p3 =	slt.u32 s10, $0x78;
	v23 =	vld [tilespmem:s16+$0xFFFFFF90];
	[tilespmem:s17+$0xFFFFFEE0] =	vst v25;
	v24 =	vmul.f32 v9, v24  }
0x1da: {  	v25 =	vld [tilespmem:s18+$0xFFFFFE20];
	v26 =	vmul.f32 v13, v26;
	[tilespmem:s17+$0xFFFFFF30] =	vst v22  }
0x1db: {  	v22 =	vld [tilespmem:s16+$0xFFFFFFA0];
	[tilespmem:s17+$0xFFFFFF80] =	vst v24  }
0x1dc: {  	v24 =	vld [tilespmem:s18+$0xFFFFFE70];
	[tilespmem:s17+$0xFFFFFDA0] =	vst v26;
	v14 =	vmul.f32 v27, v14  }
0x1dd: {  	v26 =	vld [tilespmem:s16+$0xFFFFFFB0];
	v27 =	vadd.f32 v28, v29;
	[tilespmem:s13+$0xFFFFFEF0] =	vst v20  }
0x1de: {  	v20 =	vld [tilespmem:s18+$0xFFFFFEC0];
	[tilespmem:s17+$0xFFFFFFF0] =	vst v14  }
0x1df: {  	v14 =	vld [tilespmem:s16+$0xFFFFFFC0];
	v28 =	vmul.f32 $2.000000030e-01, v27;
	[tilespmem:s13+$0xFFFFFF40] =	vst v17  }
0x1e0: {  	v17 =	vadd.f32 v22, v25;
	v22 =	vld [tilespmem:s18+$0xFFFFFF10];
	[tilespmem:s13+$0xFFFFFF90] =	vst v21  }
0x1e1: {  	v21 =	vld [tilespmem:s16+$0xFFFFFFD0];
	v25 =	vmax.f32 v27, v28;
	[tilespmem:s13+$0xFFFFFDC0] =	vst v18  }
0x1e2: {  	v18 =	vmul.f32 $2.000000030e-01, v17;
	v24 =	vadd.f32 v26, v24;
	v26 =	vld [tilespmem:s18+$0xFFFFFF60];
	v25 =	vmul.f32 $1.442695020e+00, v25;
	[tilespmem:s13+$0xFFFFFE10] =	vst v19  }
0x1e3: {  	v19 =	vld [tilespmem:s16+$0xFFFFFFE0];
	[tilespmem:s13+$0xFFFFFE60] =	vst v15  }
0x1e4: {  	v15 =	vmul.f32 $2.000000030e-01, v24;
	v14 =	vadd.f32 v14, v20;
	v20 =	vld [tilespmem:s18+$0xFFFFFFB0];
	(erf) = vpow2.f32 v25;
	[tilespmem:s13+$0xFFFFFEB0] =	vst v16  }
0x1e5: {  	v16 =	vmax.f32 v17, v18;
	v17 =	vld [tilespmem:s16+$0xFFFFFFF0];
	[tilespmem:s11+$0xFFFFFF00] =	vst v12  }
0x1e6: {  	v12 =	vld [tilespmem:s18+$0xFFFFFDD0];
	v15 =	vmax.f32 v24, v15;
	v18 =	vmul.f32 $2.000000030e-01, v14;
	v21 =	vadd.f32 v21, v22;
	[tilespmem:s11+$0xFFFFFF50] =	vst v11  }
0x1e7: {  	v11 =	vmul.f32 $1.442695020e+00, v16;
	v15 =	vmul.f32 $1.442695020e+00, v15;
	v16 =	vld [tilespmem:s15+$0xFFFFFDB0];
	[tilespmem:s11+$0xFFFFFFA0] =	vst v10;
	s11 =	smov.u32 s13;
	s13 =	smov.u32 s17  }
0x1e8: {  	v10 =	vmax.f32 v14, v18;
	v14 =	vmul.f32 $2.000000030e-01, v21;
	v18 =	vadd.f32 v19, v26;
	v19 =	vld [tilespmem:s15+$0xFFFFFE00]  }
0x1e9: {  	v10 =	vmul.f32 $1.442695020e+00, v10;
	(erf) = vpow2.f32 v11;
	v11 =	vld [tilespmem:s15+$0xFFFFFE50]  }
0x1ea: {  	v14 =	vmax.f32 v21, v14;
	v21 =	vmul.f32 $2.000000030e-01, v18;
	v17 =	vadd.f32 v17, v20;
	v20 =	vld [tilespmem:s15+$0xFFFFFEA0]  }
0x1eb: {  	v12 =	vadd.f32 v23, v12;
	v22 =	vmul.f32 $1.442695020e+00, v14;
	(erf) = vpow2.f32 v15;
	v15 =	vld [tilespmem:s15+$0xFFFFFEF0]  }
0x1ec: {  	s17 =	sadd.s32 $0x280, s17;
	v24 =	vmax.f32 v18, v21;
	v18 =	vmul.f32 $2.000000030e-01, v17;
	(erf) = vpow2.f32 v10;
	v10 =	vld [tilespmem:s15+$0xFFFFFF40]  }
0x1ed: {  	v21 =	vmul.f32 $2.000000030e-01, v12;
	v23 =	vmul.f32 $1.442695020e+00, v24;
	v14 =	vpop (erf);
	v24 =	vld [tilespmem:s15+$0xFFFFFF90]  }
0x1ee: {  	v16 =	vmul.f32 v16, v13;
	v17 =	vmax.f32 v17, v18;
	[tilespmem:s17+$0x0] =	vst v14;
	(erf) = vpow2.f32 v22;
	v18 =	vld [tilespmem:s12+$0xFFFFFF00]  }
0x1ef: {  	v12 =	vmax.f32 v12, v21;
	v17 =	vmul.f32 $1.442695020e+00, v17;
	v21 =	vld [tilespmem:s18+$0xFFFFFFC0];
	(erf) = vpow2.f32 v23  }
0x1f0: {  	v12 =	vmul.f32 $1.442695020e+00, v12;
	[tilespmem:s13+$0xFFFFFDB0] =	vst v16;
	v16 =	vmul.f32 v19, v4;
	v19 =	vld [tilespmem:s12+$0xFFFFFF50]  }
0x1f1: {  	v11 =	vmul.f32 v11, v6;
	(erf) = vpow2.f32 v17;
	v22 =	vld [tilespmem:s15+$0xFFFFFDC0]  }
0x1f2: {  	(erf) = vpow2.f32 v12;
	v23 =	vpop (erf);
	[tilespmem:s13+$0xFFFFFE00] =	vst v16;
	v16 =	vmul.f32 v20, v5;
	v25 =	vld [tilespmem:s12+$0xFFFFFFA0];
	s12 =	smov.u32 s15;
	s15 =	smov.u32 s18  }
0x1f3: {  	v17 =	vmul.f32 v10, v8;
	v20 =	vmul.f32 v15, v7;
	[tilespmem:s17+$0xFFFFFE20] =	vst v23;
	v26 =	vld [tilespmem:s12+$0xFFFFFE10]  }
0x1f4: {  	v15 =	vld [tilespmem:s18+$0xFFFFFDE0];
	v10 =	vmul.f32 v14, v21;
	v27 =	vpop (erf);
	[tilespmem:s13+$0xFFFFFE50] =	vst v11;
	v21 =	vmul.f32 v24, v9  }
0x1f5: {  	v12 =	vmul.f32 v18, v1;
	v1 =	vmov v7;
	[tilespmem:s17+$0xFFFFFE70] =	vst v27;
	v24 =	vpop (erf);
	v28 =	vld [tilespmem:s12+$0xFFFFFE60];
	v11 =	vmul.f32 v19, v3  }
0x1f6: {  	v3 =	vmov v8;
	v29 =	vld [tilespmem:s18+$0xFFFFFE30];
	[tilespmem:s17+$0xFFFFFFC0] =	vst v10;
	v18 =	vmul.f32 v22, v13  }
0x1f7: {  	[tilespmem:s17+$0xFFFFFEC0] =	vst v24;
	v22 =	vld [tilespmem:s18+$0xFFFFFFD0];
	v7 =	vpop (erf);
	v10 =	vmul.f32 v25, v2;
	v2 =	vmov v9  }
0x1f8: {  	v25 =	vld [tilespmem:s18+$0xFFFFFE80];
	[tilespmem:s17+$0xFFFFFF10] =	vst v7;
	v8 =	vpop (erf);
	v19 =	vmul.f32 v26, v4;
	v4 =	vmov v23  }
0x1f9: {  	v23 =	vmul.f32 v4, v15;
	v26 =	vld [tilespmem:s18+$0xFFFFFED0];
	[tilespmem:s17+$0xFFFFFF60] =	vst v8  }
0x1fa: {  	v30 =	vld [tilespmem:s18+$0xFFFFFF20];
	v9 =	vpop (erf);
	v15 =	vmul.f32 v28, v6;
	[tilespmem:s13+$0xFFFFFEA0] =	vst v16;
	v6 =	vmov v27  }
0x1fb: {  	v16 =	vmul.f32 v6, v29;
	[tilespmem:s17+$0xFFFFFFB0] =	vst v9;
	v13 =	vpop (erf);
	v27 =	vld [tilespmem:s12+$0xFFFFFEB0]  }
0x1fc: {  	[tilespmem:s17+$0xFFFFFDD0] =	vst v13;
	v28 =	vld [tilespmem:s18+$0xFFFFFF70];
	v22 =	vmul.f32 v14, v22  }
0x1fd: {  	v29 =	vld [tilespmem:s18+$0xFFFFFD90];
	[tilespmem:s17+$0xFFFFFDE0] =	vst v23;
	v23 =	vmul.f32 v24, v25  }
0x1fe: {  	v31 =	vld [tilespmem:s18+$0xFFFFFDF0];
	v25 =	vmul.f32 v7, v26;
	[tilespmem:s17+$0xFFFFFFD0] =	vst v22  }
0x1ff: {  	[tilespmem:s17+$0xFFFFFE30] =	vst v16;
	v26 =	vmul.f32 v8, v30;
	v30 =	vld [tilespmem:s18+$0xFFFFFFE0]  }
0x200: {  	v32 =	vld [tilespmem:s18+$0xFFFFFE40];
	[tilespmem:s17+$0xFFFFFE80] =	vst v23;
	v16 =	vmul.f32 v27, v5;
	v5 =	vmov v24  }
.Ltmp2:
0x201: {  	v22 =	vld [tilespmem:s18+$0xFFFFFE90];
	[tilespmem:s17+$0xFFFFFED0] =	vst v25;
	v24 =	vmul.f32 v9, v28;
	(pc) =	sbr.rel @p3 .LBB2_7-.Ltmp2, $4  }
0x202: {  	v27 =	vmul.f32 v13, v29;
	v25 =	vld [tilespmem:s18+$0xFFFFFEE0];
	[tilespmem:s17+$0xFFFFFF20] =	vst v26  }
0x203: {  	v28 =	vmul.f32 v4, v31;
	v23 =	vld [tilespmem:s18+$0xFFFFFF30];
	[tilespmem:s17+$0xFFFFFF70] =	vst v24  }
0x204: {  	[tilespmem:s17+$0xFFFFFD90] =	vst v27;
	v24 =	vld [tilespmem:s18+$0xFFFFFF80];
	v27 =	vmul.f32 v30, v14  }
0x205: {  	s18 =	sadd.s32 $0x280, s18;
	v26 =	vld [tilespmem:s15+$0xFFFFFDA0];
	[tilespmem:s17+$0xFFFFFDF0] =	vst v28;
	v28 =	vmul.f32 v6, v32  }
0x206: {  	[tilespmem:s17+$0xFFFFFFE0] =	vst v27  }
0x207: {  	[tilespmem:s13+$0xFFFFFEF0] =	vst v20  }
0x208: {  	[tilespmem:s13+$0xFFFFFF40] =	vst v17  }
0x209: {  	[tilespmem:s13+$0xFFFFFF90] =	vst v21  }
0x20a: {  	[tilespmem:s13+$0xFFFFFDC0] =	vst v18  }
0x20b: {  	[tilespmem:s13+$0xFFFFFE10] =	vst v19  }
0x20c: {  	[tilespmem:s13+$0xFFFFFE60] =	vst v15  }
0x20d: {  	[tilespmem:s13+$0xFFFFFEB0] =	vst v16  }
0x20e: {  	[tilespmem:s11+$0xFFFFFF00] =	vst v12  }
0x20f: {  	[tilespmem:s11+$0xFFFFFF50] =	vst v11  }
0x210: {  	v22 =	vmul.f32 v5, v22;
	v43 =	vld [tilespmem:s15+$0xFFFFFE00];
	[tilespmem:s11+$0xFFFFFFA0] =	vst v10  }
0x211: {  	[tilespmem:s17+$0xFFFFFE40] =	vst v28;
	v25 =	vmul.f32 v7, v25;
	v27 =	vld [tilespmem:s15+$0xFFFFFFF0]  }
0x212: {  	v54 =	vld [tilespmem:s12+$0xFFFFFF00];
	[tilespmem:s17+$0xFFFFFE90] =	vst v22;
	v39 =	vmul.f32 v8, v23  }
0x213: {  	v44 =	vld [tilespmem:s15+$0xFFFFFE50];
	[tilespmem:s17+$0xFFFFFEE0] =	vst v25;
	v40 =	vmul.f32 v9, v24  }
0x214: {  	v45 =	vld [tilespmem:s15+$0xFFFFFEA0];
	v41 =	vmul.f32 v13, v26;
	[tilespmem:s17+$0xFFFFFF30] =	vst v39  }
0x215: {  	v46 =	vld [tilespmem:s15+$0xFFFFFEF0];
	[tilespmem:s17+$0xFFFFFF80] =	vst v40;
	v48 =	vmul.f32 v43, v4  }
0x216: {  	v47 =	vld [tilespmem:s15+$0xFFFFFF40];
	[tilespmem:s17+$0xFFFFFDA0] =	vst v41;
	v14 =	vmul.f32 v27, v14  }
0x217: {  	v49 =	vld [tilespmem:s15+$0xFFFFFF90];
	v1 =	vmul.f32 v54, v1;
	[tilespmem:s17+$0xFFFFFE00] =	vst v48  }
0x218: {  	v42 =	vld [tilespmem:s15+$0xFFFFFDB0];
	v50 =	vmul.f32 v44, v6;
	[tilespmem:s17+$0xFFFFFFF0] =	vst v14  }
0x219: {  	v55 =	vld [tilespmem:s12+$0xFFFFFF50];
	v15 =	vmul.f32 v45, v5;
	[tilespmem:s13+$0xFFFFFF00] =	vst v1  }
0x21a: {  	v57 =	vld [tilespmem:s12+$0xFFFFFFA0];
	[tilespmem:s17+$0xFFFFFE50] =	vst v50;
	v12 =	vmul.f32 v46, v7  }
0x21b: {  	v16 =	vld [tilespmem:s15+$0xFFFFFE10];
	[tilespmem:s17+$0xFFFFFEA0] =	vst v15;
	v52 =	vmul.f32 v47, v8  }
0x21c: {  	v53 =	vld [tilespmem:s15+$0xFFFFFEB0];
	v17 =	vmul.f32 v49, v9;
	[tilespmem:s17+$0xFFFFFEF0] =	vst v12  }
0x21d: {  	v14 =	vmul.f32 v42, v13;
	[tilespmem:s17+$0xFFFFFF40] =	vst v52;
	v60 =	vld [tilespmem:s15+$0xFFFFFF00]  }
0x21e: {  	v3 =	vmul.f32 v55, v3;
	[tilespmem:s17+$0xFFFFFF90] =	vst v17;
	v62 =	vld [tilespmem:s15+$0xFFFFFF50]  }
0x21f: {  	v2 =	vmul.f32 v57, v2;
	[tilespmem:s17+$0xFFFFFDB0] =	vst v14;
	v14 =	vld [tilespmem:s15+$0xFFFFFE60]  }
0x220: {  	[tilespmem:s13+$0xFFFFFF50] =	vst v3;
	v58 =	vmul.f32 v16, v4;
	v63 =	vld [tilespmem:s15+$0xFFFFFFA0]  }
0x221: {  	[tilespmem:s13+$0xFFFFFFA0] =	vst v2;
	v51 =	vld [tilespmem:s15+$0xFFFFFDC0];
	v61 =	vmul.f32 v53, v5  }
0x222: {  	[tilespmem:s17+$0xFFFFFE10] =	vst v58;
	v1 =	vmul.f32 v60, v7  }
0x223: {  	s8 =	sadd.s32 $0x1, s8;
	[tilespmem:s17+$0xFFFFFEB0] =	vst v61;
	v2 =	vmul.f32 v62, v8  }
0x224: {  	p3 =	sne.s32 s8, $0x29;
	v59 =	vmul.f32 v14, v6;
	[tilespmem:s17+$0xFFFFFF00] =	vst v1  }
.Ltmp3:
0x225: {  	v3 =	vmul.f32 v63, v9;
	[tilespmem:s17+$0xFFFFFF50] =	vst v2;
	(pc) =	sbr.rel @p3 .LBB2_4-.Ltmp3, $4  }
0x226: {  	v56 =	vmul.f32 v51, v13;
	[tilespmem:s17+$0xFFFFFE60] =	vst v59  }
0x227: {  	s9 =	sand.u32 $0x3FFFFF80, s9;
	[tilespmem:s17+$0xFFFFFFA0] =	vst v3  }
0x228: {  	s9 =	sadd.s32 $0x2900, s9;
	[tilespmem:s17+$0xFFFFFDC0] =	vst v56  }
0x229: {  	[spmem:s2] =	stream.indirect.scatter.add.f32 [tilespmem:s21], [sflag:$0x6], $0x50, s9, s22, $0xb8;
	[tilespmem:$0x1C780] =	vst v63  }
0x22a: {  	_ =	swait.ge [sflag:s29], $0x2800  }
0x22b: {  	[sflag:s29] =	ssyncset.done $0x0  }
0x22c: {  	[sflag:s29] =	ssyncadd.s32 $0xFFFFD800  }
0x22d: {  	_ =	swait.ge [sflag:s30], $0x800  }
0x22e: {  	[sflag:s30] =	ssyncset.done $0x0  }
0x22f: {  	s8 =	simm.s32 $0x5;
	[sflag:s30] =	ssyncadd.s32 $0xFFFFF800  }
0x230: {  	_ =	swait.ge [sflag:s8], $0x2800  }
0x231: {  	[sflag:s8] =	ssyncset.done $0x0  }
0x232: {  	[sflag:s8] =	ssyncadd.s32 $0xFFFFD800  }
0x233: {  	_ =	swait.ge [sflag:s1], $0x2800  }
0x234: {  	[sflag:s1] =	ssyncset.done $0x0  }
0x235: {  	s18 =	stileid.u32;
	[sflag:s1] =	ssyncadd.s32 $0xFFFFD800  }
0x236: {  	s8 =	sshll.u32 s18, $0x6;
	[bflag:$0x0] =	sbarrier.arrive $0xFFFF  }
0x237: {  	s9 =	sshrl.u32 s7, $0x3;
	s8 =	sor.u32 $0x1C07, s8;
	s10 =	rddreg [dreg:$0xc]  }
0x238: {  	[hbm:s10], [sflag:s8] =	dma.local [spmem:s9], $0x18B0  }
0x239: {  	_ =	swait.ge [sflag:s20], $0x18B0  }
0x23a: {  	s3 =	sadd.s32 $0x1, s3;
	s24 =	rddreg [dreg:$0xd]  }
0x23b: {  	p3 =	sne.s32 s3, s24  }
.Ltmp4:
0x23c: {  	_ = 	snop;
	(pc) =	sbr.rel @p3 .LBB2_1-.Ltmp4, $3  }
0x23d: {  	_ =	sdelay $0x1  }
0x23e: {  	[sflag:s20] =	ssyncset.done $0x0  }
0x23f: {  	[sflag:s20] =	ssyncadd.s32 $0xFFFFE750  }
0x240: {  	_ =	sfence.sel $0x180000  }
0x241: {  	[bflag:$0x0] =	sbarrier.arrive $0xFFFF  }
0x242: {  	_ =	strace $0x90000047  }
0x243: {  	s0 =	stileid.u32;
	[bflag:$0x2] =	sbarrier.arrive $0xFFFF  }
0x244: {  	p0 =	sne.s32 s0, $0x0;
	s0 =	rddreg [dreg:$0x3]  }
0x245: {  	s0 =	sadd.s32 @!p0 $0x100000, s0  }
0x246: {  	[sflag:s0] =	ssyncadd.tile.s32 @!p0 $0x1;
	_ =	shalt  }
.Lfunc_end2:
_tile_overlayer_lowered:
.L_overlay_start_2:
0x247: {  	(tag) =	ssettag $0x2  }
0x248: {  	s0 =	rddreg [dreg:$0x0];
	s2 =	stileid.u32  }
0x249: {  	s1 =	rddreg [dreg:$0x1];
	p0 =	sne.s32 s2, $0x0  }
0x24a: {  	s3 =	rddreg [dreg:$0x2];
	[bflag:$0x3] =	sbarrier.arrive $0xFFFF;
	s2 =	simm.s32 @!p0 $0x1C07  }
0x24b: {  	[timem:s3], [sflag:s2] =	dma.local @!p0 [hbm:s0], s1  }
0x24c: {  	s0 =	simm.s32 @!p0 $0x7  }
0x24d: {  	_ =	swait.ge @!p0 [sflag:s0], s1  }
0x24e: {  	s1 =	ssub.s32 @!p0 $0x0, s1;
	[sflag:s0] =	ssyncset.done @!p0 $0x0  }
0x24f: {  	[sflag:s0] =	ssyncadd.s32 @!p0 s1  }
0x250: {  	[bflag:$0x3] =	sbarrier.arrive $0xFFFF  }
0x251: {  	_ =	shalt  }

</sc_bundles>
